<compile_context>
chip_gen: v7x
topology: tpu7x:2x2x1
jax: 0.10.2.dev20260603
libtpu: 0.0.44.dev20260713+nightly
codegen_flags: <defaults>
</compile_context>

<pallas_src>
import functools

import jax
import jax.numpy as jnp
from jax import lax
from jax.experimental import pallas as pl
from jax.experimental.pallas import tpu as pltpu
from jax.experimental.pallas import tpu_sc as plsc

N = 50000
D = 256
G = 128

B_TC = 2048
TBLK = 14
NT = TBLK * B_TC
NS = N - NT

NCORES = 2
NTILES = 16
DC = D // NCORES
LANES = 16
NV = DC // LANES
ROWS_PER_TILE = 1336
OVERLAP = NTILES * ROWS_PER_TILE - NS
CHUNK = 128
NFULL = ROWS_PER_TILE // CHUNK
TAIL = ROWS_PER_TILE - NFULL * CHUNK
NCHUNK = NFULL + 1
KPH = 4
AROWS = G * KPH + 16


def _body(
    feats_hbm, ids_hbm, out_hbm,
    ids_v, fbuf, wbuf, zbuf, acc, sg0, sg1,
):
    cid = lax.axis_index("c")
    sid = lax.axis_index("s")
    col0 = cid * DC
    base = NT + jnp.minimum(sid * ROWS_PER_TILE, NS - ROWS_PER_TILE)
    sgs = (sg0, sg1)

    def gather(j, b, rows=CHUNK):
        return pltpu.make_async_copy(
            feats_hbm.at[pl.ds(base + j * CHUNK, rows), pl.ds(col0, DC)],
            fbuf.at[b] if rows == CHUNK else fbuf.at[b, pl.ds(0, rows)],
            sgs[b],
        )

    gather(0, 0).start()
    gather(1, 1).start()

    zero = jnp.zeros((LANES,), jnp.float32)
    for r in range(2 * KPH):
        for j in range(NV):
            wbuf[r, pl.ds(j * LANES, LANES)] = zero
    for q in range(4):
        pltpu.sync_copy(
            wbuf.at[pl.ds(0, 8)], acc.at[pl.ds(sid * 8 * KPH + q * 8, 8)]
        )

    @pl.when(sid < 2)
    def _():
        pltpu.sync_copy(
            wbuf.at[pl.ds(0, 8)], acc.at[pl.ds(G * KPH + sid * 8, 8)]
        )

    pltpu.sync_copy(ids_hbm.at[sid], ids_v)
    plsc.subcore_barrier()

    def pair_body(k, carry):
        for b in range(2):
            j = 2 * k + b
            gather(j, b).wait()
            pltpu.sync_copy(fbuf.at[b], acc.at[ids_v.at[j]], add=True)

            @pl.when(j + 2 < NFULL)
            def _():
                gather(j + 2, b).start()

        return carry

    lax.fori_loop(0, NFULL // 2, pair_body, 0)

    gather(NFULL, 0, TAIL).start()
    gather(NFULL, 0, TAIL).wait()
    pltpu.sync_copy(fbuf.at[0], acc.at[ids_v.at[NFULL]], add=True)

    plsc.subcore_barrier()

    pltpu.sync_copy(acc.at[pl.ds(sid * 8 * KPH, 8 * KPH)], wbuf)
    for r in range(8):
        for j in range(NV):
            s = wbuf[r * KPH, pl.ds(j * LANES, LANES)]
            for q in range(1, KPH):
                s = s + wbuf[r * KPH + q, pl.ds(j * LANES, LANES)]
            zbuf[r, pl.ds(j * LANES, LANES)] = s
    pltpu.sync_copy(
        zbuf,
        out_hbm.at[pl.ds(sid * 8, 8), pl.ds(col0, DC)],
    )


def _tc_body(ids_ref, feats_ref, out_ref):
    i = pl.program_id(0)
    ids = ids_ref[0, 0, :]
    onehot = (
        lax.broadcasted_iota(jnp.int32, (B_TC, G), 1) == ids[:, None]
    ).astype(jnp.float32)
    part = lax.dot_general(
        onehot,
        feats_ref[...],
        (((0,), (0,)), ((), ())),
        preferred_element_type=jnp.float32,
    )

    @pl.when(i == 0)
    def _():
        out_ref[...] = part

    @pl.when(i > 0)
    def _():
        out_ref[...] = out_ref[...] + part


def kernel(feats, segment_ids, num_segments):
    ids = segment_ids.astype(jnp.int32) + (
        jnp.asarray(num_segments, jnp.int32) - G
    )
    ids_tc = ids[:NT].reshape(TBLK, 1, B_TC)
    ids_sc = ids[NT:]
    main = ids_sc[: (NTILES - 1) * ROWS_PER_TILE].reshape(
        NTILES - 1, ROWS_PER_TILE
    )
    last = ids_sc[NS - ROWS_PER_TILE :]
    last = jnp.where(
        jnp.arange(ROWS_PER_TILE, dtype=jnp.int32) < OVERLAP, G, last
    )
    ids = jnp.concatenate([main, last[None]], axis=0)
    phase = (
        jnp.arange(NTILES * ROWS_PER_TILE, dtype=jnp.int32) % KPH
    ).reshape(NTILES, ROWS_PER_TILE)
    ids = jnp.where(ids >= G, G * KPH, ids * KPH + phase)
    ids = jnp.pad(
        ids,
        ((0, 0), (0, NCHUNK * CHUNK - ROWS_PER_TILE)),
        constant_values=G * KPH,
    )
    ids = ids.reshape(NTILES, NCHUNK, CHUNK)

    mesh = plsc.VectorSubcoreMesh(core_axis_name="c", subcore_axis_name="s")
    run = functools.partial(
        pl.kernel,
        mesh=mesh,
        out_type=jax.ShapeDtypeStruct((G, D), jnp.float32),
        scratch_types=[
            pltpu.VMEM((NCHUNK, CHUNK), jnp.int32),
            pltpu.VMEM((2, CHUNK, DC), jnp.float32),
            pltpu.VMEM((8 * KPH, DC), jnp.float32),
            pltpu.VMEM((8, DC), jnp.float32),
            pltpu.VMEM_SHARED((AROWS, DC), jnp.float32),
            pltpu.SemaphoreType.DMA,
            pltpu.SemaphoreType.DMA,
        ],
    )(_body)
    tc_part = pl.pallas_call(
        _tc_body,
        grid=(TBLK,),
        in_specs=[
            pl.BlockSpec((1, 1, B_TC), lambda i: (i, 0, 0)),
            pl.BlockSpec((B_TC, D), lambda i: (i, 0)),
        ],
        out_specs=pl.BlockSpec((G, D), lambda i: (0, 0)),
        out_shape=jax.ShapeDtypeStruct((G, D), jnp.float32),
        compiler_params=pltpu.CompilerParams(
            dimension_semantics=("arbitrary",),
        ),
    )(ids_tc, feats)
    return run(feats, ids) + tc_part

# --- scband reference (transcript-rebuilt; emitter-appended) ---
"""Pipeline reference for scband-readout-32993938768099 (READ-ONLY COPY).

The authoritative reference and input builder live on the scoring server;
editing this copy changes nothing except your own understanding.
"""

import jax, jax.numpy as jnp
import numpy as np

N = 50000
D = 256
G = 128

def setup_inputs(seed: int = 0) -> dict:
    key = jax.random.key(seed)
    k1, k2 = jax.random.split(key)
    feats = jax.random.normal(k1, (N, D), dtype=jnp.float32)
    segment_ids = jnp.sort(jax.random.randint(k2, (N,), 0, G, dtype=jnp.int64))
    return {"feats": feats, "segment_ids": segment_ids, "num_segments": G}

def reference(feats, segment_ids, num_segments):
    # dgl.sum_nodes(g, 'r'): per-graph sum of node features == segment_sum
    # readout_type='sum' branch of the original module
    segment_ids = segment_ids + (jnp.asarray(num_segments, dtype=segment_ids.dtype) - G)
    out = jax.ops.segment_sum(feats, segment_ids, num_segments=G)
    return out

if __name__ == "__main__":
    import jax
    _d = setup_inputs()
    print(jax.jit(kernel)(*tuple(_d.values())))

</pallas_src>

<mosaic_0001>
#map = affine_map<(d0, d1) -> (0, 0)>
#map1 = affine_map<(d0, d1) -> (0, 0, 0)>
module attributes {stable_mosaic.version = 14 : i64} {
  func.func @_body(%arg0: i32, %arg1: i32, %arg2: memref<50000x256xf32, #tpu.memory_space<hbm>>, %arg3: memref<16x11x128xi32, #tpu.memory_space<hbm>>, %arg4: memref<128x256xf32, #tpu.memory_space<hbm>>, %arg5: memref<11x128xi32, #tpu.memory_space<vmem>>, %arg6: memref<2x128x128xf32, #tpu.memory_space<vmem>>, %arg7: memref<32x128xf32, #tpu.memory_space<vmem>>, %arg8: memref<8x128xf32, #tpu.memory_space<vmem>>, %arg9: memref<528x128xf32, #tpu.memory_space<vmem_shared>>, %arg10: memref<!tpu.dma_semaphore, #tpu.memory_space<semaphore_mem>>, %arg11: memref<!tpu.dma_semaphore, #tpu.memory_space<semaphore_mem>>) attributes {dimension_semantics = [#tpu.dimension_semantics<core_parallel>, #tpu.dimension_semantics<subcore_parallel>], iteration_bounds = array<i64: 2, 16>, scalar_prefetch = 0 : i64, scratch_operands = 7 : i64, tpu.core_type = #tpu.core_type<sc_vector_subcore>, window_params = [{transform_indices = #map}, {transform_indices = #map1}, {transform_indices = #map}]} {
    %mul3A = arith.constant 128 : i32
    %mul3A_0 = arith.muli %arg0, %mul3A : i32
    %mul3A_1 = arith.constant 1336 : i32
    %mul3A_2 = arith.muli %arg1, %mul3A_1 : i32
    %min3A = arith.constant 19992 : i32
    %min3A_3 = arith.minsi %mul3A_2, %min3A : i32
    %add3A = arith.constant 28672 : i32
    %add3A_4 = arith.addi %add3A, %min3A_3 : i32
    %add3A_5 = arith.constant 0 : i32
    %add3A_6 = arith.addi %add3A_4, %add3A_5 : i32
    %dma_start3A = arith.constant 0 : i32
    %dma_start3A_7 = arith.constant 0 : i32
    %dma_start3A_8 = arith.constant 0 : i32
    %dma_start3A_9 = tpu.memref_slice %arg6[%dma_start3A, %dma_start3A_7, %dma_start3A_8] : memref<2x128x128xf32, #tpu.memory_space<vmem>> -> memref<1x128x128xf32, #tpu.memory_space<vmem>>
    %dma_start3A_10 = tpu.memref_squeeze %dma_start3A_9 : memref<1x128x128xf32, #tpu.memory_space<vmem>> -> memref<128x128xf32, #tpu.memory_space<vmem>>
    %dma_start3A_11 = tpu.memref_slice %arg2[%add3A_6, %mul3A_0] : memref<50000x256xf32, #tpu.memory_space<hbm>> -> memref<128x128xf32, #tpu.memory_space<hbm>>
    %dma_start3A_12 = arith.constant 0 : i32
    %dma_start3A_13 = arith.constant 0 : i32
    %dma_start3A_14 = tpu.memref_slice %arg6[%dma_start3A, %dma_start3A_12, %dma_start3A_13] : memref<2x128x128xf32, #tpu.memory_space<vmem>> -> memref<1x128x128xf32, #tpu.memory_space<vmem>>
    %dma_start3A_15 = tpu.memref_squeeze %dma_start3A_14 : memref<1x128x128xf32, #tpu.memory_space<vmem>> -> memref<128x128xf32, #tpu.memory_space<vmem>>
    %dma_start3A_16 = tpu.memref_slice %arg2[%add3A_6, %mul3A_0] : memref<50000x256xf32, #tpu.memory_space<hbm>> -> memref<128x128xf32, #tpu.memory_space<hbm>>
    tpu.enqueue_dma source(%dma_start3A_16 : memref<128x128xf32, #tpu.memory_space<hbm>>) target(%dma_start3A_15 : memref<128x128xf32, #tpu.memory_space<vmem>>) target_semaphore(%arg10 : memref<!tpu.dma_semaphore, #tpu.memory_space<semaphore_mem>>)
    %add3A_17 = arith.constant 128 : i32
    %add3A_18 = arith.addi %add3A_4, %add3A_17 : i32
    %dma_start3A_19 = arith.constant 1 : i32
    %dma_start3A_20 = arith.constant 0 : i32
    %dma_start3A_21 = arith.constant 0 : i32
    %dma_start3A_22 = tpu.memref_slice %arg6[%dma_start3A_19, %dma_start3A_20, %dma_start3A_21] : memref<2x128x128xf32, #tpu.memory_space<vmem>> -> memref<1x128x128xf32, #tpu.memory_space<vmem>>
    %dma_start3A_23 = tpu.memref_squeeze %dma_start3A_22 : memref<1x128x128xf32, #tpu.memory_space<vmem>> -> memref<128x128xf32, #tpu.memory_space<vmem>>
    %dma_start3A_24 = tpu.memref_slice %arg2[%add3A_18, %mul3A_0] : memref<50000x256xf32, #tpu.memory_space<hbm>> -> memref<128x128xf32, #tpu.memory_space<hbm>>
    %dma_start3A_25 = arith.constant 0 : i32
    %dma_start3A_26 = arith.constant 0 : i32
    %dma_start3A_27 = tpu.memref_slice %arg6[%dma_start3A_19, %dma_start3A_25, %dma_start3A_26] : memref<2x128x128xf32, #tpu.memory_space<vmem>> -> memref<1x128x128xf32, #tpu.memory_space<vmem>>
    %dma_start3A_28 = tpu.memref_squeeze %dma_start3A_27 : memref<1x128x128xf32, #tpu.memory_space<vmem>> -> memref<128x128xf32, #tpu.memory_space<vmem>>
    %dma_start3A_29 = tpu.memref_slice %arg2[%add3A_18, %mul3A_0] : memref<50000x256xf32, #tpu.memory_space<hbm>> -> memref<128x128xf32, #tpu.memory_space<hbm>>
    tpu.enqueue_dma source(%dma_start3A_29 : memref<128x128xf32, #tpu.memory_space<hbm>>) target(%dma_start3A_28 : memref<128x128xf32, #tpu.memory_space<vmem>>) target_semaphore(%arg11 : memref<!tpu.dma_semaphore, #tpu.memory_space<semaphore_mem>>)
    %broadcast_in_dim3A = arith.constant 0.000000e+00 : f32
    %broadcast_in_dim3A_30 = vector.broadcast %broadcast_in_dim3A : f32 to vector<16xf32>
    %swap3A = arith.constant 0 : i32
    %swap3A_31 = arith.index_cast %swap3A : i32 to index
    %swap3A_32 = arith.constant 0 : index
    %swap3A_33 = tpu.vector_load %arg7[%swap3A_31, %swap3A_32] {strides = array<i32>} : memref<32x128xf32, #tpu.memory_space<vmem>>, vector<1x16xf32>,
    %swap3A_34 = vector.shape_cast %swap3A_33 : vector<1x16xf32> to vector<16xf32>
    %swap3A_35 = vector.shape_cast %broadcast_in_dim3A_30 : vector<16xf32> to vector<1x16xf32>
    tpu.vector_store %arg7[%swap3A_31, %swap3A_32], %swap3A_35 {strides = array<i32>} : memref<32x128xf32, #tpu.memory_space<vmem>>, vector<1x16xf32>,
    %swap3A_36 = arith.constant 0 : i32
    %swap3A_37 = arith.index_cast %swap3A_36 : i32 to index
    %swap3A_38 = arith.constant 16 : index
    %swap3A_39 = tpu.vector_load %arg7[%swap3A_37, %swap3A_38] {strides = array<i32>} : memref<32x128xf32, #tpu.memory_space<vmem>>, vector<1x16xf32>,
    %swap3A_40 = vector.shape_cast %swap3A_39 : vector<1x16xf32> to vector<16xf32>
    %swap3A_41 = vector.shape_cast %broadcast_in_dim3A_30 : vector<16xf32> to vector<1x16xf32>
    tpu.vector_store %arg7[%swap3A_37, %swap3A_38], %swap3A_41 {strides = array<i32>} : memref<32x128xf32, #tpu.memory_space<vmem>>, vector<1x16xf32>,
    %swap3A_42 = arith.constant 0 : i32
    %swap3A_43 = arith.index_cast %swap3A_42 : i32 to index
    %swap3A_44 = arith.constant 32 : index
    %swap3A_45 = tpu.vector_load %arg7[%swap3A_43, %swap3A_44] {strides = array<i32>} : memref<32x128xf32, #tpu.memory_space<vmem>>, vector<1x16xf32>,
    %swap3A_46 = vector.shape_cast %swap3A_45 : vector<1x16xf32> to vector<16xf32>
    %swap3A_47 = vector.shape_cast %broadcast_in_dim3A_30 : vector<16xf32> to vector<1x16xf32>
    tpu.vector_store %arg7[%swap3A_43, %swap3A_44], %swap3A_47 {strides = array<i32>} : memref<32x128xf32, #tpu.memory_space<vmem>>, vector<1x16xf32>,
    %swap3A_48 = arith.constant 0 : i32
    %swap3A_49 = arith.index_cast %swap3A_48 : i32 to index
    %swap3A_50 = arith.constant 48 : index
    %swap3A_51 = tpu.vector_load %arg7[%swap3A_49, %swap3A_50] {strides = array<i32>} : memref<32x128xf32, #tpu.memory_space<vmem>>, vector<1x16xf32>,
    %swap3A_52 = vector.shape_cast %swap3A_51 : vector<1x16xf32> to vector<16xf32>
    %swap3A_53 = vector.shape_cast %broadcast_in_dim3A_30 : vector<16xf32> to vector<1x16xf32>
    tpu.vector_store %arg7[%swap3A_49, %swap3A_50], %swap3A_53 {strides = array<i32>} : memref<32x128xf32, #tpu.memory_space<vmem>>, vector<1x16xf32>,
    %swap3A_54 = arith.constant 0 : i32
    %swap3A_55 = arith.index_cast %swap3A_54 : i32 to index
    %swap3A_56 = arith.constant 64 : index
    %swap3A_57 = tpu.vector_load %arg7[%swap3A_55, %swap3A_56] {strides = array<i32>} : memref<32x128xf32, #tpu.memory_space<vmem>>, vector<1x16xf32>,
    %swap3A_58 = vector.shape_cast %swap3A_57 : vector<1x16xf32> to vector<16xf32>
    %swap3A_59 = vector.shape_cast %broadcast_in_dim3A_30 : vector<16xf32> to vector<1x16xf32>
    tpu.vector_store %arg7[%swap3A_55, %swap3A_56], %swap3A_59 {strides = array<i32>} : memref<32x128xf32, #tpu.memory_space<vmem>>, vector<1x16xf32>,
    %swap3A_60 = arith.constant 0 : i32
    %swap3A_61 = arith.index_cast %swap3A_60 : i32 to index
    %swap3A_62 = arith.constant 80 : index
    %swap3A_63 = tpu.vector_load %arg7[%swap3A_61, %swap3A_62] {strides = array<i32>} : memref<32x128xf32, #tpu.memory_space<vmem>>, vector<1x16xf32>,
    %swap3A_64 = vector.shape_cast %swap3A_63 : vector<1x16xf32> to vector<16xf32>
    %swap3A_65 = vector.shape_cast %broadcast_in_dim3A_30 : vector<16xf32> to vector<1x16xf32>
    tpu.vector_store %arg7[%swap3A_61, %swap3A_62], %swap3A_65 {strides = array<i32>} : memref<32x128xf32, #tpu.memory_space<vmem>>, vector<1x16xf32>,
    %swap3A_66 = arith.constant 0 : i32
    %swap3A_67 = arith.index_cast %swap3A_66 : i32 to index
    %swap3A_68 = arith.constant 96 : index
    %swap3A_69 = tpu.vector_load %arg7[%swap3A_67, %swap3A_68] {strides = array<i32>} : memref<32x128xf32, #tpu.memory_space<vmem>>, vector<1x16xf32>,
    %swap3A_70 = vector.shape_cast %swap3A_69 : vector<1x16xf32> to vector<16xf32>
    %swap3A_71 = vector.shape_cast %broadcast_in_dim3A_30 : vector<16xf32> to vector<1x16xf32>
    tpu.vector_store %arg7[%swap3A_67, %swap3A_68], %swap3A_71 {strides = array<i32>} : memref<32x128xf32, #tpu.memory_space<vmem>>, vector<1x16xf32>,
    %swap3A_72 = arith.constant 0 : i32
    %swap3A_73 = arith.index_cast %swap3A_72 : i32 to index
    %swap3A_74 = arith.constant 112 : index
    %swap3A_75 = tpu.vector_load %arg7[%swap3A_73, %swap3A_74] {strides = array<i32>} : memref<32x128xf32, #tpu.memory_space<vmem>>, vector<1x16xf32>,
    %swap3A_76 = vector.shape_cast %swap3A_75 : vector<1x16xf32> to vector<16xf32>
    %swap3A_77 = vector.shape_cast %broadcast_in_dim3A_30 : vector<16xf32> to vector<1x16xf32>
    tpu.vector_store %arg7[%swap3A_73, %swap3A_74], %swap3A_77 {strides = array<i32>} : memref<32x128xf32, #tpu.memory_space<vmem>>, vector<1x16xf32>,
    %swap3A_78 = arith.constant 1 : i32
    %swap3A_79 = arith.index_cast %swap3A_78 : i32 to index
    %swap3A_80 = arith.constant 0 : index
    %swap3A_81 = tpu.vector_load %arg7[%swap3A_79, %swap3A_80] {strides = array<i32>} : memref<32x128xf32, #tpu.memory_space<vmem>>, vector<1x16xf32>,
    %swap3A_82 = vector.shape_cast %swap3A_81 : vector<1x16xf32> to vector<16xf32>
    %swap3A_83 = vector.shape_cast %broadcast_in_dim3A_30 : vector<16xf32> to vector<1x16xf32>
    tpu.vector_store %arg7[%swap3A_79, %swap3A_80], %swap3A_83 {strides = array<i32>} : memref<32x128xf32, #tpu.memory_space<vmem>>, vector<1x16xf32>,
    %swap3A_84 = arith.constant 1 : i32
    %swap3A_85 = arith.index_cast %swap3A_84 : i32 to index
    %swap3A_86 = arith.constant 16 : index
    %swap3A_87 = tpu.vector_load %arg7[%swap3A_85, %swap3A_86] {strides = array<i32>} : memref<32x128xf32, #tpu.memory_space<vmem>>, vector<1x16xf32>,
    %swap3A_88 = vector.shape_cast %swap3A_87 : vector<1x16xf32> to vector<16xf32>
    %swap3A_89 = vector.shape_cast %broadcast_in_dim3A_30 : vector<16xf32> to vector<1x16xf32>
    tpu.vector_store %arg7[%swap3A_85, %swap3A_86], %swap3A_89 {strides = array<i32>} : memref<32x128xf32, #tpu.memory_space<vmem>>, vector<1x16xf32>,
    %swap3A_90 = arith.constant 1 : i32
    %swap3A_91 = arith.index_cast %swap3A_90 : i32 to index
    %swap3A_92 = arith.constant 32 : index
    %swap3A_93 = tpu.vector_load %arg7[%swap3A_91, %swap3A_92] {strides = array<i32>} : memref<32x128xf32, #tpu.memory_space<vmem>>, vector<1x16xf32>,
    %swap3A_94 = vector.shape_cast %swap3A_93 : vector<1x16xf32> to vector<16xf32>
    %swap3A_95 = vector.shape_cast %broadcast_in_dim3A_30 : vector<16xf32> to vector<1x16xf32>
    tpu.vector_store %arg7[%swap3A_91, %swap3A_92], %swap3A_95 {strides = array<i32>} : memref<32x128xf32, #tpu.memory_space<vmem>>, vector<1x16xf32>,
    %swap3A_96 = arith.constant 1 : i32
    %swap3A_97 = arith.index_cast %swap3A_96 : i32 to index
    %swap3A_98 = arith.constant 48 : index
    %swap3A_99 = tpu.vector_load %arg7[%swap3A_97, %swap3A_98] {strides = array<i32>} : memref<32x128xf32, #tpu.memory_space<vmem>>, vector<1x16xf32>,
    %swap3A_100 = vector.shape_cast %swap3A_99 : vector<1x16xf32> to vector<16xf32>
    %swap3A_101 = vector.shape_cast %broadcast_in_dim3A_30 : vector<16xf32> to vector<1x16xf32>
    tpu.vector_store %arg7[%swap3A_97, %swap3A_98], %swap3A_101 {strides = array<i32>} : memref<32x128xf32, #tpu.memory_space<vmem>>, vector<1x16xf32>,
    %swap3A_102 = arith.constant 1 : i32
    %swap3A_103 = arith.index_cast %swap3A_102 : i32 to index
    %swap3A_104 = arith.constant 64 : index
    %swap3A_105 = tpu.vector_load %arg7[%swap3A_103, %swap3A_104] {strides = array<i32>} : memref<32x128xf32, #tpu.memory_space<vmem>>, vector<1x16xf32>,
    %swap3A_106 = vector.shape_cast %swap3A_105 : vector<1x16xf32> to vector<16xf32>
    %swap3A_107 = vector.shape_cast %broadcast_in_dim3A_30 : vector<16xf32> to vector<1x16xf32>
    tpu.vector_store %arg7[%swap3A_103, %swap3A_104], %swap3A_107 {strides = array<i32>} : memref<32x128xf32, #tpu.memory_space<vmem>>, vector<1x16xf32>,
    %swap3A_108 = arith.constant 1 : i32
    %swap3A_109 = arith.index_cast %swap3A_108 : i32 to index
    %swap3A_110 = arith.constant 80 : index
    %swap3A_111 = tpu.vector_load %arg7[%swap3A_109, %swap3A_110] {strides = array<i32>} : memref<32x128xf32, #tpu.memory_space<vmem>>, vector<1x16xf32>,
    %swap3A_112 = vector.shape_cast %swap3A_111 : vector<1x16xf32> to vector<16xf32>
    %swap3A_113 = vector.shape_cast %broadcast_in_dim3A_30 : vector<16xf32> to vector<1x16xf32>
    tpu.vector_store %arg7[%swap3A_109, %swap3A_110], %swap3A_113 {strides = array<i32>} : memref<32x128xf32, #tpu.memory_space<vmem>>, vector<1x16xf32>,
    %swap3A_114 = arith.constant 1 : i32
    %swap3A_115 = arith.index_cast %swap3A_114 : i32 to index
    %swap3A_116 = arith.constant 96 : index
    %swap3A_117 = tpu.vector_load %arg7[%swap3A_115, %swap3A_116] {strides = array<i32>} : memref<32x128xf32, #tpu.memory_space<vmem>>, vector<1x16xf32>,
    %swap3A_118 = vector.shape_cast %swap3A_117 : vector<1x16xf32> to vector<16xf32>
    %swap3A_119 = vector.shape_cast %broadcast_in_dim3A_30 : vector<16xf32> to vector<1x16xf32>
    tpu.vector_store %arg7[%swap3A_115, %swap3A_116], %swap3A_119 {strides = array<i32>} : memref<32x128xf32, #tpu.memory_space<vmem>>, vector<1x16xf32>,
    %swap3A_120 = arith.constant 1 : i32
    %swap3A_121 = arith.index_cast %swap3A_120 : i32 to index
    %swap3A_122 = arith.constant 112 : index
    %swap3A_123 = tpu.vector_load %arg7[%swap3A_121, %swap3A_122] {strides = array<i32>} : memref<32x128xf32, #tpu.memory_space<vmem>>, vector<1x16xf32>,
    %swap3A_124 = vector.shape_cast %swap3A_123 : vector<1x16xf32> to vector<16xf32>
    %swap3A_125 = vector.shape_cast %broadcast_in_dim3A_30 : vector<16xf32> to vector<1x16xf32>
    tpu.vector_store %arg7[%swap3A_121, %swap3A_122], %swap3A_125 {strides = array<i32>} : memref<32x128xf32, #tpu.memory_space<vmem>>, vector<1x16xf32>,
    %swap3A_126 = arith.constant 2 : i32
    %swap3A_127 = arith.index_cast %swap3A_126 : i32 to index
    %swap3A_128 = arith.constant 0 : index
    %swap3A_129 = tpu.vector_load %arg7[%swap3A_127, %swap3A_128] {strides = array<i32>} : memref<32x128xf32, #tpu.memory_space<vmem>>, vector<1x16xf32>,
    %swap3A_130 = vector.shape_cast %swap3A_129 : vector<1x16xf32> to vector<16xf32>
    %swap3A_131 = vector.shape_cast %broadcast_in_dim3A_30 : vector<16xf32> to vector<1x16xf32>
    tpu.vector_store %arg7[%swap3A_127, %swap3A_128], %swap3A_131 {strides = array<i32>} : memref<32x128xf32, #tpu.memory_space<vmem>>, vector<1x16xf32>,
    %swap3A_132 = arith.constant 2 : i32
    %swap3A_133 = arith.index_cast %swap3A_132 : i32 to index
    %swap3A_134 = arith.constant 16 : index
    %swap3A_135 = tpu.vector_load %arg7[%swap3A_133, %swap3A_134] {strides = array<i32>} : memref<32x128xf32, #tpu.memory_space<vmem>>, vector<1x16xf32>,
    %swap3A_136 = vector.shape_cast %swap3A_135 : vector<1x16xf32> to vector<16xf32>
    %swap3A_137 = vector.shape_cast %broadcast_in_dim3A_30 : vector<16xf32> to vector<1x16xf32>
    tpu.vector_store %arg7[%swap3A_133, %swap3A_134], %swap3A_137 {strides = array<i32>} : memref<32x128xf32, #tpu.memory_space<vmem>>, vector<1x16xf32>,
    %swap3A_138 = arith.constant 2 : i32
    %swap3A_139 = arith.index_cast %swap3A_138 : i32 to index
    %swap3A_140 = arith.constant 32 : index
    %swap3A_141 = tpu.vector_load %arg7[%swap3A_139, %swap3A_140] {strides = array<i32>} : memref<32x128xf32, #tpu.memory_space<vmem>>, vector<1x16xf32>,
    %swap3A_142 = vector.shape_cast %swap3A_141 : vector<1x16xf32> to vector<16xf32>
    %swap3A_143 = vector.shape_cast %broadcast_in_dim3A_30 : vector<16xf32> to vector<1x16xf32>
    tpu.vector_store %arg7[%swap3A_139, %swap3A_140], %swap3A_143 {strides = array<i32>} : memref<32x128xf32, #tpu.memory_space<vmem>>, vector<1x16xf32>,
    %swap3A_144 = arith.constant 2 : i32
    %swap3A_145 = arith.index_cast %swap3A_144 : i32 to index
    %swap3A_146 = arith.constant 48 : index
    %swap3A_147 = tpu.vector_load %arg7[%swap3A_145, %swap3A_146] {strides = array<i32>} : memref<32x128xf32, #tpu.memory_space<vmem>>, vector<1x16xf32>,
    %swap3A_148 = vector.shape_cast %swap3A_147 : vector<1x16xf32> to vector<16xf32>
    %swap3A_149 = vector.shape_cast %broadcast_in_dim3A_30 : vector<16xf32> to vector<1x16xf32>
    tpu.vector_store %arg7[%swap3A_145, %swap3A_146], %swap3A_149 {strides = array<i32>} : memref<32x128xf32, #tpu.memory_space<vmem>>, vector<1x16xf32>,
    %swap3A_150 = arith.constant 2 : i32
    %swap3A_151 = arith.index_cast %swap3A_150 : i32 to index
    %swap3A_152 = arith.constant 64 : index
    %swap3A_153 = tpu.vector_load %arg7[%swap3A_151, %swap3A_152] {strides = array<i32>} : memref<32x128xf32, #tpu.memory_space<vmem>>, vector<1x16xf32>,
    %swap3A_154 = vector.shape_cast %swap3A_153 : vector<1x16xf32> to vector<16xf32>
    %swap3A_155 = vector.shape_cast %broadcast_in_dim3A_30 : vector<16xf32> to vector<1x16xf32>
    tpu.vector_store %arg7[%swap3A_151, %swap3A_152], %swap3A_155 {strides = array<i32>} : memref<32x128xf32, #tpu.memory_space<vmem>>, vector<1x16xf32>,
    %swap3A_156 = arith.constant 2 : i32
    %swap3A_157 = arith.index_cast %swap3A_156 : i32 to index
    %swap3A_158 = arith.constant 80 : index
    %swap3A_159 = tpu.vector_load %arg7[%swap3A_157, %swap3A_158] {strides = array<i32>} : memref<32x128xf32, #tpu.memory_space<vmem>>, vector<1x16xf32>,
    %swap3A_160 = vector.shape_cast %swap3A_159 : vector<1x16xf32> to vector<16xf32>
    %swap3A_161 = vector.shape_cast %broadcast_in_dim3A_30 : vector<16xf32> to vector<1x16xf32>
    tpu.vector_store %arg7[%swap3A_157, %swap3A_158], %swap3A_161 {strides = array<i32>} : memref<32x128xf32, #tpu.memory_space<vmem>>, vector<1x16xf32>,
    %swap3A_162 = arith.constant 2 : i32
    %swap3A_163 = arith.index_cast %swap3A_162 : i32 to index
    %swap3A_164 = arith.constant 96 : index
    %swap3A_165 = tpu.vector_load %arg7[%swap3A_163, %swap3A_164] {strides = array<i32>} : memref<32x128xf32, #tpu.memory_space<vmem>>, vector<1x16xf32>,
    %swap3A_166 = vector.shape_cast %swap3A_165 : vector<1x16xf32> to vector<16xf32>
    %swap3A_167 = vector.shape_cast %broadcast_in_dim3A_30 : vector<16xf32> to vector<1x16xf32>
    tpu.vector_store %arg7[%swap3A_163, %swap3A_164], %swap3A_167 {strides = array<i32>} : memref<32x128xf32, #tpu.memory_space<vmem>>, vector<1x16xf32>,
    %swap3A_168 = arith.constant 2 : i32
    %swap3A_169 = arith.index_cast %swap3A_168 : i32 to index
    %swap3A_170 = arith.constant 112 : index
    %swap3A_171 = tpu.vector_load %arg7[%swap3A_169, %swap3A_170] {strides = array<i32>} : memref<32x128xf32, #tpu.memory_space<vmem>>, vector<1x16xf32>,
    %swap3A_172 = vector.shape_cast %swap3A_171 : vector<1x16xf32> to vector<16xf32>
    %swap3A_173 = vector.shape_cast %broadcast_in_dim3A_30 : vector<16xf32> to vector<1x16xf32>
    tpu.vector_store %arg7[%swap3A_169, %swap3A_170], %swap3A_173 {strides = array<i32>} : memref<32x128xf32, #tpu.memory_space<vmem>>, vector<1x16xf32>,
    %swap3A_174 = arith.constant 3 : i32
    %swap3A_175 = arith.index_cast %swap3A_174 : i32 to index
    %swap3A_176 = arith.constant 0 : index
    %swap3A_177 = tpu.vector_load %arg7[%swap3A_175, %swap3A_176] {strides = array<i32>} : memref<32x128xf32, #tpu.memory_space<vmem>>, vector<1x16xf32>,
    %swap3A_178 = vector.shape_cast %swap3A_177 : vector<1x16xf32> to vector<16xf32>
    %swap3A_179 = vector.shape_cast %broadcast_in_dim3A_30 : vector<16xf32> to vector<1x16xf32>
    tpu.vector_store %arg7[%swap3A_175, %swap3A_176], %swap3A_179 {strides = array<i32>} : memref<32x128xf32, #tpu.memory_space<vmem>>, vector<1x16xf32>,
    %swap3A_180 = arith.constant 3 : i32
    %swap3A_181 = arith.index_cast %swap3A_180 : i32 to index
    %swap3A_182 = arith.constant 16 : index
    %swap3A_183 = tpu.vector_load %arg7[%swap3A_181, %swap3A_182] {strides = array<i32>} : memref<32x128xf32, #tpu.memory_space<vmem>>, vector<1x16xf32>,
    %swap3A_184 = vector.shape_cast %swap3A_183 : vector<1x16xf32> to vector<16xf32>
    %swap3A_185 = vector.shape_cast %broadcast_in_dim3A_30 : vector<16xf32> to vector<1x16xf32>
    tpu.vector_store %arg7[%swap3A_181, %swap3A_182], %swap3A_185 {strides = array<i32>} : memref<32x128xf32, #tpu.memory_space<vmem>>, vector<1x16xf32>,
    %swap3A_186 = arith.constant 3 : i32
    %swap3A_187 = arith.index_cast %swap3A_186 : i32 to index
    %swap3A_188 = arith.constant 32 : index
    %swap3A_189 = tpu.vector_load %arg7[%swap3A_187, %swap3A_188] {strides = array<i32>} : memref<32x128xf32, #tpu.memory_space<vmem>>, vector<1x16xf32>,
    %swap3A_190 = vector.shape_cast %swap3A_189 : vector<1x16xf32> to vector<16xf32>
    %swap3A_191 = vector.shape_cast %broadcast_in_dim3A_30 : vector<16xf32> to vector<1x16xf32>
    tpu.vector_store %arg7[%swap3A_187, %swap3A_188], %swap3A_191 {strides = array<i32>} : memref<32x128xf32, #tpu.memory_space<vmem>>, vector<1x16xf32>,
    %swap3A_192 = arith.constant 3 : i32
    %swap3A_193 = arith.index_cast %swap3A_192 : i32 to index
    %swap3A_194 = arith.constant 48 : index
    %swap3A_195 = tpu.vector_load %arg7[%swap3A_193, %swap3A_194] {strides = array<i32>} : memref<32x128xf32, #tpu.memory_space<vmem>>, vector<1x16xf32>,
    %swap3A_196 = vector.shape_cast %swap3A_195 : vector<1x16xf32> to vector<16xf32>
    %swap3A_197 = vector.shape_cast %broadcast_in_dim3A_30 : vector<16xf32> to vector<1x16xf32>
    tpu.vector_store %arg7[%swap3A_193, %swap3A_194], %swap3A_197 {strides = array<i32>} : memref<32x128xf32, #tpu.memory_space<vmem>>, vector<1x16xf32>,
    %swap3A_198 = arith.constant 3 : i32
    %swap3A_199 = arith.index_cast %swap3A_198 : i32 to index
    %swap3A_200 = arith.constant 64 : index
    %swap3A_201 = tpu.vector_load %arg7[%swap3A_199, %swap3A_200] {strides = array<i32>} : memref<32x128xf32, #tpu.memory_space<vmem>>, vector<1x16xf32>,
    %swap3A_202 = vector.shape_cast %swap3A_201 : vector<1x16xf32> to vector<16xf32>
    %swap3A_203 = vector.shape_cast %broadcast_in_dim3A_30 : vector<16xf32> to vector<1x16xf32>
    tpu.vector_store %arg7[%swap3A_199, %swap3A_200], %swap3A_203 {strides = array<i32>} : memref<32x128xf32, #tpu.memory_space<vmem>>, vector<1x16xf32>,
    %swap3A_204 = arith.constant 3 : i32
    %swap3A_205 = arith.index_cast %swap3A_204 : i32 to index
    %swap3A_206 = arith.constant 80 : index
    %swap3A_207 = tpu.vector_load %arg7[%swap3A_205, %swap3A_206] {strides = array<i32>} : memref<32x128xf32, #tpu.memory_space<vmem>>, vector<1x16xf32>,
    %swap3A_208 = vector.shape_cast %swap3A_207 : vector<1x16xf32> to vector<16xf32>
    %swap3A_209 = vector.shape_cast %broadcast_in_dim3A_30 : vector<16xf32> to vector<1x16xf32>
    tpu.vector_store %arg7[%swap3A_205, %swap3A_206], %swap3A_209 {strides = array<i32>} : memref<32x128xf32, #tpu.memory_space<vmem>>, vector<1x16xf32>,
    %swap3A_210 = arith.constant 3 : i32
    %swap3A_211 = arith.index_cast %swap3A_210 : i32 to index
    %swap3A_212 = arith.constant 96 : index
    %swap3A_213 = tpu.vector_load %arg7[%swap3A_211, %swap3A_212] {strides = array<i32>} : memref<32x128xf32, #tpu.memory_space<vmem>>, vector<1x16xf32>,
    %swap3A_214 = vector.shape_cast %swap3A_213 : vector<1x16xf32> to vector<16xf32>
    %swap3A_215 = vector.shape_cast %broadcast_in_dim3A_30 : vector<16xf32> to vector<1x16xf32>
    tpu.vector_store %arg7[%swap3A_211, %swap3A_212], %swap3A_215 {strides = array<i32>} : memref<32x128xf32, #tpu.memory_space<vmem>>, vector<1x16xf32>,
    %swap3A_216 = arith.constant 3 : i32
    %swap3A_217 = arith.index_cast %swap3A_216 : i32 to index
    %swap3A_218 = arith.constant 112 : index
    %swap3A_219 = tpu.vector_load %arg7[%swap3A_217, %swap3A_218] {strides = array<i32>} : memref<32x128xf32, #tpu.memory_space<vmem>>, vector<1x16xf32>,
    %swap3A_220 = vector.shape_cast %swap3A_219 : vector<1x16xf32> to vector<16xf32>
    %swap3A_221 = vector.shape_cast %broadcast_in_dim3A_30 : vector<16xf32> to vector<1x16xf32>
    tpu.vector_store %arg7[%swap3A_217, %swap3A_218], %swap3A_221 {strides = array<i32>} : memref<32x128xf32, #tpu.memory_space<vmem>>, vector<1x16xf32>,
    %swap3A_222 = arith.constant 4 : i32
    %swap3A_223 = arith.index_cast %swap3A_222 : i32 to index
    %swap3A_224 = arith.constant 0 : index
    %swap3A_225 = tpu.vector_load %arg7[%swap3A_223, %swap3A_224] {strides = array<i32>} : memref<32x128xf32, #tpu.memory_space<vmem>>, vector<1x16xf32>,
    %swap3A_226 = vector.shape_cast %swap3A_225 : vector<1x16xf32> to vector<16xf32>
    %swap3A_227 = vector.shape_cast %broadcast_in_dim3A_30 : vector<16xf32> to vector<1x16xf32>
    tpu.vector_store %arg7[%swap3A_223, %swap3A_224], %swap3A_227 {strides = array<i32>} : memref<32x128xf32, #tpu.memory_space<vmem>>, vector<1x16xf32>,
    %swap3A_228 = arith.constant 4 : i32
    %swap3A_229 = arith.index_cast %swap3A_228 : i32 to index
    %swap3A_230 = arith.constant 16 : index
    %swap3A_231 = tpu.vector_load %arg7[%swap3A_229, %swap3A_230] {strides = array<i32>} : memref<32x128xf32, #tpu.memory_space<vmem>>, vector<1x16xf32>,
    %swap3A_232 = vector.shape_cast %swap3A_231 : vector<1x16xf32> to vector<16xf32>
    %swap3A_233 = vector.shape_cast %broadcast_in_dim3A_30 : vector<16xf32> to vector<1x16xf32>
    tpu.vector_store %arg7[%swap3A_229, %swap3A_230], %swap3A_233 {strides = array<i32>} : memref<32x128xf32, #tpu.memory_space<vmem>>, vector<1x16xf32>,
    %swap3A_234 = arith.constant 4 : i32
    %swap3A_235 = arith.index_cast %swap3A_234 : i32 to index
    %swap3A_236 = arith.constant 32 : index
    %swap3A_237 = tpu.vector_load %arg7[%swap3A_235, %swap3A_236] {strides = array<i32>} : memref<32x128xf32, #tpu.memory_space<vmem>>, vector<1x16xf32>,
    %swap3A_238 = vector.shape_cast %swap3A_237 : vector<1x16xf32> to vector<16xf32>
    %swap3A_239 = vector.shape_cast %broadcast_in_dim3A_30 : vector<16xf32> to vector<1x16xf32>
    tpu.vector_store %arg7[%swap3A_235, %swap3A_236], %swap3A_239 {strides = array<i32>} : memref<32x128xf32, #tpu.memory_space<vmem>>, vector<1x16xf32>,
    %swap3A_240 = arith.constant 4 : i32
    %swap3A_241 = arith.index_cast %swap3A_240 : i32 to index
    %swap3A_242 = arith.constant 48 : index
    %swap3A_243 = tpu.vector_load %arg7[%swap3A_241, %swap3A_242] {strides = array<i32>} : memref<32x128xf32, #tpu.memory_space<vmem>>, vector<1x16xf32>,
    %swap3A_244 = vector.shape_cast %swap3A_243 : vector<1x16xf32> to vector<16xf32>
    %swap3A_245 = vector.shape_cast %broadcast_in_dim3A_30 : vector<16xf32> to vector<1x16xf32>
    tpu.vector_store %arg7[%swap3A_241, %swap3A_242], %swap3A_245 {strides = array<i32>} : memref<32x128xf32, #tpu.memory_space<vmem>>, vector<1x16xf32>,
    %swap3A_246 = arith.constant 4 : i32
    %swap3A_247 = arith.index_cast %swap3A_246 : i32 to index
    %swap3A_248 = arith.constant 64 : index
    %swap3A_249 = tpu.vector_load %arg7[%swap3A_247, %swap3A_248] {strides = array<i32>} : memref<32x128xf32, #tpu.memory_space<vmem>>, vector<1x16xf32>,
    %swap3A_250 = vector.shape_cast %swap3A_249 : vector<1x16xf32> to vector<16xf32>
    %swap3A_251 = vector.shape_cast %broadcast_in_dim3A_30 : vector<16xf32> to vector<1x16xf32>
    tpu.vector_store %arg7[%swap3A_247, %swap3A_248], %swap3A_251 {strides = array<i32>} : memref<32x128xf32, #tpu.memory_space<vmem>>, vector<1x16xf32>,
    %swap3A_252 = arith.constant 4 : i32
    %swap3A_253 = arith.index_cast %swap3A_252 : i32 to index
    %swap3A_254 = arith.constant 80 : index
    %swap3A_255 = tpu.vector_load %arg7[%swap3A_253, %swap3A_254] {strides = array<i32>} : memref<32x128xf32, #tpu.memory_space<vmem>>, vector<1x16xf32>,
    %swap3A_256 = vector.shape_cast %swap3A_255 : vector<1x16xf32> to vector<16xf32>
    %swap3A_257 = vector.shape_cast %broadcast_in_dim3A_30 : vector<16xf32> to vector<1x16xf32>
    tpu.vector_store %arg7[%swap3A_253, %swap3A_254], %swap3A_257 {strides = array<i32>} : memref<32x128xf32, #tpu.memory_space<vmem>>, vector<1x16xf32>,
    %swap3A_258 = arith.constant 4 : i32
    %swap3A_259 = arith.index_cast %swap3A_258 : i32 to index
    %swap3A_260 = arith.constant 96 : index
    %swap3A_261 = tpu.vector_load %arg7[%swap3A_259, %swap3A_260] {strides = array<i32>} : memref<32x128xf32, #tpu.memory_space<vmem>>, vector<1x16xf32>,
    %swap3A_262 = vector.shape_cast %swap3A_261 : vector<1x16xf32> to vector<16xf32>
    %swap3A_263 = vector.shape_cast %broadcast_in_dim3A_30 : vector<16xf32> to vector<1x16xf32>
    tpu.vector_store %arg7[%swap3A_259, %swap3A_260], %swap3A_263 {strides = array<i32>} : memref<32x128xf32, #tpu.memory_space<vmem>>, vector<1x16xf32>,
    %swap3A_264 = arith.constant 4 : i32
    %swap3A_265 = arith.index_cast %swap3A_264 : i32 to index
    %swap3A_266 = arith.constant 112 : index
    %swap3A_267 = tpu.vector_load %arg7[%swap3A_265, %swap3A_266] {strides = array<i32>} : memref<32x128xf32, #tpu.memory_space<vmem>>, vector<1x16xf32>,
    %swap3A_268 = vector.shape_cast %swap3A_267 : vector<1x16xf32> to vector<16xf32>
    %swap3A_269 = vector.shape_cast %broadcast_in_dim3A_30 : vector<16xf32> to vector<1x16xf32>
    tpu.vector_store %arg7[%swap3A_265, %swap3A_266], %swap3A_269 {strides = array<i32>} : memref<32x128xf32, #tpu.memory_space<vmem>>, vector<1x16xf32>,
    %swap3A_270 = arith.constant 5 : i32
    %swap3A_271 = arith.index_cast %swap3A_270 : i32 to index
    %swap3A_272 = arith.constant 0 : index
    %swap3A_273 = tpu.vector_load %arg7[%swap3A_271, %swap3A_272] {strides = array<i32>} : memref<32x128xf32, #tpu.memory_space<vmem>>, vector<1x16xf32>,
    %swap3A_274 = vector.shape_cast %swap3A_273 : vector<1x16xf32> to vector<16xf32>
    %swap3A_275 = vector.shape_cast %broadcast_in_dim3A_30 : vector<16xf32> to vector<1x16xf32>
    tpu.vector_store %arg7[%swap3A_271, %swap3A_272], %swap3A_275 {strides = array<i32>} : memref<32x128xf32, #tpu.memory_space<vmem>>, vector<1x16xf32>,
    %swap3A_276 = arith.constant 5 : i32
    %swap3A_277 = arith.index_cast %swap3A_276 : i32 to index
    %swap3A_278 = arith.constant 16 : index
    %swap3A_279 = tpu.vector_load %arg7[%swap3A_277, %swap3A_278] {strides = array<i32>} : memref<32x128xf32, #tpu.memory_space<vmem>>, vector<1x16xf32>,
    %swap3A_280 = vector.shape_cast %swap3A_279 : vector<1x16xf32> to vector<16xf32>
    %swap3A_281 = vector.shape_cast %broadcast_in_dim3A_30 : vector<16xf32> to vector<1x16xf32>
    tpu.vector_store %arg7[%swap3A_277, %swap3A_278], %swap3A_281 {strides = array<i32>} : memref<32x128xf32, #tpu.memory_space<vmem>>, vector<1x16xf32>,
    %swap3A_282 = arith.constant 5 : i32
    %swap3A_283 = arith.index_cast %swap3A_282 : i32 to index
    %swap3A_284 = arith.constant 32 : index
    %swap3A_285 = tpu.vector_load %arg7[%swap3A_283, %swap3A_284] {strides = array<i32>} : memref<32x128xf32, #tpu.memory_space<vmem>>, vector<1x16xf32>,
    %swap3A_286 = vector.shape_cast %swap3A_285 : vector<1x16xf32> to vector<16xf32>
    %swap3A_287 = vector.shape_cast %broadcast_in_dim3A_30 : vector<16xf32> to vector<1x16xf32>
    tpu.vector_store %arg7[%swap3A_283, %swap3A_284], %swap3A_287 {strides = array<i32>} : memref<32x128xf32, #tpu.memory_space<vmem>>, vector<1x16xf32>,
    %swap3A_288 = arith.constant 5 : i32
    %swap3A_289 = arith.index_cast %swap3A_288 : i32 to index
    %swap3A_290 = arith.constant 48 : index
    %swap3A_291 = tpu.vector_load %arg7[%swap3A_289, %swap3A_290] {strides = array<i32>} : memref<32x128xf32, #tpu.memory_space<vmem>>, vector<1x16xf32>,
    %swap3A_292 = vector.shape_cast %swap3A_291 : vector<1x16xf32> to vector<16xf32>
    %swap3A_293 = vector.shape_cast %broadcast_in_dim3A_30 : vector<16xf32> to vector<1x16xf32>
    tpu.vector_store %arg7[%swap3A_289, %swap3A_290], %swap3A_293 {strides = array<i32>} : memref<32x128xf32, #tpu.memory_space<vmem>>, vector<1x16xf32>,
    %swap3A_294 = arith.constant 5 : i32
    %swap3A_295 = arith.index_cast %swap3A_294 : i32 to index
    %swap3A_296 = arith.constant 64 : index
    %swap3A_297 = tpu.vector_load %arg7[%swap3A_295, %swap3A_296] {strides = array<i32>} : memref<32x128xf32, #tpu.memory_space<vmem>>, vector<1x16xf32>,
    %swap3A_298 = vector.shape_cast %swap3A_297 : vector<1x16xf32> to vector<16xf32>
    %swap3A_299 = vector.shape_cast %broadcast_in_dim3A_30 : vector<16xf32> to vector<1x16xf32>
    tpu.vector_store %arg7[%swap3A_295, %swap3A_296], %swap3A_299 {strides = array<i32>} : memref<32x128xf32, #tpu.memory_space<vmem>>, vector<1x16xf32>,
    %swap3A_300 = arith.constant 5 : i32
    %swap3A_301 = arith.index_cast %swap3A_300 : i32 to index
    %swap3A_302 = arith.constant 80 : index
    %swap3A_303 = tpu.vector_load %arg7[%swap3A_301, %swap3A_302] {strides = array<i32>} : memref<32x128xf32, #tpu.memory_space<vmem>>, vector<1x16xf32>,
    %swap3A_304 = vector.shape_cast %swap3A_303 : vector<1x16xf32> to vector<16xf32>
    %swap3A_305 = vector.shape_cast %broadcast_in_dim3A_30 : vector<16xf32> to vector<1x16xf32>
    tpu.vector_store %arg7[%swap3A_301, %swap3A_302], %swap3A_305 {strides = array<i32>} : memref<32x128xf32, #tpu.memory_space<vmem>>, vector<1x16xf32>,
    %swap3A_306 = arith.constant 5 : i32
    %swap3A_307 = arith.index_cast %swap3A_306 : i32 to index
    %swap3A_308 = arith.constant 96 : index
    %swap3A_309 = tpu.vector_load %arg7[%swap3A_307, %swap3A_308] {strides = array<i32>} : memref<32x128xf32, #tpu.memory_space<vmem>>, vector<1x16xf32>,
    %swap3A_310 = vector.shape_cast %swap3A_309 : vector<1x16xf32> to vector<16xf32>
    %swap3A_311 = vector.shape_cast %broadcast_in_dim3A_30 : vector<16xf32> to vector<1x16xf32>
    tpu.vector_store %arg7[%swap3A_307, %swap3A_308], %swap3A_311 {strides = array<i32>} : memref<32x128xf32, #tpu.memory_space<vmem>>, vector<1x16xf32>,
    %swap3A_312 = arith.constant 5 : i32
    %swap3A_313 = arith.index_cast %swap3A_312 : i32 to index
    %swap3A_314 = arith.constant 112 : index
    %swap3A_315 = tpu.vector_load %arg7[%swap3A_313, %swap3A_314] {strides = array<i32>} : memref<32x128xf32, #tpu.memory_space<vmem>>, vector<1x16xf32>,
    %swap3A_316 = vector.shape_cast %swap3A_315 : vector<1x16xf32> to vector<16xf32>
    %swap3A_317 = vector.shape_cast %broadcast_in_dim3A_30 : vector<16xf32> to vector<1x16xf32>
    tpu.vector_store %arg7[%swap3A_313, %swap3A_314], %swap3A_317 {strides = array<i32>} : memref<32x128xf32, #tpu.memory_space<vmem>>, vector<1x16xf32>,
    %swap3A_318 = arith.constant 6 : i32
    %swap3A_319 = arith.index_cast %swap3A_318 : i32 to index
    %swap3A_320 = arith.constant 0 : index
    %swap3A_321 = tpu.vector_load %arg7[%swap3A_319, %swap3A_320] {strides = array<i32>} : memref<32x128xf32, #tpu.memory_space<vmem>>, vector<1x16xf32>,
    %swap3A_322 = vector.shape_cast %swap3A_321 : vector<1x16xf32> to vector<16xf32>
    %swap3A_323 = vector.shape_cast %broadcast_in_dim3A_30 : vector<16xf32> to vector<1x16xf32>
    tpu.vector_store %arg7[%swap3A_319, %swap3A_320], %swap3A_323 {strides = array<i32>} : memref<32x128xf32, #tpu.memory_space<vmem>>, vector<1x16xf32>,
    %swap3A_324 = arith.constant 6 : i32
    %swap3A_325 = arith.index_cast %swap3A_324 : i32 to index
    %swap3A_326 = arith.constant 16 : index
    %swap3A_327 = tpu.vector_load %arg7[%swap3A_325, %swap3A_326] {strides = array<i32>} : memref<32x128xf32, #tpu.memory_space<vmem>>, vector<1x16xf32>,
    %swap3A_328 = vector.shape_cast %swap3A_327 : vector<1x16xf32> to vector<16xf32>
    %swap3A_329 = vector.shape_cast %broadcast_in_dim3A_30 : vector<16xf32> to vector<1x16xf32>
    tpu.vector_store %arg7[%swap3A_325, %swap3A_326], %swap3A_329 {strides = array<i32>} : memref<32x128xf32, #tpu.memory_space<vmem>>, vector<1x16xf32>,
    %swap3A_330 = arith.constant 6 : i32
    %swap3A_331 = arith.index_cast %swap3A_330 : i32 to index
    %swap3A_332 = arith.constant 32 : index
    %swap3A_333 = tpu.vector_load %arg7[%swap3A_331, %swap3A_332] {strides = array<i32>} : memref<32x128xf32, #tpu.memory_space<vmem>>, vector<1x16xf32>,
    %swap3A_334 = vector.shape_cast %swap3A_333 : vector<1x16xf32> to vector<16xf32>
    %swap3A_335 = vector.shape_cast %broadcast_in_dim3A_30 : vector<16xf32> to vector<1x16xf32>
    tpu.vector_store %arg7[%swap3A_331, %swap3A_332], %swap3A_335 {strides = array<i32>} : memref<32x128xf32, #tpu.memory_space<vmem>>, vector<1x16xf32>,
    %swap3A_336 = arith.constant 6 : i32
    %swap3A_337 = arith.index_cast %swap3A_336 : i32 to index
    %swap3A_338 = arith.constant 48 : index
    %swap3A_339 = tpu.vector_load %arg7[%swap3A_337, %swap3A_338] {strides = array<i32>} : memref<32x128xf32, #tpu.memory_space<vmem>>, vector<1x16xf32>,
    %swap3A_340 = vector.shape_cast %swap3A_339 : vector<1x16xf32> to vector<16xf32>
    %swap3A_341 = vector.shape_cast %broadcast_in_dim3A_30 : vector<16xf32> to vector<1x16xf32>
    tpu.vector_store %arg7[%swap3A_337, %swap3A_338], %swap3A_341 {strides = array<i32>} : memref<32x128xf32, #tpu.memory_space<vmem>>, vector<1x16xf32>,
    %swap3A_342 = arith.constant 6 : i32
    %swap3A_343 = arith.index_cast %swap3A_342 : i32 to index
    %swap3A_344 = arith.constant 64 : index
    %swap3A_345 = tpu.vector_load %arg7[%swap3A_343, %swap3A_344] {strides = array<i32>} : memref<32x128xf32, #tpu.memory_space<vmem>>, vector<1x16xf32>,
    %swap3A_346 = vector.shape_cast %swap3A_345 : vector<1x16xf32> to vector<16xf32>
    %swap3A_347 = vector.shape_cast %broadcast_in_dim3A_30 : vector<16xf32> to vector<1x16xf32>
    tpu.vector_store %arg7[%swap3A_343, %swap3A_344], %swap3A_347 {strides = array<i32>} : memref<32x128xf32, #tpu.memory_space<vmem>>, vector<1x16xf32>,
    %swap3A_348 = arith.constant 6 : i32
    %swap3A_349 = arith.index_cast %swap3A_348 : i32 to index
    %swap3A_350 = arith.constant 80 : index
    %swap3A_351 = tpu.vector_load %arg7[%swap3A_349, %swap3A_350] {strides = array<i32>} : memref<32x128xf32, #tpu.memory_space<vmem>>, vector<1x16xf32>,
    %swap3A_352 = vector.shape_cast %swap3A_351 : vector<1x16xf32> to vector<16xf32>
    %swap3A_353 = vector.shape_cast %broadcast_in_dim3A_30 : vector<16xf32> to vector<1x16xf32>
    tpu.vector_store %arg7[%swap3A_349, %swap3A_350], %swap3A_353 {strides = array<i32>} : memref<32x128xf32, #tpu.memory_space<vmem>>, vector<1x16xf32>,
    %swap3A_354 = arith.constant 6 : i32
    %swap3A_355 = arith.index_cast %swap3A_354 : i32 to index
    %swap3A_356 = arith.constant 96 : index
    %swap3A_357 = tpu.vector_load %arg7[%swap3A_355, %swap3A_356] {strides = array<i32>} : memref<32x128xf32, #tpu.memory_space<vmem>>, vector<1x16xf32>,
    %swap3A_358 = vector.shape_cast %swap3A_357 : vector<1x16xf32> to vector<16xf32>
    %swap3A_359 = vector.shape_cast %broadcast_in_dim3A_30 : vector<16xf32> to vector<1x16xf32>
    tpu.vector_store %arg7[%swap3A_355, %swap3A_356], %swap3A_359 {strides = array<i32>} : memref<32x128xf32, #tpu.memory_space<vmem>>, vector<1x16xf32>,
    %swap3A_360 = arith.constant 6 : i32
    %swap3A_361 = arith.index_cast %swap3A_360 : i32 to index
    %swap3A_362 = arith.constant 112 : index
    %swap3A_363 = tpu.vector_load %arg7[%swap3A_361, %swap3A_362] {strides = array<i32>} : memref<32x128xf32, #tpu.memory_space<vmem>>, vector<1x16xf32>,
    %swap3A_364 = vector.shape_cast %swap3A_363 : vector<1x16xf32> to vector<16xf32>
    %swap3A_365 = vector.shape_cast %broadcast_in_dim3A_30 : vector<16xf32> to vector<1x16xf32>
    tpu.vector_store %arg7[%swap3A_361, %swap3A_362], %swap3A_365 {strides = array<i32>} : memref<32x128xf32, #tpu.memory_space<vmem>>, vector<1x16xf32>,
    %swap3A_366 = arith.constant 7 : i32
    %swap3A_367 = arith.index_cast %swap3A_366 : i32 to index
    %swap3A_368 = arith.constant 0 : index
    %swap3A_369 = tpu.vector_load %arg7[%swap3A_367, %swap3A_368] {strides = array<i32>} : memref<32x128xf32, #tpu.memory_space<vmem>>, vector<1x16xf32>,
    %swap3A_370 = vector.shape_cast %swap3A_369 : vector<1x16xf32> to vector<16xf32>
    %swap3A_371 = vector.shape_cast %broadcast_in_dim3A_30 : vector<16xf32> to vector<1x16xf32>
    tpu.vector_store %arg7[%swap3A_367, %swap3A_368], %swap3A_371 {strides = array<i32>} : memref<32x128xf32, #tpu.memory_space<vmem>>, vector<1x16xf32>,
    %swap3A_372 = arith.constant 7 : i32
    %swap3A_373 = arith.index_cast %swap3A_372 : i32 to index
    %swap3A_374 = arith.constant 16 : index
    %swap3A_375 = tpu.vector_load %arg7[%swap3A_373, %swap3A_374] {strides = array<i32>} : memref<32x128xf32, #tpu.memory_space<vmem>>, vector<1x16xf32>,
    %swap3A_376 = vector.shape_cast %swap3A_375 : vector<1x16xf32> to vector<16xf32>
    %swap3A_377 = vector.shape_cast %broadcast_in_dim3A_30 : vector<16xf32> to vector<1x16xf32>
    tpu.vector_store %arg7[%swap3A_373, %swap3A_374], %swap3A_377 {strides = array<i32>} : memref<32x128xf32, #tpu.memory_space<vmem>>, vector<1x16xf32>,
    %swap3A_378 = arith.constant 7 : i32
    %swap3A_379 = arith.index_cast %swap3A_378 : i32 to index
    %swap3A_380 = arith.constant 32 : index
    %swap3A_381 = tpu.vector_load %arg7[%swap3A_379, %swap3A_380] {strides = array<i32>} : memref<32x128xf32, #tpu.memory_space<vmem>>, vector<1x16xf32>,
    %swap3A_382 = vector.shape_cast %swap3A_381 : vector<1x16xf32> to vector<16xf32>
    %swap3A_383 = vector.shape_cast %broadcast_in_dim3A_30 : vector<16xf32> to vector<1x16xf32>
    tpu.vector_store %arg7[%swap3A_379, %swap3A_380], %swap3A_383 {strides = array<i32>} : memref<32x128xf32, #tpu.memory_space<vmem>>, vector<1x16xf32>,
    %swap3A_384 = arith.constant 7 : i32
    %swap3A_385 = arith.index_cast %swap3A_384 : i32 to index
    %swap3A_386 = arith.constant 48 : index
    %swap3A_387 = tpu.vector_load %arg7[%swap3A_385, %swap3A_386] {strides = array<i32>} : memref<32x128xf32, #tpu.memory_space<vmem>>, vector<1x16xf32>,
    %swap3A_388 = vector.shape_cast %swap3A_387 : vector<1x16xf32> to vector<16xf32>
    %swap3A_389 = vector.shape_cast %broadcast_in_dim3A_30 : vector<16xf32> to vector<1x16xf32>
    tpu.vector_store %arg7[%swap3A_385, %swap3A_386], %swap3A_389 {strides = array<i32>} : memref<32x128xf32, #tpu.memory_space<vmem>>, vector<1x16xf32>,
    %swap3A_390 = arith.constant 7 : i32
    %swap3A_391 = arith.index_cast %swap3A_390 : i32 to index
    %swap3A_392 = arith.constant 64 : index
    %swap3A_393 = tpu.vector_load %arg7[%swap3A_391, %swap3A_392] {strides = array<i32>} : memref<32x128xf32, #tpu.memory_space<vmem>>, vector<1x16xf32>,
    %swap3A_394 = vector.shape_cast %swap3A_393 : vector<1x16xf32> to vector<16xf32>
    %swap3A_395 = vector.shape_cast %broadcast_in_dim3A_30 : vector<16xf32> to vector<1x16xf32>
    tpu.vector_store %arg7[%swap3A_391, %swap3A_392], %swap3A_395 {strides = array<i32>} : memref<32x128xf32, #tpu.memory_space<vmem>>, vector<1x16xf32>,
    %swap3A_396 = arith.constant 7 : i32
    %swap3A_397 = arith.index_cast %swap3A_396 : i32 to index
    %swap3A_398 = arith.constant 80 : index
    %swap3A_399 = tpu.vector_load %arg7[%swap3A_397, %swap3A_398] {strides = array<i32>} : memref<32x128xf32, #tpu.memory_space<vmem>>, vector<1x16xf32>,
    %swap3A_400 = vector.shape_cast %swap3A_399 : vector<1x16xf32> to vector<16xf32>
    %swap3A_401 = vector.shape_cast %broadcast_in_dim3A_30 : vector<16xf32> to vector<1x16xf32>
    tpu.vector_store %arg7[%swap3A_397, %swap3A_398], %swap3A_401 {strides = array<i32>} : memref<32x128xf32, #tpu.memory_space<vmem>>, vector<1x16xf32>,
    %swap3A_402 = arith.constant 7 : i32
    %swap3A_403 = arith.index_cast %swap3A_402 : i32 to index
    %swap3A_404 = arith.constant 96 : index
    %swap3A_405 = tpu.vector_load %arg7[%swap3A_403, %swap3A_404] {strides = array<i32>} : memref<32x128xf32, #tpu.memory_space<vmem>>, vector<1x16xf32>,
    %swap3A_406 = vector.shape_cast %swap3A_405 : vector<1x16xf32> to vector<16xf32>
    %swap3A_407 = vector.shape_cast %broadcast_in_dim3A_30 : vector<16xf32> to vector<1x16xf32>
    tpu.vector_store %arg7[%swap3A_403, %swap3A_404], %swap3A_407 {strides = array<i32>} : memref<32x128xf32, #tpu.memory_space<vmem>>, vector<1x16xf32>,
    %swap3A_408 = arith.constant 7 : i32
    %swap3A_409 = arith.index_cast %swap3A_408 : i32 to index
    %swap3A_410 = arith.constant 112 : index
    %swap3A_411 = tpu.vector_load %arg7[%swap3A_409, %swap3A_410] {strides = array<i32>} : memref<32x128xf32, #tpu.memory_space<vmem>>, vector<1x16xf32>,
    %swap3A_412 = vector.shape_cast %swap3A_411 : vector<1x16xf32> to vector<16xf32>
    %swap3A_413 = vector.shape_cast %broadcast_in_dim3A_30 : vector<16xf32> to vector<1x16xf32>
    tpu.vector_store %arg7[%swap3A_409, %swap3A_410], %swap3A_413 {strides = array<i32>} : memref<32x128xf32, #tpu.memory_space<vmem>>, vector<1x16xf32>,
    %mul3A_414 = arith.constant 8 : i32
    %mul3A_415 = arith.muli %arg1, %mul3A_414 : i32
    %mul3A_416 = arith.constant 4 : i32
    %mul3A_417 = arith.muli %mul3A_415, %mul3A_416 : i32
    %add3A_418 = arith.constant 0 : i32
    %add3A_419 = arith.addi %mul3A_417, %add3A_418 : i32
    "tpu.region"() ({
      %run_scoped3A_2333 = tpu.sem_alloc : memref<!tpu.dma_semaphore, #tpu.memory_space<semaphore_mem>>
      %dma_start3A_2334 = arith.constant 0 : i32
      %dma_start3A_2335 = arith.constant 0 : i32
      %dma_start3A_2336 = tpu.memref_slice %arg7[%dma_start3A_2334, %dma_start3A_2335] : memref<32x128xf32, #tpu.memory_space<vmem>> -> memref<8x128xf32, #tpu.memory_space<vmem>>
      %dma_start3A_2337 = arith.constant 0 : i32
      %dma_start3A_2338 = tpu.memref_slice %arg9[%add3A_419, %dma_start3A_2337] : memref<528x128xf32, #tpu.memory_space<vmem_shared>> -> memref<8x128xf32, #tpu.memory_space<vmem_shared>>
      %dma_start3A_2339 = arith.constant 0 : i32
      %dma_start3A_2340 = tpu.memref_slice %arg9[%add3A_419, %dma_start3A_2339] : memref<528x128xf32, #tpu.memory_space<vmem_shared>> -> memref<8x128xf32, #tpu.memory_space<vmem_shared>>
      %dma_start3A_2341 = arith.constant 0 : i32
      %dma_start3A_2342 = arith.constant 0 : i32
      %dma_start3A_2343 = tpu.memref_slice %arg7[%dma_start3A_2341, %dma_start3A_2342] : memref<32x128xf32, #tpu.memory_space<vmem>> -> memref<8x128xf32, #tpu.memory_space<vmem>>
      tpu.enqueue_dma source(%dma_start3A_2343 : memref<8x128xf32, #tpu.memory_space<vmem>>) target(%dma_start3A_2340 : memref<8x128xf32, #tpu.memory_space<vmem_shared>>) target_semaphore(%run_scoped3A_2333 : memref<!tpu.dma_semaphore, #tpu.memory_space<semaphore_mem>>)
      %dma_wait3A_2344 = arith.constant 0 : i32
      %dma_wait3A_2345 = arith.constant 0 : i32
      %dma_wait3A_2346 = tpu.memref_slice %arg7[%dma_wait3A_2344, %dma_wait3A_2345] : memref<32x128xf32, #tpu.memory_space<vmem>> -> memref<8x128xf32, #tpu.memory_space<vmem>>
      %dma_wait3A_2347 = arith.constant 0 : i32
      %dma_wait3A_2348 = tpu.memref_slice %arg9[%add3A_419, %dma_wait3A_2347] : memref<528x128xf32, #tpu.memory_space<vmem_shared>> -> memref<8x128xf32, #tpu.memory_space<vmem_shared>>
      %dma_wait3A_2349 = arith.constant 0 : i32
      %dma_wait3A_2350 = tpu.memref_slice %arg9[%add3A_419, %dma_wait3A_2349] : memref<528x128xf32, #tpu.memory_space<vmem_shared>> -> memref<8x128xf32, #tpu.memory_space<vmem_shared>>
      %dma_wait3A_2351 = arith.constant 0 : i32
      %dma_wait3A_2352 = arith.constant 0 : i32
      %dma_wait3A_2353 = tpu.memref_slice %arg7[%dma_wait3A_2351, %dma_wait3A_2352] : memref<32x128xf32, #tpu.memory_space<vmem>> -> memref<8x128xf32, #tpu.memory_space<vmem>>
      tpu.wait_dma2 semaphore(%run_scoped3A_2333 : memref<!tpu.dma_semaphore, #tpu.memory_space<semaphore_mem>>) src(%dma_wait3A_2353 : memref<8x128xf32, #tpu.memory_space<vmem>>) dst(%dma_wait3A_2350 : memref<8x128xf32, #tpu.memory_space<vmem_shared>>)
      tpu.yield
    }) : () -> ()
    %mul3A_420 = arith.constant 8 : i32
    %mul3A_421 = arith.muli %arg1, %mul3A_420 : i32
    %mul3A_422 = arith.constant 4 : i32
    %mul3A_423 = arith.muli %mul3A_421, %mul3A_422 : i32
    %add3A_424 = arith.constant 8 : i32
    %add3A_425 = arith.addi %mul3A_423, %add3A_424 : i32
    "tpu.region"() ({
      %run_scoped3A_2333 = tpu.sem_alloc : memref<!tpu.dma_semaphore, #tpu.memory_space<semaphore_mem>>
      %dma_start3A_2334 = arith.constant 0 : i32
      %dma_start3A_2335 = arith.constant 0 : i32
      %dma_start3A_2336 = tpu.memref_slice %arg7[%dma_start3A_2334, %dma_start3A_2335] : memref<32x128xf32, #tpu.memory_space<vmem>> -> memref<8x128xf32, #tpu.memory_space<vmem>>
      %dma_start3A_2337 = arith.constant 0 : i32
      %dma_start3A_2338 = tpu.memref_slice %arg9[%add3A_425, %dma_start3A_2337] : memref<528x128xf32, #tpu.memory_space<vmem_shared>> -> memref<8x128xf32, #tpu.memory_space<vmem_shared>>
      %dma_start3A_2339 = arith.constant 0 : i32
      %dma_start3A_2340 = tpu.memref_slice %arg9[%add3A_425, %dma_start3A_2339] : memref<528x128xf32, #tpu.memory_space<vmem_shared>> -> memref<8x128xf32, #tpu.memory_space<vmem_shared>>
      %dma_start3A_2341 = arith.constant 0 : i32
      %dma_start3A_2342 = arith.constant 0 : i32
      %dma_start3A_2343 = tpu.memref_slice %arg7[%dma_start3A_2341, %dma_start3A_2342] : memref<32x128xf32, #tpu.memory_space<vmem>> -> memref<8x128xf32, #tpu.memory_space<vmem>>
      tpu.enqueue_dma source(%dma_start3A_2343 : memref<8x128xf32, #tpu.memory_space<vmem>>) target(%dma_start3A_2340 : memref<8x128xf32, #tpu.memory_space<vmem_shared>>) target_semaphore(%run_scoped3A_2333 : memref<!tpu.dma_semaphore, #tpu.memory_space<semaphore_mem>>)
      %dma_wait3A_2344 = arith.constant 0 : i32
      %dma_wait3A_2345 = arith.constant 0 : i32
      %dma_wait3A_2346 = tpu.memref_slice %arg7[%dma_wait3A_2344, %dma_wait3A_2345] : memref<32x128xf32, #tpu.memory_space<vmem>> -> memref<8x128xf32, #tpu.memory_space<vmem>>
      %dma_wait3A_2347 = arith.constant 0 : i32
      %dma_wait3A_2348 = tpu.memref_slice %arg9[%add3A_425, %dma_wait3A_2347] : memref<528x128xf32, #tpu.memory_space<vmem_shared>> -> memref<8x128xf32, #tpu.memory_space<vmem_shared>>
      %dma_wait3A_2349 = arith.constant 0 : i32
      %dma_wait3A_2350 = tpu.memref_slice %arg9[%add3A_425, %dma_wait3A_2349] : memref<528x128xf32, #tpu.memory_space<vmem_shared>> -> memref<8x128xf32, #tpu.memory_space<vmem_shared>>
      %dma_wait3A_2351 = arith.constant 0 : i32
      %dma_wait3A_2352 = arith.constant 0 : i32
      %dma_wait3A_2353 = tpu.memref_slice %arg7[%dma_wait3A_2351, %dma_wait3A_2352] : memref<32x128xf32, #tpu.memory_space<vmem>> -> memref<8x128xf32, #tpu.memory_space<vmem>>
      tpu.wait_dma2 semaphore(%run_scoped3A_2333 : memref<!tpu.dma_semaphore, #tpu.memory_space<semaphore_mem>>) src(%dma_wait3A_2353 : memref<8x128xf32, #tpu.memory_space<vmem>>) dst(%dma_wait3A_2350 : memref<8x128xf32, #tpu.memory_space<vmem_shared>>)
      tpu.yield
    }) : () -> ()
    %mul3A_426 = arith.constant 8 : i32
    %mul3A_427 = arith.muli %arg1, %mul3A_426 : i32
    %mul3A_428 = arith.constant 4 : i32
    %mul3A_429 = arith.muli %mul3A_427, %mul3A_428 : i32
    %add3A_430 = arith.constant 16 : i32
    %add3A_431 = arith.addi %mul3A_429, %add3A_430 : i32
    "tpu.region"() ({
      %run_scoped3A_2333 = tpu.sem_alloc : memref<!tpu.dma_semaphore, #tpu.memory_space<semaphore_mem>>
      %dma_start3A_2334 = arith.constant 0 : i32
      %dma_start3A_2335 = arith.constant 0 : i32
      %dma_start3A_2336 = tpu.memref_slice %arg7[%dma_start3A_2334, %dma_start3A_2335] : memref<32x128xf32, #tpu.memory_space<vmem>> -> memref<8x128xf32, #tpu.memory_space<vmem>>
      %dma_start3A_2337 = arith.constant 0 : i32
      %dma_start3A_2338 = tpu.memref_slice %arg9[%add3A_431, %dma_start3A_2337] : memref<528x128xf32, #tpu.memory_space<vmem_shared>> -> memref<8x128xf32, #tpu.memory_space<vmem_shared>>
      %dma_start3A_2339 = arith.constant 0 : i32
      %dma_start3A_2340 = tpu.memref_slice %arg9[%add3A_431, %dma_start3A_2339] : memref<528x128xf32, #tpu.memory_space<vmem_shared>> -> memref<8x128xf32, #tpu.memory_space<vmem_shared>>
      %dma_start3A_2341 = arith.constant 0 : i32
      %dma_start3A_2342 = arith.constant 0 : i32
      %dma_start3A_2343 = tpu.memref_slice %arg7[%dma_start3A_2341, %dma_start3A_2342] : memref<32x128xf32, #tpu.memory_space<vmem>> -> memref<8x128xf32, #tpu.memory_space<vmem>>
      tpu.enqueue_dma source(%dma_start3A_2343 : memref<8x128xf32, #tpu.memory_space<vmem>>) target(%dma_start3A_2340 : memref<8x128xf32, #tpu.memory_space<vmem_shared>>) target_semaphore(%run_scoped3A_2333 : memref<!tpu.dma_semaphore, #tpu.memory_space<semaphore_mem>>)
      %dma_wait3A_2344 = arith.constant 0 : i32
      %dma_wait3A_2345 = arith.constant 0 : i32
      %dma_wait3A_2346 = tpu.memref_slice %arg7[%dma_wait3A_2344, %dma_wait3A_2345] : memref<32x128xf32, #tpu.memory_space<vmem>> -> memref<8x128xf32, #tpu.memory_space<vmem>>
      %dma_wait3A_2347 = arith.constant 0 : i32
      %dma_wait3A_2348 = tpu.memref_slice %arg9[%add3A_431, %dma_wait3A_2347] : memref<528x128xf32, #tpu.memory_space<vmem_shared>> -> memref<8x128xf32, #tpu.memory_space<vmem_shared>>
      %dma_wait3A_2349 = arith.constant 0 : i32
      %dma_wait3A_2350 = tpu.memref_slice %arg9[%add3A_431, %dma_wait3A_2349] : memref<528x128xf32, #tpu.memory_space<vmem_shared>> -> memref<8x128xf32, #tpu.memory_space<vmem_shared>>
      %dma_wait3A_2351 = arith.constant 0 : i32
      %dma_wait3A_2352 = arith.constant 0 : i32
      %dma_wait3A_2353 = tpu.memref_slice %arg7[%dma_wait3A_2351, %dma_wait3A_2352] : memref<32x128xf32, #tpu.memory_space<vmem>> -> memref<8x128xf32, #tpu.memory_space<vmem>>
      tpu.wait_dma2 semaphore(%run_scoped3A_2333 : memref<!tpu.dma_semaphore, #tpu.memory_space<semaphore_mem>>) src(%dma_wait3A_2353 : memref<8x128xf32, #tpu.memory_space<vmem>>) dst(%dma_wait3A_2350 : memref<8x128xf32, #tpu.memory_space<vmem_shared>>)
      tpu.yield
    }) : () -> ()
    %mul3A_432 = arith.constant 8 : i32
    %mul3A_433 = arith.muli %arg1, %mul3A_432 : i32
    %mul3A_434 = arith.constant 4 : i32
    %mul3A_435 = arith.muli %mul3A_433, %mul3A_434 : i32
    %add3A_436 = arith.constant 24 : i32
    %add3A_437 = arith.addi %mul3A_435, %add3A_436 : i32
    "tpu.region"() ({
      %run_scoped3A_2333 = tpu.sem_alloc : memref<!tpu.dma_semaphore, #tpu.memory_space<semaphore_mem>>
      %dma_start3A_2334 = arith.constant 0 : i32
      %dma_start3A_2335 = arith.constant 0 : i32
      %dma_start3A_2336 = tpu.memref_slice %arg7[%dma_start3A_2334, %dma_start3A_2335] : memref<32x128xf32, #tpu.memory_space<vmem>> -> memref<8x128xf32, #tpu.memory_space<vmem>>
      %dma_start3A_2337 = arith.constant 0 : i32
      %dma_start3A_2338 = tpu.memref_slice %arg9[%add3A_437, %dma_start3A_2337] : memref<528x128xf32, #tpu.memory_space<vmem_shared>> -> memref<8x128xf32, #tpu.memory_space<vmem_shared>>
      %dma_start3A_2339 = arith.constant 0 : i32
      %dma_start3A_2340 = tpu.memref_slice %arg9[%add3A_437, %dma_start3A_2339] : memref<528x128xf32, #tpu.memory_space<vmem_shared>> -> memref<8x128xf32, #tpu.memory_space<vmem_shared>>
      %dma_start3A_2341 = arith.constant 0 : i32
      %dma_start3A_2342 = arith.constant 0 : i32
      %dma_start3A_2343 = tpu.memref_slice %arg7[%dma_start3A_2341, %dma_start3A_2342] : memref<32x128xf32, #tpu.memory_space<vmem>> -> memref<8x128xf32, #tpu.memory_space<vmem>>
      tpu.enqueue_dma source(%dma_start3A_2343 : memref<8x128xf32, #tpu.memory_space<vmem>>) target(%dma_start3A_2340 : memref<8x128xf32, #tpu.memory_space<vmem_shared>>) target_semaphore(%run_scoped3A_2333 : memref<!tpu.dma_semaphore, #tpu.memory_space<semaphore_mem>>)
      %dma_wait3A_2344 = arith.constant 0 : i32
      %dma_wait3A_2345 = arith.constant 0 : i32
      %dma_wait3A_2346 = tpu.memref_slice %arg7[%dma_wait3A_2344, %dma_wait3A_2345] : memref<32x128xf32, #tpu.memory_space<vmem>> -> memref<8x128xf32, #tpu.memory_space<vmem>>
      %dma_wait3A_2347 = arith.constant 0 : i32
      %dma_wait3A_2348 = tpu.memref_slice %arg9[%add3A_437, %dma_wait3A_2347] : memref<528x128xf32, #tpu.memory_space<vmem_shared>> -> memref<8x128xf32, #tpu.memory_space<vmem_shared>>
      %dma_wait3A_2349 = arith.constant 0 : i32
      %dma_wait3A_2350 = tpu.memref_slice %arg9[%add3A_437, %dma_wait3A_2349] : memref<528x128xf32, #tpu.memory_space<vmem_shared>> -> memref<8x128xf32, #tpu.memory_space<vmem_shared>>
      %dma_wait3A_2351 = arith.constant 0 : i32
      %dma_wait3A_2352 = arith.constant 0 : i32
      %dma_wait3A_2353 = tpu.memref_slice %arg7[%dma_wait3A_2351, %dma_wait3A_2352] : memref<32x128xf32, #tpu.memory_space<vmem>> -> memref<8x128xf32, #tpu.memory_space<vmem>>
      tpu.wait_dma2 semaphore(%run_scoped3A_2333 : memref<!tpu.dma_semaphore, #tpu.memory_space<semaphore_mem>>) src(%dma_wait3A_2353 : memref<8x128xf32, #tpu.memory_space<vmem>>) dst(%dma_wait3A_2350 : memref<8x128xf32, #tpu.memory_space<vmem_shared>>)
      tpu.yield
    }) : () -> ()
    %lt3A = arith.constant 2 : i32
    %lt3A_438 = arith.cmpi slt, %arg1, %lt3A : i32
    %convert_element_type3A = arith.extui %lt3A_438 : i1 to i32
    %cond3A = arith.constant 0 : i32
    %cond3A_439 = arith.cmpi ne, %convert_element_type3A, %cond3A : i32
    scf.if %cond3A_439 {
      %mul3A_2333 = arith.constant 8 : i32
      %mul3A_2334 = arith.muli %arg1, %mul3A_2333 : i32
      %add3A_2335 = arith.constant 512 : i32
      %add3A_2336 = arith.addi %add3A_2335, %mul3A_2334 : i32
      "tpu.region"() ({
        %run_scoped3A_2337 = tpu.sem_alloc : memref<!tpu.dma_semaphore, #tpu.memory_space<semaphore_mem>>
        %dma_start3A_2338 = arith.constant 0 : i32
        %dma_start3A_2339 = arith.constant 0 : i32
        %dma_start3A_2340 = tpu.memref_slice %arg7[%dma_start3A_2338, %dma_start3A_2339] : memref<32x128xf32, #tpu.memory_space<vmem>> -> memref<8x128xf32, #tpu.memory_space<vmem>>
        %dma_start3A_2341 = arith.constant 0 : i32
        %dma_start3A_2342 = tpu.memref_slice %arg9[%add3A_2336, %dma_start3A_2341] : memref<528x128xf32, #tpu.memory_space<vmem_shared>> -> memref<8x128xf32, #tpu.memory_space<vmem_shared>>
        %dma_start3A_2343 = arith.constant 0 : i32
        %dma_start3A_2344 = tpu.memref_slice %arg9[%add3A_2336, %dma_start3A_2343] : memref<528x128xf32, #tpu.memory_space<vmem_shared>> -> memref<8x128xf32, #tpu.memory_space<vmem_shared>>
        %dma_start3A_2345 = arith.constant 0 : i32
        %dma_start3A_2346 = arith.constant 0 : i32
        %dma_start3A_2347 = tpu.memref_slice %arg7[%dma_start3A_2345, %dma_start3A_2346] : memref<32x128xf32, #tpu.memory_space<vmem>> -> memref<8x128xf32, #tpu.memory_space<vmem>>
        tpu.enqueue_dma source(%dma_start3A_2347 : memref<8x128xf32, #tpu.memory_space<vmem>>) target(%dma_start3A_2344 : memref<8x128xf32, #tpu.memory_space<vmem_shared>>) target_semaphore(%run_scoped3A_2337 : memref<!tpu.dma_semaphore, #tpu.memory_space<semaphore_mem>>)
        %dma_wait3A_2348 = arith.constant 0 : i32
        %dma_wait3A_2349 = arith.constant 0 : i32
        %dma_wait3A_2350 = tpu.memref_slice %arg7[%dma_wait3A_2348, %dma_wait3A_2349] : memref<32x128xf32, #tpu.memory_space<vmem>> -> memref<8x128xf32, #tpu.memory_space<vmem>>
        %dma_wait3A_2351 = arith.constant 0 : i32
        %dma_wait3A_2352 = tpu.memref_slice %arg9[%add3A_2336, %dma_wait3A_2351] : memref<528x128xf32, #tpu.memory_space<vmem_shared>> -> memref<8x128xf32, #tpu.memory_space<vmem_shared>>
        %dma_wait3A_2353 = arith.constant 0 : i32
        %dma_wait3A_2354 = tpu.memref_slice %arg9[%add3A_2336, %dma_wait3A_2353] : memref<528x128xf32, #tpu.memory_space<vmem_shared>> -> memref<8x128xf32, #tpu.memory_space<vmem_shared>>
        %dma_wait3A_2355 = arith.constant 0 : i32
        %dma_wait3A_2356 = arith.constant 0 : i32
        %dma_wait3A_2357 = tpu.memref_slice %arg7[%dma_wait3A_2355, %dma_wait3A_2356] : memref<32x128xf32, #tpu.memory_space<vmem>> -> memref<8x128xf32, #tpu.memory_space<vmem>>
        tpu.wait_dma2 semaphore(%run_scoped3A_2337 : memref<!tpu.dma_semaphore, #tpu.memory_space<semaphore_mem>>) src(%dma_wait3A_2357 : memref<8x128xf32, #tpu.memory_space<vmem>>) dst(%dma_wait3A_2354 : memref<8x128xf32, #tpu.memory_space<vmem_shared>>)
        tpu.yield
      }) : () -> ()
    } else {
    }
    "tpu.region"() ({
      %run_scoped3A_2333 = tpu.sem_alloc : memref<!tpu.dma_semaphore, #tpu.memory_space<semaphore_mem>>
      %dma_start3A_2334 = arith.constant 0 : i32
      %dma_start3A_2335 = arith.constant 0 : i32
      %dma_start3A_2336 = tpu.memref_slice %arg3[%arg1, %dma_start3A_2334, %dma_start3A_2335] : memref<16x11x128xi32, #tpu.memory_space<hbm>> -> memref<1x11x128xi32, #tpu.memory_space<hbm>>
      %dma_start3A_2337 = tpu.memref_squeeze %dma_start3A_2336 : memref<1x11x128xi32, #tpu.memory_space<hbm>> -> memref<11x128xi32, #tpu.memory_space<hbm>>
      %dma_start3A_2338 = arith.constant 0 : i32
      %dma_start3A_2339 = arith.constant 0 : i32
      %dma_start3A_2340 = tpu.memref_slice %arg3[%arg1, %dma_start3A_2338, %dma_start3A_2339] : memref<16x11x128xi32, #tpu.memory_space<hbm>> -> memref<1x11x128xi32, #tpu.memory_space<hbm>>
      %dma_start3A_2341 = tpu.memref_squeeze %dma_start3A_2340 : memref<1x11x128xi32, #tpu.memory_space<hbm>> -> memref<11x128xi32, #tpu.memory_space<hbm>>
      tpu.enqueue_dma source(%dma_start3A_2341 : memref<11x128xi32, #tpu.memory_space<hbm>>) target(%arg5 : memref<11x128xi32, #tpu.memory_space<vmem>>) target_semaphore(%run_scoped3A_2333 : memref<!tpu.dma_semaphore, #tpu.memory_space<semaphore_mem>>)
      %dma_wait3A_2342 = arith.constant 0 : i32
      %dma_wait3A_2343 = arith.constant 0 : i32
      %dma_wait3A_2344 = tpu.memref_slice %arg3[%arg1, %dma_wait3A_2342, %dma_wait3A_2343] : memref<16x11x128xi32, #tpu.memory_space<hbm>> -> memref<1x11x128xi32, #tpu.memory_space<hbm>>
      %dma_wait3A_2345 = tpu.memref_squeeze %dma_wait3A_2344 : memref<1x11x128xi32, #tpu.memory_space<hbm>> -> memref<11x128xi32, #tpu.memory_space<hbm>>
      %dma_wait3A_2346 = arith.constant 0 : i32
      %dma_wait3A_2347 = arith.constant 0 : i32
      %dma_wait3A_2348 = tpu.memref_slice %arg3[%arg1, %dma_wait3A_2346, %dma_wait3A_2347] : memref<16x11x128xi32, #tpu.memory_space<hbm>> -> memref<1x11x128xi32, #tpu.memory_space<hbm>>
      %dma_wait3A_2349 = tpu.memref_squeeze %dma_wait3A_2348 : memref<1x11x128xi32, #tpu.memory_space<hbm>> -> memref<11x128xi32, #tpu.memory_space<hbm>>
      tpu.wait_dma2 semaphore(%run_scoped3A_2333 : memref<!tpu.dma_semaphore, #tpu.memory_space<semaphore_mem>>) src(%dma_wait3A_2349 : memref<11x128xi32, #tpu.memory_space<hbm>>) dst(%arg5 : memref<11x128xi32, #tpu.memory_space<vmem>>)
      tpu.yield
    }) : () -> ()
    %barrier3A = arith.constant 0 : index
    tpu.barrier barrier_id(%barrier3A)
    %scan3A = arith.constant 0 : i32
    %scan3A_440 = arith.constant 0 : i32
    %scan3A_441 = arith.constant 5 : i32
    %scan3A_442 = arith.addi %scan3A_440, %scan3A_441 : i32
    %scan3A_443 = arith.constant 1 : i32
    scf.for %scan3A_2333 = %scan3A_440 to %scan3A_442 step %scan3A_443  : i32 {
      %mul3A_2334 = arith.constant 2 : i32
      %mul3A_2335 = arith.muli %mul3A_2334, %scan3A_2333 : i32
      %add3A_2336 = arith.constant 0 : i32
      %add3A_2337 = arith.addi %mul3A_2335, %add3A_2336 : i32
      %mul3A_2338 = arith.constant 128 : i32
      %mul3A_2339 = arith.muli %add3A_2337, %mul3A_2338 : i32
      %add3A_2340 = arith.addi %add3A_4, %mul3A_2339 : i32
      %dma_wait3A_2341 = arith.constant 0 : i32
      %dma_wait3A_2342 = arith.constant 0 : i32
      %dma_wait3A_2343 = arith.constant 0 : i32
      %dma_wait3A_2344 = tpu.memref_slice %arg6[%dma_wait3A_2341, %dma_wait3A_2342, %dma_wait3A_2343] : memref<2x128x128xf32, #tpu.memory_space<vmem>> -> memref<1x128x128xf32, #tpu.memory_space<vmem>>
      %dma_wait3A_2345 = tpu.memref_squeeze %dma_wait3A_2344 : memref<1x128x128xf32, #tpu.memory_space<vmem>> -> memref<128x128xf32, #tpu.memory_space<vmem>>
      %dma_wait3A_2346 = tpu.memref_slice %arg2[%add3A_2340, %mul3A_0] : memref<50000x256xf32, #tpu.memory_space<hbm>> -> memref<128x128xf32, #tpu.memory_space<hbm>>
      %dma_wait3A_2347 = arith.constant 0 : i32
      %dma_wait3A_2348 = arith.constant 0 : i32
      %dma_wait3A_2349 = tpu.memref_slice %arg6[%dma_wait3A_2341, %dma_wait3A_2347, %dma_wait3A_2348] : memref<2x128x128xf32, #tpu.memory_space<vmem>> -> memref<1x128x128xf32, #tpu.memory_space<vmem>>
      %dma_wait3A_2350 = tpu.memref_squeeze %dma_wait3A_2349 : memref<1x128x128xf32, #tpu.memory_space<vmem>> -> memref<128x128xf32, #tpu.memory_space<vmem>>
      %dma_wait3A_2351 = tpu.memref_slice %arg2[%add3A_2340, %mul3A_0] : memref<50000x256xf32, #tpu.memory_space<hbm>> -> memref<128x128xf32, #tpu.memory_space<hbm>>
      tpu.wait_dma2 semaphore(%arg10 : memref<!tpu.dma_semaphore, #tpu.memory_space<semaphore_mem>>) src(%dma_wait3A_2351 : memref<128x128xf32, #tpu.memory_space<hbm>>) dst(%dma_wait3A_2350 : memref<128x128xf32, #tpu.memory_space<vmem>>)
      %run_scoped3A_2352 = arith.constant 0 : i32
      "tpu.region"() ({
        %run_scoped3A_2386 = tpu.sem_alloc : memref<!tpu.dma_semaphore, #tpu.memory_space<semaphore_mem>>
        %dma_start3A_2387 = arith.constant 0 : i32
        %dma_start3A_2388 = arith.constant 0 : i32
        %dma_start3A_2389 = tpu.memref_slice %arg6[%run_scoped3A_2352, %dma_start3A_2387, %dma_start3A_2388] : memref<2x128x128xf32, #tpu.memory_space<vmem>> -> memref<1x128x128xf32, #tpu.memory_space<vmem>>
        %dma_start3A_2390 = tpu.memref_squeeze %dma_start3A_2389 : memref<1x128x128xf32, #tpu.memory_space<vmem>> -> memref<128x128xf32, #tpu.memory_space<vmem>>
        %dma_start3A_2391 = arith.constant 0 : i32
        %dma_start3A_2392 = tpu.memref_slice %arg5[%add3A_2337, %dma_start3A_2391] : memref<11x128xi32, #tpu.memory_space<vmem>> -> memref<1x128xi32, #tpu.memory_space<vmem>>
        %dma_start3A_2393 = tpu.memref_squeeze %dma_start3A_2392 : memref<1x128xi32, #tpu.memory_space<vmem>> -> memref<128xi32, #tpu.memory_space<vmem>>
        %dma_start3A_2394 = arith.constant 0 : i32
        %dma_start3A_2395 = arith.constant 0 : i32
        %dma_start3A_2396 = tpu.memref_slice %arg9[%dma_start3A_2394, %dma_start3A_2395] : memref<528x128xf32, #tpu.memory_space<vmem_shared>> -> memref<528x128xf32, #tpu.memory_space<vmem_shared>>
        tpu.enqueue_indirect_dma source(%dma_start3A_2390 : memref<128x128xf32, #tpu.memory_space<vmem>>) target(%dma_start3A_2396 : memref<528x128xf32, #tpu.memory_space<vmem_shared>>) offsets(%dma_start3A_2393 : memref<128xi32, #tpu.memory_space<vmem>>) semaphore(%run_scoped3A_2386 : memref<!tpu.dma_semaphore, #tpu.memory_space<semaphore_mem>>) {add = true}
        %dma_wait3A_2397 = arith.constant 0 : i32
        %dma_wait3A_2398 = arith.constant 0 : i32
        %dma_wait3A_2399 = tpu.memref_slice %arg6[%run_scoped3A_2352, %dma_wait3A_2397, %dma_wait3A_2398] : memref<2x128x128xf32, #tpu.memory_space<vmem>> -> memref<1x128x128xf32, #tpu.memory_space<vmem>>
        %dma_wait3A_2400 = tpu.memref_squeeze %dma_wait3A_2399 : memref<1x128x128xf32, #tpu.memory_space<vmem>> -> memref<128x128xf32, #tpu.memory_space<vmem>>
        %dma_wait3A_2401 = arith.constant 0 : i32
        %dma_wait3A_2402 = tpu.memref_slice %arg5[%add3A_2337, %dma_wait3A_2401] : memref<11x128xi32, #tpu.memory_space<vmem>> -> memref<1x128xi32, #tpu.memory_space<vmem>>
        %dma_wait3A_2403 = tpu.memref_squeeze %dma_wait3A_2402 : memref<1x128xi32, #tpu.memory_space<vmem>> -> memref<128xi32, #tpu.memory_space<vmem>>
        %dma_wait3A_2404 = arith.constant 0 : i32
        %dma_wait3A_2405 = arith.constant 0 : i32
        %dma_wait3A_2406 = tpu.memref_slice %arg9[%dma_wait3A_2404, %dma_wait3A_2405] : memref<528x128xf32, #tpu.memory_space<vmem_shared>> -> memref<528x128xf32, #tpu.memory_space<vmem_shared>>
        tpu.wait_indirect_dma semaphore(%run_scoped3A_2386 : memref<!tpu.dma_semaphore, #tpu.memory_space<semaphore_mem>>) src(%dma_wait3A_2400 : memref<128x128xf32, #tpu.memory_space<vmem>>) dst(%dma_wait3A_2406 : memref<528x128xf32, #tpu.memory_space<vmem_shared>>)
        tpu.yield
      }) : () -> ()
      %add3A_2353 = arith.constant 2 : i32
      %add3A_2354 = arith.addi %add3A_2337, %add3A_2353 : i32
      %lt3A_2355 = arith.constant 10 : i32
      %lt3A_2356 = arith.cmpi slt, %add3A_2354, %lt3A_2355 : i32
      %convert_element_type3A_2357 = arith.extui %lt3A_2356 : i1 to i32
      %cond3A_2358 = arith.constant 0 : i32
      %cond3A_2359 = arith.cmpi ne, %convert_element_type3A_2357, %cond3A_2358 : i32
      scf.if %cond3A_2359 {
        %add3A_2386 = arith.constant 2 : i32
        %add3A_2387 = arith.addi %add3A_2337, %add3A_2386 : i32
        %mul3A_2388 = arith.constant 128 : i32
        %mul3A_2389 = arith.muli %add3A_2387, %mul3A_2388 : i32
        %add3A_2390 = arith.addi %add3A_4, %mul3A_2389 : i32
        %dma_start3A_2391 = arith.constant 0 : i32
        %dma_start3A_2392 = arith.constant 0 : i32
        %dma_start3A_2393 = arith.constant 0 : i32
        %dma_start3A_2394 = tpu.memref_slice %arg6[%dma_start3A_2391, %dma_start3A_2392, %dma_start3A_2393] : memref<2x128x128xf32, #tpu.memory_space<vmem>> -> memref<1x128x128xf32, #tpu.memory_space<vmem>>
        %dma_start3A_2395 = tpu.memref_squeeze %dma_start3A_2394 : memref<1x128x128xf32, #tpu.memory_space<vmem>> -> memref<128x128xf32, #tpu.memory_space<vmem>>
        %dma_start3A_2396 = tpu.memref_slice %arg2[%add3A_2390, %mul3A_0] : memref<50000x256xf32, #tpu.memory_space<hbm>> -> memref<128x128xf32, #tpu.memory_space<hbm>>
        %dma_start3A_2397 = arith.constant 0 : i32
        %dma_start3A_2398 = arith.constant 0 : i32
        %dma_start3A_2399 = tpu.memref_slice %arg6[%dma_start3A_2391, %dma_start3A_2397, %dma_start3A_2398] : memref<2x128x128xf32, #tpu.memory_space<vmem>> -> memref<1x128x128xf32, #tpu.memory_space<vmem>>
        %dma_start3A_2400 = tpu.memref_squeeze %dma_start3A_2399 : memref<1x128x128xf32, #tpu.memory_space<vmem>> -> memref<128x128xf32, #tpu.memory_space<vmem>>
        %dma_start3A_2401 = tpu.memref_slice %arg2[%add3A_2390, %mul3A_0] : memref<50000x256xf32, #tpu.memory_space<hbm>> -> memref<128x128xf32, #tpu.memory_space<hbm>>
        tpu.enqueue_dma source(%dma_start3A_2401 : memref<128x128xf32, #tpu.memory_space<hbm>>) target(%dma_start3A_2400 : memref<128x128xf32, #tpu.memory_space<vmem>>) target_semaphore(%arg10 : memref<!tpu.dma_semaphore, #tpu.memory_space<semaphore_mem>>)
      } else {
      }
      %mul3A_2360 = arith.constant 2 : i32
      %mul3A_2361 = arith.muli %mul3A_2360, %scan3A_2333 : i32
      %add3A_2362 = arith.constant 1 : i32
      %add3A_2363 = arith.addi %mul3A_2361, %add3A_2362 : i32
      %mul3A_2364 = arith.constant 128 : i32
      %mul3A_2365 = arith.muli %add3A_2363, %mul3A_2364 : i32
      %add3A_2366 = arith.addi %add3A_4, %mul3A_2365 : i32
      %dma_wait3A_2367 = arith.constant 1 : i32
      %dma_wait3A_2368 = arith.constant 0 : i32
      %dma_wait3A_2369 = arith.constant 0 : i32
      %dma_wait3A_2370 = tpu.memref_slice %arg6[%dma_wait3A_2367, %dma_wait3A_2368, %dma_wait3A_2369] : memref<2x128x128xf32, #tpu.memory_space<vmem>> -> memref<1x128x128xf32, #tpu.memory_space<vmem>>
      %dma_wait3A_2371 = tpu.memref_squeeze %dma_wait3A_2370 : memref<1x128x128xf32, #tpu.memory_space<vmem>> -> memref<128x128xf32, #tpu.memory_space<vmem>>
      %dma_wait3A_2372 = tpu.memref_slice %arg2[%add3A_2366, %mul3A_0] : memref<50000x256xf32, #tpu.memory_space<hbm>> -> memref<128x128xf32, #tpu.memory_space<hbm>>
      %dma_wait3A_2373 = arith.constant 0 : i32
      %dma_wait3A_2374 = arith.constant 0 : i32
      %dma_wait3A_2375 = tpu.memref_slice %arg6[%dma_wait3A_2367, %dma_wait3A_2373, %dma_wait3A_2374] : memref<2x128x128xf32, #tpu.memory_space<vmem>> -> memref<1x128x128xf32, #tpu.memory_space<vmem>>
      %dma_wait3A_2376 = tpu.memref_squeeze %dma_wait3A_2375 : memref<1x128x128xf32, #tpu.memory_space<vmem>> -> memref<128x128xf32, #tpu.memory_space<vmem>>
      %dma_wait3A_2377 = tpu.memref_slice %arg2[%add3A_2366, %mul3A_0] : memref<50000x256xf32, #tpu.memory_space<hbm>> -> memref<128x128xf32, #tpu.memory_space<hbm>>
      tpu.wait_dma2 semaphore(%arg11 : memref<!tpu.dma_semaphore, #tpu.memory_space<semaphore_mem>>) src(%dma_wait3A_2377 : memref<128x128xf32, #tpu.memory_space<hbm>>) dst(%dma_wait3A_2376 : memref<128x128xf32, #tpu.memory_space<vmem>>)
      %run_scoped3A_2378 = arith.constant 1 : i32
      "tpu.region"() ({
        %run_scoped3A_2386 = tpu.sem_alloc : memref<!tpu.dma_semaphore, #tpu.memory_space<semaphore_mem>>
        %dma_start3A_2387 = arith.constant 0 : i32
        %dma_start3A_2388 = arith.constant 0 : i32
        %dma_start3A_2389 = tpu.memref_slice %arg6[%run_scoped3A_2378, %dma_start3A_2387, %dma_start3A_2388] : memref<2x128x128xf32, #tpu.memory_space<vmem>> -> memref<1x128x128xf32, #tpu.memory_space<vmem>>
        %dma_start3A_2390 = tpu.memref_squeeze %dma_start3A_2389 : memref<1x128x128xf32, #tpu.memory_space<vmem>> -> memref<128x128xf32, #tpu.memory_space<vmem>>
        %dma_start3A_2391 = arith.constant 0 : i32
        %dma_start3A_2392 = tpu.memref_slice %arg5[%add3A_2363, %dma_start3A_2391] : memref<11x128xi32, #tpu.memory_space<vmem>> -> memref<1x128xi32, #tpu.memory_space<vmem>>
        %dma_start3A_2393 = tpu.memref_squeeze %dma_start3A_2392 : memref<1x128xi32, #tpu.memory_space<vmem>> -> memref<128xi32, #tpu.memory_space<vmem>>
        %dma_start3A_2394 = arith.constant 0 : i32
        %dma_start3A_2395 = arith.constant 0 : i32
        %dma_start3A_2396 = tpu.memref_slice %arg9[%dma_start3A_2394, %dma_start3A_2395] : memref<528x128xf32, #tpu.memory_space<vmem_shared>> -> memref<528x128xf32, #tpu.memory_space<vmem_shared>>
        tpu.enqueue_indirect_dma source(%dma_start3A_2390 : memref<128x128xf32, #tpu.memory_space<vmem>>) target(%dma_start3A_2396 : memref<528x128xf32, #tpu.memory_space<vmem_shared>>) offsets(%dma_start3A_2393 : memref<128xi32, #tpu.memory_space<vmem>>) semaphore(%run_scoped3A_2386 : memref<!tpu.dma_semaphore, #tpu.memory_space<semaphore_mem>>) {add = true}
        %dma_wait3A_2397 = arith.constant 0 : i32
        %dma_wait3A_2398 = arith.constant 0 : i32
        %dma_wait3A_2399 = tpu.memref_slice %arg6[%run_scoped3A_2378, %dma_wait3A_2397, %dma_wait3A_2398] : memref<2x128x128xf32, #tpu.memory_space<vmem>> -> memref<1x128x128xf32, #tpu.memory_space<vmem>>
        %dma_wait3A_2400 = tpu.memref_squeeze %dma_wait3A_2399 : memref<1x128x128xf32, #tpu.memory_space<vmem>> -> memref<128x128xf32, #tpu.memory_space<vmem>>
        %dma_wait3A_2401 = arith.constant 0 : i32
        %dma_wait3A_2402 = tpu.memref_slice %arg5[%add3A_2363, %dma_wait3A_2401] : memref<11x128xi32, #tpu.memory_space<vmem>> -> memref<1x128xi32, #tpu.memory_space<vmem>>
        %dma_wait3A_2403 = tpu.memref_squeeze %dma_wait3A_2402 : memref<1x128xi32, #tpu.memory_space<vmem>> -> memref<128xi32, #tpu.memory_space<vmem>>
        %dma_wait3A_2404 = arith.constant 0 : i32
        %dma_wait3A_2405 = arith.constant 0 : i32
        %dma_wait3A_2406 = tpu.memref_slice %arg9[%dma_wait3A_2404, %dma_wait3A_2405] : memref<528x128xf32, #tpu.memory_space<vmem_shared>> -> memref<528x128xf32, #tpu.memory_space<vmem_shared>>
        tpu.wait_indirect_dma semaphore(%run_scoped3A_2386 : memref<!tpu.dma_semaphore, #tpu.memory_space<semaphore_mem>>) src(%dma_wait3A_2400 : memref<128x128xf32, #tpu.memory_space<vmem>>) dst(%dma_wait3A_2406 : memref<528x128xf32, #tpu.memory_space<vmem_shared>>)
        tpu.yield
      }) : () -> ()
      %add3A_2379 = arith.constant 2 : i32
      %add3A_2380 = arith.addi %add3A_2363, %add3A_2379 : i32
      %lt3A_2381 = arith.constant 10 : i32
      %lt3A_2382 = arith.cmpi slt, %add3A_2380, %lt3A_2381 : i32
      %convert_element_type3A_2383 = arith.extui %lt3A_2382 : i1 to i32
      %cond3A_2384 = arith.constant 0 : i32
      %cond3A_2385 = arith.cmpi ne, %convert_element_type3A_2383, %cond3A_2384 : i32
      scf.if %cond3A_2385 {
        %add3A_2386 = arith.constant 2 : i32
        %add3A_2387 = arith.addi %add3A_2363, %add3A_2386 : i32
        %mul3A_2388 = arith.constant 128 : i32
        %mul3A_2389 = arith.muli %add3A_2387, %mul3A_2388 : i32
        %add3A_2390 = arith.addi %add3A_4, %mul3A_2389 : i32
        %dma_start3A_2391 = arith.constant 1 : i32
        %dma_start3A_2392 = arith.constant 0 : i32
        %dma_start3A_2393 = arith.constant 0 : i32
        %dma_start3A_2394 = tpu.memref_slice %arg6[%dma_start3A_2391, %dma_start3A_2392, %dma_start3A_2393] : memref<2x128x128xf32, #tpu.memory_space<vmem>> -> memref<1x128x128xf32, #tpu.memory_space<vmem>>
        %dma_start3A_2395 = tpu.memref_squeeze %dma_start3A_2394 : memref<1x128x128xf32, #tpu.memory_space<vmem>> -> memref<128x128xf32, #tpu.memory_space<vmem>>
        %dma_start3A_2396 = tpu.memref_slice %arg2[%add3A_2390, %mul3A_0] : memref<50000x256xf32, #tpu.memory_space<hbm>> -> memref<128x128xf32, #tpu.memory_space<hbm>>
        %dma_start3A_2397 = arith.constant 0 : i32
        %dma_start3A_2398 = arith.constant 0 : i32
        %dma_start3A_2399 = tpu.memref_slice %arg6[%dma_start3A_2391, %dma_start3A_2397, %dma_start3A_2398] : memref<2x128x128xf32, #tpu.memory_space<vmem>> -> memref<1x128x128xf32, #tpu.memory_space<vmem>>
        %dma_start3A_2400 = tpu.memref_squeeze %dma_start3A_2399 : memref<1x128x128xf32, #tpu.memory_space<vmem>> -> memref<128x128xf32, #tpu.memory_space<vmem>>
        %dma_start3A_2401 = tpu.memref_slice %arg2[%add3A_2390, %mul3A_0] : memref<50000x256xf32, #tpu.memory_space<hbm>> -> memref<128x128xf32, #tpu.memory_space<hbm>>
        tpu.enqueue_dma source(%dma_start3A_2401 : memref<128x128xf32, #tpu.memory_space<hbm>>) target(%dma_start3A_2400 : memref<128x128xf32, #tpu.memory_space<vmem>>) target_semaphore(%arg11 : memref<!tpu.dma_semaphore, #tpu.memory_space<semaphore_mem>>)
      } else {
      }
    }
    %scan3A_444 = arith.constant 5 : i32
    %add3A_445 = arith.constant 1280 : i32
    %add3A_446 = arith.addi %add3A_4, %add3A_445 : i32
    %dma_start3A_447 = arith.constant 0 : i32
    %dma_start3A_448 = arith.constant 0 : i32
    %dma_start3A_449 = arith.constant 0 : i32
    %dma_start3A_450 = tpu.memref_slice %arg6[%dma_start3A_447, %dma_start3A_448, %dma_start3A_449] : memref<2x128x128xf32, #tpu.memory_space<vmem>> -> memref<1x56x128xf32, #tpu.memory_space<vmem>>
    %dma_start3A_451 = tpu.memref_squeeze %dma_start3A_450 : memref<1x56x128xf32, #tpu.memory_space<vmem>> -> memref<56x128xf32, #tpu.memory_space<vmem>>
    %dma_start3A_452 = tpu.memref_slice %arg2[%add3A_446, %mul3A_0] : memref<50000x256xf32, #tpu.memory_space<hbm>> -> memref<56x128xf32, #tpu.memory_space<hbm>>
    %dma_start3A_453 = arith.constant 0 : i32
    %dma_start3A_454 = arith.constant 0 : i32
    %dma_start3A_455 = tpu.memref_slice %arg6[%dma_start3A_447, %dma_start3A_453, %dma_start3A_454] : memref<2x128x128xf32, #tpu.memory_space<vmem>> -> memref<1x56x128xf32, #tpu.memory_space<vmem>>
    %dma_start3A_456 = tpu.memref_squeeze %dma_start3A_455 : memref<1x56x128xf32, #tpu.memory_space<vmem>> -> memref<56x128xf32, #tpu.memory_space<vmem>>
    %dma_start3A_457 = tpu.memref_slice %arg2[%add3A_446, %mul3A_0] : memref<50000x256xf32, #tpu.memory_space<hbm>> -> memref<56x128xf32, #tpu.memory_space<hbm>>
    tpu.enqueue_dma source(%dma_start3A_457 : memref<56x128xf32, #tpu.memory_space<hbm>>) target(%dma_start3A_456 : memref<56x128xf32, #tpu.memory_space<vmem>>) target_semaphore(%arg10 : memref<!tpu.dma_semaphore, #tpu.memory_space<semaphore_mem>>)
    %add3A_458 = arith.constant 1280 : i32
    %add3A_459 = arith.addi %add3A_4, %add3A_458 : i32
    %dma_wait3A = arith.constant 0 : i32
    %dma_wait3A_460 = arith.constant 0 : i32
    %dma_wait3A_461 = arith.constant 0 : i32
    %dma_wait3A_462 = tpu.memref_slice %arg6[%dma_wait3A, %dma_wait3A_460, %dma_wait3A_461] : memref<2x128x128xf32, #tpu.memory_space<vmem>> -> memref<1x56x128xf32, #tpu.memory_space<vmem>>
    %dma_wait3A_463 = tpu.memref_squeeze %dma_wait3A_462 : memref<1x56x128xf32, #tpu.memory_space<vmem>> -> memref<56x128xf32, #tpu.memory_space<vmem>>
    %dma_wait3A_464 = tpu.memref_slice %arg2[%add3A_459, %mul3A_0] : memref<50000x256xf32, #tpu.memory_space<hbm>> -> memref<56x128xf32, #tpu.memory_space<hbm>>
    %dma_wait3A_465 = arith.constant 0 : i32
    %dma_wait3A_466 = arith.constant 0 : i32
    %dma_wait3A_467 = tpu.memref_slice %arg6[%dma_wait3A, %dma_wait3A_465, %dma_wait3A_466] : memref<2x128x128xf32, #tpu.memory_space<vmem>> -> memref<1x56x128xf32, #tpu.memory_space<vmem>>
    %dma_wait3A_468 = tpu.memref_squeeze %dma_wait3A_467 : memref<1x56x128xf32, #tpu.memory_space<vmem>> -> memref<56x128xf32, #tpu.memory_space<vmem>>
    %dma_wait3A_469 = tpu.memref_slice %arg2[%add3A_459, %mul3A_0] : memref<50000x256xf32, #tpu.memory_space<hbm>> -> memref<56x128xf32, #tpu.memory_space<hbm>>
    tpu.wait_dma2 semaphore(%arg10 : memref<!tpu.dma_semaphore, #tpu.memory_space<semaphore_mem>>) src(%dma_wait3A_469 : memref<56x128xf32, #tpu.memory_space<hbm>>) dst(%dma_wait3A_468 : memref<56x128xf32, #tpu.memory_space<vmem>>)
    %run_scoped3A = arith.constant 0 : i32
    %run_scoped3A_470 = arith.constant 10 : i32
    "tpu.region"() ({
      %run_scoped3A_2333 = tpu.sem_alloc : memref<!tpu.dma_semaphore, #tpu.memory_space<semaphore_mem>>
      %dma_start3A_2334 = arith.constant 0 : i32
      %dma_start3A_2335 = arith.constant 0 : i32
      %dma_start3A_2336 = tpu.memref_slice %arg6[%run_scoped3A, %dma_start3A_2334, %dma_start3A_2335] : memref<2x128x128xf32, #tpu.memory_space<vmem>> -> memref<1x128x128xf32, #tpu.memory_space<vmem>>
      %dma_start3A_2337 = tpu.memref_squeeze %dma_start3A_2336 : memref<1x128x128xf32, #tpu.memory_space<vmem>> -> memref<128x128xf32, #tpu.memory_space<vmem>>
      %dma_start3A_2338 = arith.constant 0 : i32
      %dma_start3A_2339 = tpu.memref_slice %arg5[%run_scoped3A_470, %dma_start3A_2338] : memref<11x128xi32, #tpu.memory_space<vmem>> -> memref<1x128xi32, #tpu.memory_space<vmem>>
      %dma_start3A_2340 = tpu.memref_squeeze %dma_start3A_2339 : memref<1x128xi32, #tpu.memory_space<vmem>> -> memref<128xi32, #tpu.memory_space<vmem>>
      %dma_start3A_2341 = arith.constant 0 : i32
      %dma_start3A_2342 = arith.constant 0 : i32
      %dma_start3A_2343 = tpu.memref_slice %arg9[%dma_start3A_2341, %dma_start3A_2342] : memref<528x128xf32, #tpu.memory_space<vmem_shared>> -> memref<528x128xf32, #tpu.memory_space<vmem_shared>>
      tpu.enqueue_indirect_dma source(%dma_start3A_2337 : memref<128x128xf32, #tpu.memory_space<vmem>>) target(%dma_start3A_2343 : memref<528x128xf32, #tpu.memory_space<vmem_shared>>) offsets(%dma_start3A_2340 : memref<128xi32, #tpu.memory_space<vmem>>) semaphore(%run_scoped3A_2333 : memref<!tpu.dma_semaphore, #tpu.memory_space<semaphore_mem>>) {add = true}
      %dma_wait3A_2344 = arith.constant 0 : i32
      %dma_wait3A_2345 = arith.constant 0 : i32
      %dma_wait3A_2346 = tpu.memref_slice %arg6[%run_scoped3A, %dma_wait3A_2344, %dma_wait3A_2345] : memref<2x128x128xf32, #tpu.memory_space<vmem>> -> memref<1x128x128xf32, #tpu.memory_space<vmem>>
      %dma_wait3A_2347 = tpu.memref_squeeze %dma_wait3A_2346 : memref<1x128x128xf32, #tpu.memory_space<vmem>> -> memref<128x128xf32, #tpu.memory_space<vmem>>
      %dma_wait3A_2348 = arith.constant 0 : i32
      %dma_wait3A_2349 = tpu.memref_slice %arg5[%run_scoped3A_470, %dma_wait3A_2348] : memref<11x128xi32, #tpu.memory_space<vmem>> -> memref<1x128xi32, #tpu.memory_space<vmem>>
      %dma_wait3A_2350 = tpu.memref_squeeze %dma_wait3A_2349 : memref<1x128xi32, #tpu.memory_space<vmem>> -> memref<128xi32, #tpu.memory_space<vmem>>
      %dma_wait3A_2351 = arith.constant 0 : i32
      %dma_wait3A_2352 = arith.constant 0 : i32
      %dma_wait3A_2353 = tpu.memref_slice %arg9[%dma_wait3A_2351, %dma_wait3A_2352] : memref<528x128xf32, #tpu.memory_space<vmem_shared>> -> memref<528x128xf32, #tpu.memory_space<vmem_shared>>
      tpu.wait_indirect_dma semaphore(%run_scoped3A_2333 : memref<!tpu.dma_semaphore, #tpu.memory_space<semaphore_mem>>) src(%dma_wait3A_2347 : memref<128x128xf32, #tpu.memory_space<vmem>>) dst(%dma_wait3A_2353 : memref<528x128xf32, #tpu.memory_space<vmem_shared>>)
      tpu.yield
    }) : () -> ()
    %barrier3A_471 = arith.constant 0 : index
    tpu.barrier barrier_id(%barrier3A_471)
    %mul3A_472 = arith.constant 8 : i32
    %mul3A_473 = arith.muli %arg1, %mul3A_472 : i32
    %mul3A_474 = arith.constant 4 : i32
    %mul3A_475 = arith.muli %mul3A_473, %mul3A_474 : i32
    "tpu.region"() ({
      %run_scoped3A_2333 = tpu.sem_alloc : memref<!tpu.dma_semaphore, #tpu.memory_space<semaphore_mem>>
      %dma_start3A_2334 = arith.constant 0 : i32
      %dma_start3A_2335 = tpu.memref_slice %arg9[%mul3A_475, %dma_start3A_2334] : memref<528x128xf32, #tpu.memory_space<vmem_shared>> -> memref<32x128xf32, #tpu.memory_space<vmem_shared>>
      %dma_start3A_2336 = arith.constant 0 : i32
      %dma_start3A_2337 = tpu.memref_slice %arg9[%mul3A_475, %dma_start3A_2336] : memref<528x128xf32, #tpu.memory_space<vmem_shared>> -> memref<32x128xf32, #tpu.memory_space<vmem_shared>>
      tpu.enqueue_dma source(%dma_start3A_2337 : memref<32x128xf32, #tpu.memory_space<vmem_shared>>) target(%arg7 : memref<32x128xf32, #tpu.memory_space<vmem>>) target_semaphore(%run_scoped3A_2333 : memref<!tpu.dma_semaphore, #tpu.memory_space<semaphore_mem>>)
      %dma_wait3A_2338 = arith.constant 0 : i32
      %dma_wait3A_2339 = tpu.memref_slice %arg9[%mul3A_475, %dma_wait3A_2338] : memref<528x128xf32, #tpu.memory_space<vmem_shared>> -> memref<32x128xf32, #tpu.memory_space<vmem_shared>>
      %dma_wait3A_2340 = arith.constant 0 : i32
      %dma_wait3A_2341 = tpu.memref_slice %arg9[%mul3A_475, %dma_wait3A_2340] : memref<528x128xf32, #tpu.memory_space<vmem_shared>> -> memref<32x128xf32, #tpu.memory_space<vmem_shared>>
      tpu.wait_dma2 semaphore(%run_scoped3A_2333 : memref<!tpu.dma_semaphore, #tpu.memory_space<semaphore_mem>>) src(%dma_wait3A_2341 : memref<32x128xf32, #tpu.memory_space<vmem_shared>>) dst(%arg7 : memref<32x128xf32, #tpu.memory_space<vmem>>)
      tpu.yield
    }) : () -> ()
    %get3A = arith.constant 0 : i32
    %get3A_476 = arith.index_cast %get3A : i32 to index
    %get3A_477 = arith.constant 0 : index
    %get3A_478 = tpu.vector_load %arg7[%get3A_476, %get3A_477] {strides = array<i32>} : memref<32x128xf32, #tpu.memory_space<vmem>>, vector<1x16xf32>,
    %get3A_479 = vector.shape_cast %get3A_478 : vector<1x16xf32> to vector<16xf32>
    %get3A_480 = arith.constant 1 : i32
    %get3A_481 = arith.index_cast %get3A_480 : i32 to index
    %get3A_482 = arith.constant 0 : index
    %get3A_483 = tpu.vector_load %arg7[%get3A_481, %get3A_482] {strides = array<i32>} : memref<32x128xf32, #tpu.memory_space<vmem>>, vector<1x16xf32>,
    %get3A_484 = vector.shape_cast %get3A_483 : vector<1x16xf32> to vector<16xf32>
    %add3A_485 = arith.addf %get3A_479, %get3A_484 : vector<16xf32>
    %get3A_486 = arith.constant 2 : i32
    %get3A_487 = arith.index_cast %get3A_486 : i32 to index
    %get3A_488 = arith.constant 0 : index
    %get3A_489 = tpu.vector_load %arg7[%get3A_487, %get3A_488] {strides = array<i32>} : memref<32x128xf32, #tpu.memory_space<vmem>>, vector<1x16xf32>,
    %get3A_490 = vector.shape_cast %get3A_489 : vector<1x16xf32> to vector<16xf32>
    %add3A_491 = arith.addf %add3A_485, %get3A_490 : vector<16xf32>
    %get3A_492 = arith.constant 3 : i32
    %get3A_493 = arith.index_cast %get3A_492 : i32 to index
    %get3A_494 = arith.constant 0 : index
    %get3A_495 = tpu.vector_load %arg7[%get3A_493, %get3A_494] {strides = array<i32>} : memref<32x128xf32, #tpu.memory_space<vmem>>, vector<1x16xf32>,
    %get3A_496 = vector.shape_cast %get3A_495 : vector<1x16xf32> to vector<16xf32>
    %add3A_497 = arith.addf %add3A_491, %get3A_496 : vector<16xf32>
    %swap3A_498 = arith.constant 0 : i32
    %swap3A_499 = arith.index_cast %swap3A_498 : i32 to index
    %swap3A_500 = arith.constant 0 : index
    %swap3A_501 = tpu.vector_load %arg8[%swap3A_499, %swap3A_500] {strides = array<i32>} : memref<8x128xf32, #tpu.memory_space<vmem>>, vector<1x16xf32>,
    %swap3A_502 = vector.shape_cast %swap3A_501 : vector<1x16xf32> to vector<16xf32>
    %swap3A_503 = vector.shape_cast %add3A_497 : vector<16xf32> to vector<1x16xf32>
    tpu.vector_store %arg8[%swap3A_499, %swap3A_500], %swap3A_503 {strides = array<i32>} : memref<8x128xf32, #tpu.memory_space<vmem>>, vector<1x16xf32>,
    %get3A_504 = arith.constant 0 : i32
    %get3A_505 = arith.index_cast %get3A_504 : i32 to index
    %get3A_506 = arith.constant 16 : index
    %get3A_507 = tpu.vector_load %arg7[%get3A_505, %get3A_506] {strides = array<i32>} : memref<32x128xf32, #tpu.memory_space<vmem>>, vector<1x16xf32>,
    %get3A_508 = vector.shape_cast %get3A_507 : vector<1x16xf32> to vector<16xf32>
    %get3A_509 = arith.constant 1 : i32
    %get3A_510 = arith.index_cast %get3A_509 : i32 to index
    %get3A_511 = arith.constant 16 : index
    %get3A_512 = tpu.vector_load %arg7[%get3A_510, %get3A_511] {strides = array<i32>} : memref<32x128xf32, #tpu.memory_space<vmem>>, vector<1x16xf32>,
    %get3A_513 = vector.shape_cast %get3A_512 : vector<1x16xf32> to vector<16xf32>
    %add3A_514 = arith.addf %get3A_508, %get3A_513 : vector<16xf32>
    %get3A_515 = arith.constant 2 : i32
    %get3A_516 = arith.index_cast %get3A_515 : i32 to index
    %get3A_517 = arith.constant 16 : index
    %get3A_518 = tpu.vector_load %arg7[%get3A_516, %get3A_517] {strides = array<i32>} : memref<32x128xf32, #tpu.memory_space<vmem>>, vector<1x16xf32>,
    %get3A_519 = vector.shape_cast %get3A_518 : vector<1x16xf32> to vector<16xf32>
    %add3A_520 = arith.addf %add3A_514, %get3A_519 : vector<16xf32>
    %get3A_521 = arith.constant 3 : i32
    %get3A_522 = arith.index_cast %get3A_521 : i32 to index
    %get3A_523 = arith.constant 16 : index
    %get3A_524 = tpu.vector_load %arg7[%get3A_522, %get3A_523] {strides = array<i32>} : memref<32x128xf32, #tpu.memory_space<vmem>>, vector<1x16xf32>,
    %get3A_525 = vector.shape_cast %get3A_524 : vector<1x16xf32> to vector<16xf32>
    %add3A_526 = arith.addf %add3A_520, %get3A_525 : vector<16xf32>
    %swap3A_527 = arith.constant 0 : i32
    %swap3A_528 = arith.index_cast %swap3A_527 : i32 to index
    %swap3A_529 = arith.constant 16 : index
    %swap3A_530 = tpu.vector_load %arg8[%swap3A_528, %swap3A_529] {strides = array<i32>} : memref<8x128xf32, #tpu.memory_space<vmem>>, vector<1x16xf32>,
    %swap3A_531 = vector.shape_cast %swap3A_530 : vector<1x16xf32> to vector<16xf32>
    %swap3A_532 = vector.shape_cast %add3A_526 : vector<16xf32> to vector<1x16xf32>
    tpu.vector_store %arg8[%swap3A_528, %swap3A_529], %swap3A_532 {strides = array<i32>} : memref<8x128xf32, #tpu.memory_space<vmem>>, vector<1x16xf32>,
    %get3A_533 = arith.constant 0 : i32
    %get3A_534 = arith.index_cast %get3A_533 : i32 to index
    %get3A_535 = arith.constant 32 : index
    %get3A_536 = tpu.vector_load %arg7[%get3A_534, %get3A_535] {strides = array<i32>} : memref<32x128xf32, #tpu.memory_space<vmem>>, vector<1x16xf32>,
    %get3A_537 = vector.shape_cast %get3A_536 : vector<1x16xf32> to vector<16xf32>
    %get3A_538 = arith.constant 1 : i32
    %get3A_539 = arith.index_cast %get3A_538 : i32 to index
    %get3A_540 = arith.constant 32 : index
    %get3A_541 = tpu.vector_load %arg7[%get3A_539, %get3A_540] {strides = array<i32>} : memref<32x128xf32, #tpu.memory_space<vmem>>, vector<1x16xf32>,
    %get3A_542 = vector.shape_cast %get3A_541 : vector<1x16xf32> to vector<16xf32>
    %add3A_543 = arith.addf %get3A_537, %get3A_542 : vector<16xf32>
    %get3A_544 = arith.constant 2 : i32
    %get3A_545 = arith.index_cast %get3A_544 : i32 to index
    %get3A_546 = arith.constant 32 : index
    %get3A_547 = tpu.vector_load %arg7[%get3A_545, %get3A_546] {strides = array<i32>} : memref<32x128xf32, #tpu.memory_space<vmem>>, vector<1x16xf32>,
    %get3A_548 = vector.shape_cast %get3A_547 : vector<1x16xf32> to vector<16xf32>
    %add3A_549 = arith.addf %add3A_543, %get3A_548 : vector<16xf32>
    %get3A_550 = arith.constant 3 : i32
    %get3A_551 = arith.index_cast %get3A_550 : i32 to index
    %get3A_552 = arith.constant 32 : index
    %get3A_553 = tpu.vector_load %arg7[%get3A_551, %get3A_552] {strides = array<i32>} : memref<32x128xf32, #tpu.memory_space<vmem>>, vector<1x16xf32>,
    %get3A_554 = vector.shape_cast %get3A_553 : vector<1x16xf32> to vector<16xf32>
    %add3A_555 = arith.addf %add3A_549, %get3A_554 : vector<16xf32>
    %swap3A_556 = arith.constant 0 : i32
    %swap3A_557 = arith.index_cast %swap3A_556 : i32 to index
    %swap3A_558 = arith.constant 32 : index
    %swap3A_559 = tpu.vector_load %arg8[%swap3A_557, %swap3A_558] {strides = array<i32>} : memref<8x128xf32, #tpu.memory_space<vmem>>, vector<1x16xf32>,
    %swap3A_560 = vector.shape_cast %swap3A_559 : vector<1x16xf32> to vector<16xf32>
    %swap3A_561 = vector.shape_cast %add3A_555 : vector<16xf32> to vector<1x16xf32>
    tpu.vector_store %arg8[%swap3A_557, %swap3A_558], %swap3A_561 {strides = array<i32>} : memref<8x128xf32, #tpu.memory_space<vmem>>, vector<1x16xf32>,
    %get3A_562 = arith.constant 0 : i32
    %get3A_563 = arith.index_cast %get3A_562 : i32 to index
    %get3A_564 = arith.constant 48 : index
    %get3A_565 = tpu.vector_load %arg7[%get3A_563, %get3A_564] {strides = array<i32>} : memref<32x128xf32, #tpu.memory_space<vmem>>, vector<1x16xf32>,
    %get3A_566 = vector.shape_cast %get3A_565 : vector<1x16xf32> to vector<16xf32>
    %get3A_567 = arith.constant 1 : i32
    %get3A_568 = arith.index_cast %get3A_567 : i32 to index
    %get3A_569 = arith.constant 48 : index
    %get3A_570 = tpu.vector_load %arg7[%get3A_568, %get3A_569] {strides = array<i32>} : memref<32x128xf32, #tpu.memory_space<vmem>>, vector<1x16xf32>,
    %get3A_571 = vector.shape_cast %get3A_570 : vector<1x16xf32> to vector<16xf32>
    %add3A_572 = arith.addf %get3A_566, %get3A_571 : vector<16xf32>
    %get3A_573 = arith.constant 2 : i32
    %get3A_574 = arith.index_cast %get3A_573 : i32 to index
    %get3A_575 = arith.constant 48 : index
    %get3A_576 = tpu.vector_load %arg7[%get3A_574, %get3A_575] {strides = array<i32>} : memref<32x128xf32, #tpu.memory_space<vmem>>, vector<1x16xf32>,
    %get3A_577 = vector.shape_cast %get3A_576 : vector<1x16xf32> to vector<16xf32>
    %add3A_578 = arith.addf %add3A_572, %get3A_577 : vector<16xf32>
    %get3A_579 = arith.constant 3 : i32
    %get3A_580 = arith.index_cast %get3A_579 : i32 to index
    %get3A_581 = arith.constant 48 : index
    %get3A_582 = tpu.vector_load %arg7[%get3A_580, %get3A_581] {strides = array<i32>} : memref<32x128xf32, #tpu.memory_space<vmem>>, vector<1x16xf32>,
    %get3A_583 = vector.shape_cast %get3A_582 : vector<1x16xf32> to vector<16xf32>
    %add3A_584 = arith.addf %add3A_578, %get3A_583 : vector<16xf32>
    %swap3A_585 = arith.constant 0 : i32
    %swap3A_586 = arith.index_cast %swap3A_585 : i32 to index
    %swap3A_587 = arith.constant 48 : index
    %swap3A_588 = tpu.vector_load %arg8[%swap3A_586, %swap3A_587] {strides = array<i32>} : memref<8x128xf32, #tpu.memory_space<vmem>>, vector<1x16xf32>,
    %swap3A_589 = vector.shape_cast %swap3A_588 : vector<1x16xf32> to vector<16xf32>
    %swap3A_590 = vector.shape_cast %add3A_584 : vector<16xf32> to vector<1x16xf32>
    tpu.vector_store %arg8[%swap3A_586, %swap3A_587], %swap3A_590 {strides = array<i32>} : memref<8x128xf32, #tpu.memory_space<vmem>>, vector<1x16xf32>,
    %get3A_591 = arith.constant 0 : i32
    %get3A_592 = arith.index_cast %get3A_591 : i32 to index
    %get3A_593 = arith.constant 64 : index
    %get3A_594 = tpu.vector_load %arg7[%get3A_592, %get3A_593] {strides = array<i32>} : memref<32x128xf32, #tpu.memory_space<vmem>>, vector<1x16xf32>,
    %get3A_595 = vector.shape_cast %get3A_594 : vector<1x16xf32> to vector<16xf32>
    %get3A_596 = arith.constant 1 : i32
    %get3A_597 = arith.index_cast %get3A_596 : i32 to index
    %get3A_598 = arith.constant 64 : index
    %get3A_599 = tpu.vector_load %arg7[%get3A_597, %get3A_598] {strides = array<i32>} : memref<32x128xf32, #tpu.memory_space<vmem>>, vector<1x16xf32>,
    %get3A_600 = vector.shape_cast %get3A_599 : vector<1x16xf32> to vector<16xf32>
    %add3A_601 = arith.addf %get3A_595, %get3A_600 : vector<16xf32>
    %get3A_602 = arith.constant 2 : i32
    %get3A_603 = arith.index_cast %get3A_602 : i32 to index
    %get3A_604 = arith.constant 64 : index
    %get3A_605 = tpu.vector_load %arg7[%get3A_603, %get3A_604] {strides = array<i32>} : memref<32x128xf32, #tpu.memory_space<vmem>>, vector<1x16xf32>,
    %get3A_606 = vector.shape_cast %get3A_605 : vector<1x16xf32> to vector<16xf32>
    %add3A_607 = arith.addf %add3A_601, %get3A_606 : vector<16xf32>
    %get3A_608 = arith.constant 3 : i32
    %get3A_609 = arith.index_cast %get3A_608 : i32 to index
    %get3A_610 = arith.constant 64 : index
    %get3A_611 = tpu.vector_load %arg7[%get3A_609, %get3A_610] {strides = array<i32>} : memref<32x128xf32, #tpu.memory_space<vmem>>, vector<1x16xf32>,
    %get3A_612 = vector.shape_cast %get3A_611 : vector<1x16xf32> to vector<16xf32>
    %add3A_613 = arith.addf %add3A_607, %get3A_612 : vector<16xf32>
    %swap3A_614 = arith.constant 0 : i32
    %swap3A_615 = arith.index_cast %swap3A_614 : i32 to index
    %swap3A_616 = arith.constant 64 : index
    %swap3A_617 = tpu.vector_load %arg8[%swap3A_615, %swap3A_616] {strides = array<i32>} : memref<8x128xf32, #tpu.memory_space<vmem>>, vector<1x16xf32>,
    %swap3A_618 = vector.shape_cast %swap3A_617 : vector<1x16xf32> to vector<16xf32>
    %swap3A_619 = vector.shape_cast %add3A_613 : vector<16xf32> to vector<1x16xf32>
    tpu.vector_store %arg8[%swap3A_615, %swap3A_616], %swap3A_619 {strides = array<i32>} : memref<8x128xf32, #tpu.memory_space<vmem>>, vector<1x16xf32>,
    %get3A_620 = arith.constant 0 : i32
    %get3A_621 = arith.index_cast %get3A_620 : i32 to index
    %get3A_622 = arith.constant 80 : index
    %get3A_623 = tpu.vector_load %arg7[%get3A_621, %get3A_622] {strides = array<i32>} : memref<32x128xf32, #tpu.memory_space<vmem>>, vector<1x16xf32>,
    %get3A_624 = vector.shape_cast %get3A_623 : vector<1x16xf32> to vector<16xf32>
    %get3A_625 = arith.constant 1 : i32
    %get3A_626 = arith.index_cast %get3A_625 : i32 to index
    %get3A_627 = arith.constant 80 : index
    %get3A_628 = tpu.vector_load %arg7[%get3A_626, %get3A_627] {strides = array<i32>} : memref<32x128xf32, #tpu.memory_space<vmem>>, vector<1x16xf32>,
    %get3A_629 = vector.shape_cast %get3A_628 : vector<1x16xf32> to vector<16xf32>
    %add3A_630 = arith.addf %get3A_624, %get3A_629 : vector<16xf32>
    %get3A_631 = arith.constant 2 : i32
    %get3A_632 = arith.index_cast %get3A_631 : i32 to index
    %get3A_633 = arith.constant 80 : index
    %get3A_634 = tpu.vector_load %arg7[%get3A_632, %get3A_633] {strides = array<i32>} : memref<32x128xf32, #tpu.memory_space<vmem>>, vector<1x16xf32>,
    %get3A_635 = vector.shape_cast %get3A_634 : vector<1x16xf32> to vector<16xf32>
    %add3A_636 = arith.addf %add3A_630, %get3A_635 : vector<16xf32>
    %get3A_637 = arith.constant 3 : i32
    %get3A_638 = arith.index_cast %get3A_637 : i32 to index
    %get3A_639 = arith.constant 80 : index
    %get3A_640 = tpu.vector_load %arg7[%get3A_638, %get3A_639] {strides = array<i32>} : memref<32x128xf32, #tpu.memory_space<vmem>>, vector<1x16xf32>,
    %get3A_641 = vector.shape_cast %get3A_640 : vector<1x16xf32> to vector<16xf32>
    %add3A_642 = arith.addf %add3A_636, %get3A_641 : vector<16xf32>
    %swap3A_643 = arith.constant 0 : i32
    %swap3A_644 = arith.index_cast %swap3A_643 : i32 to index
    %swap3A_645 = arith.constant 80 : index
    %swap3A_646 = tpu.vector_load %arg8[%swap3A_644, %swap3A_645] {strides = array<i32>} : memref<8x128xf32, #tpu.memory_space<vmem>>, vector<1x16xf32>,
    %swap3A_647 = vector.shape_cast %swap3A_646 : vector<1x16xf32> to vector<16xf32>
    %swap3A_648 = vector.shape_cast %add3A_642 : vector<16xf32> to vector<1x16xf32>
    tpu.vector_store %arg8[%swap3A_644, %swap3A_645], %swap3A_648 {strides = array<i32>} : memref<8x128xf32, #tpu.memory_space<vmem>>, vector<1x16xf32>,
    %get3A_649 = arith.constant 0 : i32
    %get3A_650 = arith.index_cast %get3A_649 : i32 to index
    %get3A_651 = arith.constant 96 : index
    %get3A_652 = tpu.vector_load %arg7[%get3A_650, %get3A_651] {strides = array<i32>} : memref<32x128xf32, #tpu.memory_space<vmem>>, vector<1x16xf32>,
    %get3A_653 = vector.shape_cast %get3A_652 : vector<1x16xf32> to vector<16xf32>
    %get3A_654 = arith.constant 1 : i32
    %get3A_655 = arith.index_cast %get3A_654 : i32 to index
    %get3A_656 = arith.constant 96 : index
    %get3A_657 = tpu.vector_load %arg7[%get3A_655, %get3A_656] {strides = array<i32>} : memref<32x128xf32, #tpu.memory_space<vmem>>, vector<1x16xf32>,
    %get3A_658 = vector.shape_cast %get3A_657 : vector<1x16xf32> to vector<16xf32>
    %add3A_659 = arith.addf %get3A_653, %get3A_658 : vector<16xf32>
    %get3A_660 = arith.constant 2 : i32
    %get3A_661 = arith.index_cast %get3A_660 : i32 to index
    %get3A_662 = arith.constant 96 : index
    %get3A_663 = tpu.vector_load %arg7[%get3A_661, %get3A_662] {strides = array<i32>} : memref<32x128xf32, #tpu.memory_space<vmem>>, vector<1x16xf32>,
    %get3A_664 = vector.shape_cast %get3A_663 : vector<1x16xf32> to vector<16xf32>
    %add3A_665 = arith.addf %add3A_659, %get3A_664 : vector<16xf32>
    %get3A_666 = arith.constant 3 : i32
    %get3A_667 = arith.index_cast %get3A_666 : i32 to index
    %get3A_668 = arith.constant 96 : index
    %get3A_669 = tpu.vector_load %arg7[%get3A_667, %get3A_668] {strides = array<i32>} : memref<32x128xf32, #tpu.memory_space<vmem>>, vector<1x16xf32>,
    %get3A_670 = vector.shape_cast %get3A_669 : vector<1x16xf32> to vector<16xf32>
    %add3A_671 = arith.addf %add3A_665, %get3A_670 : vector<16xf32>
    %swap3A_672 = arith.constant 0 : i32
    %swap3A_673 = arith.index_cast %swap3A_672 : i32 to index
    %swap3A_674 = arith.constant 96 : index
    %swap3A_675 = tpu.vector_load %arg8[%swap3A_673, %swap3A_674] {strides = array<i32>} : memref<8x128xf32, #tpu.memory_space<vmem>>, vector<1x16xf32>,
    %swap3A_676 = vector.shape_cast %swap3A_675 : vector<1x16xf32> to vector<16xf32>
    %swap3A_677 = vector.shape_cast %add3A_671 : vector<16xf32> to vector<1x16xf32>
    tpu.vector_store %arg8[%swap3A_673, %swap3A_674], %swap3A_677 {strides = array<i32>} : memref<8x128xf32, #tpu.memory_space<vmem>>, vector<1x16xf32>,
    %get3A_678 = arith.constant 0 : i32
    %get3A_679 = arith.index_cast %get3A_678 : i32 to index
    %get3A_680 = arith.constant 112 : index
    %get3A_681 = tpu.vector_load %arg7[%get3A_679, %get3A_680] {strides = array<i32>} : memref<32x128xf32, #tpu.memory_space<vmem>>, vector<1x16xf32>,
    %get3A_682 = vector.shape_cast %get3A_681 : vector<1x16xf32> to vector<16xf32>
    %get3A_683 = arith.constant 1 : i32
    %get3A_684 = arith.index_cast %get3A_683 : i32 to index
    %get3A_685 = arith.constant 112 : index
    %get3A_686 = tpu.vector_load %arg7[%get3A_684, %get3A_685] {strides = array<i32>} : memref<32x128xf32, #tpu.memory_space<vmem>>, vector<1x16xf32>,
    %get3A_687 = vector.shape_cast %get3A_686 : vector<1x16xf32> to vector<16xf32>
    %add3A_688 = arith.addf %get3A_682, %get3A_687 : vector<16xf32>
    %get3A_689 = arith.constant 2 : i32
    %get3A_690 = arith.index_cast %get3A_689 : i32 to index
    %get3A_691 = arith.constant 112 : index
    %get3A_692 = tpu.vector_load %arg7[%get3A_690, %get3A_691] {strides = array<i32>} : memref<32x128xf32, #tpu.memory_space<vmem>>, vector<1x16xf32>,
    %get3A_693 = vector.shape_cast %get3A_692 : vector<1x16xf32> to vector<16xf32>
    %add3A_694 = arith.addf %add3A_688, %get3A_693 : vector<16xf32>
    %get3A_695 = arith.constant 3 : i32
    %get3A_696 = arith.index_cast %get3A_695 : i32 to index
    %get3A_697 = arith.constant 112 : index
    %get3A_698 = tpu.vector_load %arg7[%get3A_696, %get3A_697] {strides = array<i32>} : memref<32x128xf32, #tpu.memory_space<vmem>>, vector<1x16xf32>,
    %get3A_699 = vector.shape_cast %get3A_698 : vector<1x16xf32> to vector<16xf32>
    %add3A_700 = arith.addf %add3A_694, %get3A_699 : vector<16xf32>
    %swap3A_701 = arith.constant 0 : i32
    %swap3A_702 = arith.index_cast %swap3A_701 : i32 to index
    %swap3A_703 = arith.constant 112 : index
    %swap3A_704 = tpu.vector_load %arg8[%swap3A_702, %swap3A_703] {strides = array<i32>} : memref<8x128xf32, #tpu.memory_space<vmem>>, vector<1x16xf32>,
    %swap3A_705 = vector.shape_cast %swap3A_704 : vector<1x16xf32> to vector<16xf32>
    %swap3A_706 = vector.shape_cast %add3A_700 : vector<16xf32> to vector<1x16xf32>
    tpu.vector_store %arg8[%swap3A_702, %swap3A_703], %swap3A_706 {strides = array<i32>} : memref<8x128xf32, #tpu.memory_space<vmem>>, vector<1x16xf32>,
    %get3A_707 = arith.constant 4 : i32
    %get3A_708 = arith.index_cast %get3A_707 : i32 to index
    %get3A_709 = arith.constant 0 : index
    %get3A_710 = tpu.vector_load %arg7[%get3A_708, %get3A_709] {strides = array<i32>} : memref<32x128xf32, #tpu.memory_space<vmem>>, vector<1x16xf32>,
    %get3A_711 = vector.shape_cast %get3A_710 : vector<1x16xf32> to vector<16xf32>
    %get3A_712 = arith.constant 5 : i32
    %get3A_713 = arith.index_cast %get3A_712 : i32 to index
    %get3A_714 = arith.constant 0 : index
    %get3A_715 = tpu.vector_load %arg7[%get3A_713, %get3A_714] {strides = array<i32>} : memref<32x128xf32, #tpu.memory_space<vmem>>, vector<1x16xf32>,
    %get3A_716 = vector.shape_cast %get3A_715 : vector<1x16xf32> to vector<16xf32>
    %add3A_717 = arith.addf %get3A_711, %get3A_716 : vector<16xf32>
    %get3A_718 = arith.constant 6 : i32
    %get3A_719 = arith.index_cast %get3A_718 : i32 to index
    %get3A_720 = arith.constant 0 : index
    %get3A_721 = tpu.vector_load %arg7[%get3A_719, %get3A_720] {strides = array<i32>} : memref<32x128xf32, #tpu.memory_space<vmem>>, vector<1x16xf32>,
    %get3A_722 = vector.shape_cast %get3A_721 : vector<1x16xf32> to vector<16xf32>
    %add3A_723 = arith.addf %add3A_717, %get3A_722 : vector<16xf32>
    %get3A_724 = arith.constant 7 : i32
    %get3A_725 = arith.index_cast %get3A_724 : i32 to index
    %get3A_726 = arith.constant 0 : index
    %get3A_727 = tpu.vector_load %arg7[%get3A_725, %get3A_726] {strides = array<i32>} : memref<32x128xf32, #tpu.memory_space<vmem>>, vector<1x16xf32>,
    %get3A_728 = vector.shape_cast %get3A_727 : vector<1x16xf32> to vector<16xf32>
    %add3A_729 = arith.addf %add3A_723, %get3A_728 : vector<16xf32>
    %swap3A_730 = arith.constant 1 : i32
    %swap3A_731 = arith.index_cast %swap3A_730 : i32 to index
    %swap3A_732 = arith.constant 0 : index
    %swap3A_733 = tpu.vector_load %arg8[%swap3A_731, %swap3A_732] {strides = array<i32>} : memref<8x128xf32, #tpu.memory_space<vmem>>, vector<1x16xf32>,
    %swap3A_734 = vector.shape_cast %swap3A_733 : vector<1x16xf32> to vector<16xf32>
    %swap3A_735 = vector.shape_cast %add3A_729 : vector<16xf32> to vector<1x16xf32>
    tpu.vector_store %arg8[%swap3A_731, %swap3A_732], %swap3A_735 {strides = array<i32>} : memref<8x128xf32, #tpu.memory_space<vmem>>, vector<1x16xf32>,
    %get3A_736 = arith.constant 4 : i32
    %get3A_737 = arith.index_cast %get3A_736 : i32 to index
    %get3A_738 = arith.constant 16 : index
    %get3A_739 = tpu.vector_load %arg7[%get3A_737, %get3A_738] {strides = array<i32>} : memref<32x128xf32, #tpu.memory_space<vmem>>, vector<1x16xf32>,
    %get3A_740 = vector.shape_cast %get3A_739 : vector<1x16xf32> to vector<16xf32>
    %get3A_741 = arith.constant 5 : i32
    %get3A_742 = arith.index_cast %get3A_741 : i32 to index
    %get3A_743 = arith.constant 16 : index
    %get3A_744 = tpu.vector_load %arg7[%get3A_742, %get3A_743] {strides = array<i32>} : memref<32x128xf32, #tpu.memory_space<vmem>>, vector<1x16xf32>,
    %get3A_745 = vector.shape_cast %get3A_744 : vector<1x16xf32> to vector<16xf32>
    %add3A_746 = arith.addf %get3A_740, %get3A_745 : vector<16xf32>
    %get3A_747 = arith.constant 6 : i32
    %get3A_748 = arith.index_cast %get3A_747 : i32 to index
    %get3A_749 = arith.constant 16 : index
    %get3A_750 = tpu.vector_load %arg7[%get3A_748, %get3A_749] {strides = array<i32>} : memref<32x128xf32, #tpu.memory_space<vmem>>, vector<1x16xf32>,
    %get3A_751 = vector.shape_cast %get3A_750 : vector<1x16xf32> to vector<16xf32>
    %add3A_752 = arith.addf %add3A_746, %get3A_751 : vector<16xf32>
    %get3A_753 = arith.constant 7 : i32
    %get3A_754 = arith.index_cast %get3A_753 : i32 to index
    %get3A_755 = arith.constant 16 : index
    %get3A_756 = tpu.vector_load %arg7[%get3A_754, %get3A_755] {strides = array<i32>} : memref<32x128xf32, #tpu.memory_space<vmem>>, vector<1x16xf32>,
    %get3A_757 = vector.shape_cast %get3A_756 : vector<1x16xf32> to vector<16xf32>
    %add3A_758 = arith.addf %add3A_752, %get3A_757 : vector<16xf32>
    %swap3A_759 = arith.constant 1 : i32
    %swap3A_760 = arith.index_cast %swap3A_759 : i32 to index
    %swap3A_761 = arith.constant 16 : index
    %swap3A_762 = tpu.vector_load %arg8[%swap3A_760, %swap3A_761] {strides = array<i32>} : memref<8x128xf32, #tpu.memory_space<vmem>>, vector<1x16xf32>,
    %swap3A_763 = vector.shape_cast %swap3A_762 : vector<1x16xf32> to vector<16xf32>
    %swap3A_764 = vector.shape_cast %add3A_758 : vector<16xf32> to vector<1x16xf32>
    tpu.vector_store %arg8[%swap3A_760, %swap3A_761], %swap3A_764 {strides = array<i32>} : memref<8x128xf32, #tpu.memory_space<vmem>>, vector<1x16xf32>,
    %get3A_765 = arith.constant 4 : i32
    %get3A_766 = arith.index_cast %get3A_765 : i32 to index
    %get3A_767 = arith.constant 32 : index
    %get3A_768 = tpu.vector_load %arg7[%get3A_766, %get3A_767] {strides = array<i32>} : memref<32x128xf32, #tpu.memory_space<vmem>>, vector<1x16xf32>,
    %get3A_769 = vector.shape_cast %get3A_768 : vector<1x16xf32> to vector<16xf32>
    %get3A_770 = arith.constant 5 : i32
    %get3A_771 = arith.index_cast %get3A_770 : i32 to index
    %get3A_772 = arith.constant 32 : index
    %get3A_773 = tpu.vector_load %arg7[%get3A_771, %get3A_772] {strides = array<i32>} : memref<32x128xf32, #tpu.memory_space<vmem>>, vector<1x16xf32>,
    %get3A_774 = vector.shape_cast %get3A_773 : vector<1x16xf32> to vector<16xf32>
    %add3A_775 = arith.addf %get3A_769, %get3A_774 : vector<16xf32>
    %get3A_776 = arith.constant 6 : i32
    %get3A_777 = arith.index_cast %get3A_776 : i32 to index
    %get3A_778 = arith.constant 32 : index
    %get3A_779 = tpu.vector_load %arg7[%get3A_777, %get3A_778] {strides = array<i32>} : memref<32x128xf32, #tpu.memory_space<vmem>>, vector<1x16xf32>,
    %get3A_780 = vector.shape_cast %get3A_779 : vector<1x16xf32> to vector<16xf32>
    %add3A_781 = arith.addf %add3A_775, %get3A_780 : vector<16xf32>
    %get3A_782 = arith.constant 7 : i32
    %get3A_783 = arith.index_cast %get3A_782 : i32 to index
    %get3A_784 = arith.constant 32 : index
    %get3A_785 = tpu.vector_load %arg7[%get3A_783, %get3A_784] {strides = array<i32>} : memref<32x128xf32, #tpu.memory_space<vmem>>, vector<1x16xf32>,
    %get3A_786 = vector.shape_cast %get3A_785 : vector<1x16xf32> to vector<16xf32>
    %add3A_787 = arith.addf %add3A_781, %get3A_786 : vector<16xf32>
    %swap3A_788 = arith.constant 1 : i32
    %swap3A_789 = arith.index_cast %swap3A_788 : i32 to index
    %swap3A_790 = arith.constant 32 : index
    %swap3A_791 = tpu.vector_load %arg8[%swap3A_789, %swap3A_790] {strides = array<i32>} : memref<8x128xf32, #tpu.memory_space<vmem>>, vector<1x16xf32>,
    %swap3A_792 = vector.shape_cast %swap3A_791 : vector<1x16xf32> to vector<16xf32>
    %swap3A_793 = vector.shape_cast %add3A_787 : vector<16xf32> to vector<1x16xf32>
    tpu.vector_store %arg8[%swap3A_789, %swap3A_790], %swap3A_793 {strides = array<i32>} : memref<8x128xf32, #tpu.memory_space<vmem>>, vector<1x16xf32>,
    %get3A_794 = arith.constant 4 : i32
    %get3A_795 = arith.index_cast %get3A_794 : i32 to index
    %get3A_796 = arith.constant 48 : index
    %get3A_797 = tpu.vector_load %arg7[%get3A_795, %get3A_796] {strides = array<i32>} : memref<32x128xf32, #tpu.memory_space<vmem>>, vector<1x16xf32>,
    %get3A_798 = vector.shape_cast %get3A_797 : vector<1x16xf32> to vector<16xf32>
    %get3A_799 = arith.constant 5 : i32
    %get3A_800 = arith.index_cast %get3A_799 : i32 to index
    %get3A_801 = arith.constant 48 : index
    %get3A_802 = tpu.vector_load %arg7[%get3A_800, %get3A_801] {strides = array<i32>} : memref<32x128xf32, #tpu.memory_space<vmem>>, vector<1x16xf32>,
    %get3A_803 = vector.shape_cast %get3A_802 : vector<1x16xf32> to vector<16xf32>
    %add3A_804 = arith.addf %get3A_798, %get3A_803 : vector<16xf32>
    %get3A_805 = arith.constant 6 : i32
    %get3A_806 = arith.index_cast %get3A_805 : i32 to index
    %get3A_807 = arith.constant 48 : index
    %get3A_808 = tpu.vector_load %arg7[%get3A_806, %get3A_807] {strides = array<i32>} : memref<32x128xf32, #tpu.memory_space<vmem>>, vector<1x16xf32>,
    %get3A_809 = vector.shape_cast %get3A_808 : vector<1x16xf32> to vector<16xf32>
    %add3A_810 = arith.addf %add3A_804, %get3A_809 : vector<16xf32>
    %get3A_811 = arith.constant 7 : i32
    %get3A_812 = arith.index_cast %get3A_811 : i32 to index
    %get3A_813 = arith.constant 48 : index
    %get3A_814 = tpu.vector_load %arg7[%get3A_812, %get3A_813] {strides = array<i32>} : memref<32x128xf32, #tpu.memory_space<vmem>>, vector<1x16xf32>,
    %get3A_815 = vector.shape_cast %get3A_814 : vector<1x16xf32> to vector<16xf32>
    %add3A_816 = arith.addf %add3A_810, %get3A_815 : vector<16xf32>
    %swap3A_817 = arith.constant 1 : i32
    %swap3A_818 = arith.index_cast %swap3A_817 : i32 to index
    %swap3A_819 = arith.constant 48 : index
    %swap3A_820 = tpu.vector_load %arg8[%swap3A_818, %swap3A_819] {strides = array<i32>} : memref<8x128xf32, #tpu.memory_space<vmem>>, vector<1x16xf32>,
    %swap3A_821 = vector.shape_cast %swap3A_820 : vector<1x16xf32> to vector<16xf32>
    %swap3A_822 = vector.shape_cast %add3A_816 : vector<16xf32> to vector<1x16xf32>
    tpu.vector_store %arg8[%swap3A_818, %swap3A_819], %swap3A_822 {strides = array<i32>} : memref<8x128xf32, #tpu.memory_space<vmem>>, vector<1x16xf32>,
    %get3A_823 = arith.constant 4 : i32
    %get3A_824 = arith.index_cast %get3A_823 : i32 to index
    %get3A_825 = arith.constant 64 : index
    %get3A_826 = tpu.vector_load %arg7[%get3A_824, %get3A_825] {strides = array<i32>} : memref<32x128xf32, #tpu.memory_space<vmem>>, vector<1x16xf32>,
    %get3A_827 = vector.shape_cast %get3A_826 : vector<1x16xf32> to vector<16xf32>
    %get3A_828 = arith.constant 5 : i32
    %get3A_829 = arith.index_cast %get3A_828 : i32 to index
    %get3A_830 = arith.constant 64 : index
    %get3A_831 = tpu.vector_load %arg7[%get3A_829, %get3A_830] {strides = array<i32>} : memref<32x128xf32, #tpu.memory_space<vmem>>, vector<1x16xf32>,
    %get3A_832 = vector.shape_cast %get3A_831 : vector<1x16xf32> to vector<16xf32>
    %add3A_833 = arith.addf %get3A_827, %get3A_832 : vector<16xf32>
    %get3A_834 = arith.constant 6 : i32
    %get3A_835 = arith.index_cast %get3A_834 : i32 to index
    %get3A_836 = arith.constant 64 : index
    %get3A_837 = tpu.vector_load %arg7[%get3A_835, %get3A_836] {strides = array<i32>} : memref<32x128xf32, #tpu.memory_space<vmem>>, vector<1x16xf32>,
    %get3A_838 = vector.shape_cast %get3A_837 : vector<1x16xf32> to vector<16xf32>
    %add3A_839 = arith.addf %add3A_833, %get3A_838 : vector<16xf32>
    %get3A_840 = arith.constant 7 : i32
    %get3A_841 = arith.index_cast %get3A_840 : i32 to index
    %get3A_842 = arith.constant 64 : index
    %get3A_843 = tpu.vector_load %arg7[%get3A_841, %get3A_842] {strides = array<i32>} : memref<32x128xf32, #tpu.memory_space<vmem>>, vector<1x16xf32>,
    %get3A_844 = vector.shape_cast %get3A_843 : vector<1x16xf32> to vector<16xf32>
    %add3A_845 = arith.addf %add3A_839, %get3A_844 : vector<16xf32>
    %swap3A_846 = arith.constant 1 : i32
    %swap3A_847 = arith.index_cast %swap3A_846 : i32 to index
    %swap3A_848 = arith.constant 64 : index
    %swap3A_849 = tpu.vector_load %arg8[%swap3A_847, %swap3A_848] {strides = array<i32>} : memref<8x128xf32, #tpu.memory_space<vmem>>, vector<1x16xf32>,
    %swap3A_850 = vector.shape_cast %swap3A_849 : vector<1x16xf32> to vector<16xf32>
    %swap3A_851 = vector.shape_cast %add3A_845 : vector<16xf32> to vector<1x16xf32>
    tpu.vector_store %arg8[%swap3A_847, %swap3A_848], %swap3A_851 {strides = array<i32>} : memref<8x128xf32, #tpu.memory_space<vmem>>, vector<1x16xf32>,
    %get3A_852 = arith.constant 4 : i32
    %get3A_853 = arith.index_cast %get3A_852 : i32 to index
    %get3A_854 = arith.constant 80 : index
    %get3A_855 = tpu.vector_load %arg7[%get3A_853, %get3A_854] {strides = array<i32>} : memref<32x128xf32, #tpu.memory_space<vmem>>, vector<1x16xf32>,
    %get3A_856 = vector.shape_cast %get3A_855 : vector<1x16xf32> to vector<16xf32>
    %get3A_857 = arith.constant 5 : i32
    %get3A_858 = arith.index_cast %get3A_857 : i32 to index
    %get3A_859 = arith.constant 80 : index
    %get3A_860 = tpu.vector_load %arg7[%get3A_858, %get3A_859] {strides = array<i32>} : memref<32x128xf32, #tpu.memory_space<vmem>>, vector<1x16xf32>,
    %get3A_861 = vector.shape_cast %get3A_860 : vector<1x16xf32> to vector<16xf32>
    %add3A_862 = arith.addf %get3A_856, %get3A_861 : vector<16xf32>
    %get3A_863 = arith.constant 6 : i32
    %get3A_864 = arith.index_cast %get3A_863 : i32 to index
    %get3A_865 = arith.constant 80 : index
    %get3A_866 = tpu.vector_load %arg7[%get3A_864, %get3A_865] {strides = array<i32>} : memref<32x128xf32, #tpu.memory_space<vmem>>, vector<1x16xf32>,
    %get3A_867 = vector.shape_cast %get3A_866 : vector<1x16xf32> to vector<16xf32>
    %add3A_868 = arith.addf %add3A_862, %get3A_867 : vector<16xf32>
    %get3A_869 = arith.constant 7 : i32
    %get3A_870 = arith.index_cast %get3A_869 : i32 to index
    %get3A_871 = arith.constant 80 : index
    %get3A_872 = tpu.vector_load %arg7[%get3A_870, %get3A_871] {strides = array<i32>} : memref<32x128xf32, #tpu.memory_space<vmem>>, vector<1x16xf32>,
    %get3A_873 = vector.shape_cast %get3A_872 : vector<1x16xf32> to vector<16xf32>
    %add3A_874 = arith.addf %add3A_868, %get3A_873 : vector<16xf32>
    %swap3A_875 = arith.constant 1 : i32
    %swap3A_876 = arith.index_cast %swap3A_875 : i32 to index
    %swap3A_877 = arith.constant 80 : index
    %swap3A_878 = tpu.vector_load %arg8[%swap3A_876, %swap3A_877] {strides = array<i32>} : memref<8x128xf32, #tpu.memory_space<vmem>>, vector<1x16xf32>,
    %swap3A_879 = vector.shape_cast %swap3A_878 : vector<1x16xf32> to vector<16xf32>
    %swap3A_880 = vector.shape_cast %add3A_874 : vector<16xf32> to vector<1x16xf32>
    tpu.vector_store %arg8[%swap3A_876, %swap3A_877], %swap3A_880 {strides = array<i32>} : memref<8x128xf32, #tpu.memory_space<vmem>>, vector<1x16xf32>,
    %get3A_881 = arith.constant 4 : i32
    %get3A_882 = arith.index_cast %get3A_881 : i32 to index
    %get3A_883 = arith.constant 96 : index
    %get3A_884 = tpu.vector_load %arg7[%get3A_882, %get3A_883] {strides = array<i32>} : memref<32x128xf32, #tpu.memory_space<vmem>>, vector<1x16xf32>,
    %get3A_885 = vector.shape_cast %get3A_884 : vector<1x16xf32> to vector<16xf32>
    %get3A_886 = arith.constant 5 : i32
    %get3A_887 = arith.index_cast %get3A_886 : i32 to index
    %get3A_888 = arith.constant 96 : index
    %get3A_889 = tpu.vector_load %arg7[%get3A_887, %get3A_888] {strides = array<i32>} : memref<32x128xf32, #tpu.memory_space<vmem>>, vector<1x16xf32>,
    %get3A_890 = vector.shape_cast %get3A_889 : vector<1x16xf32> to vector<16xf32>
    %add3A_891 = arith.addf %get3A_885, %get3A_890 : vector<16xf32>
    %get3A_892 = arith.constant 6 : i32
    %get3A_893 = arith.index_cast %get3A_892 : i32 to index
    %get3A_894 = arith.constant 96 : index
    %get3A_895 = tpu.vector_load %arg7[%get3A_893, %get3A_894] {strides = array<i32>} : memref<32x128xf32, #tpu.memory_space<vmem>>, vector<1x16xf32>,
    %get3A_896 = vector.shape_cast %get3A_895 : vector<1x16xf32> to vector<16xf32>
    %add3A_897 = arith.addf %add3A_891, %get3A_896 : vector<16xf32>
    %get3A_898 = arith.constant 7 : i32
    %get3A_899 = arith.index_cast %get3A_898 : i32 to index
    %get3A_900 = arith.constant 96 : index
    %get3A_901 = tpu.vector_load %arg7[%get3A_899, %get3A_900] {strides = array<i32>} : memref<32x128xf32, #tpu.memory_space<vmem>>, vector<1x16xf32>,
    %get3A_902 = vector.shape_cast %get3A_901 : vector<1x16xf32> to vector<16xf32>
    %add3A_903 = arith.addf %add3A_897, %get3A_902 : vector<16xf32>
    %swap3A_904 = arith.constant 1 : i32
    %swap3A_905 = arith.index_cast %swap3A_904 : i32 to index
    %swap3A_906 = arith.constant 96 : index
    %swap3A_907 = tpu.vector_load %arg8[%swap3A_905, %swap3A_906] {strides = array<i32>} : memref<8x128xf32, #tpu.memory_space<vmem>>, vector<1x16xf32>,
    %swap3A_908 = vector.shape_cast %swap3A_907 : vector<1x16xf32> to vector<16xf32>
    %swap3A_909 = vector.shape_cast %add3A_903 : vector<16xf32> to vector<1x16xf32>
    tpu.vector_store %arg8[%swap3A_905, %swap3A_906], %swap3A_909 {strides = array<i32>} : memref<8x128xf32, #tpu.memory_space<vmem>>, vector<1x16xf32>,
    %get3A_910 = arith.constant 4 : i32
    %get3A_911 = arith.index_cast %get3A_910 : i32 to index
    %get3A_912 = arith.constant 112 : index
    %get3A_913 = tpu.vector_load %arg7[%get3A_911, %get3A_912] {strides = array<i32>} : memref<32x128xf32, #tpu.memory_space<vmem>>, vector<1x16xf32>,
    %get3A_914 = vector.shape_cast %get3A_913 : vector<1x16xf32> to vector<16xf32>
    %get3A_915 = arith.constant 5 : i32
    %get3A_916 = arith.index_cast %get3A_915 : i32 to index
    %get3A_917 = arith.constant 112 : index
    %get3A_918 = tpu.vector_load %arg7[%get3A_916, %get3A_917] {strides = array<i32>} : memref<32x128xf32, #tpu.memory_space<vmem>>, vector<1x16xf32>,
    %get3A_919 = vector.shape_cast %get3A_918 : vector<1x16xf32> to vector<16xf32>
    %add3A_920 = arith.addf %get3A_914, %get3A_919 : vector<16xf32>
    %get3A_921 = arith.constant 6 : i32
    %get3A_922 = arith.index_cast %get3A_921 : i32 to index
    %get3A_923 = arith.constant 112 : index
    %get3A_924 = tpu.vector_load %arg7[%get3A_922, %get3A_923] {strides = array<i32>} : memref<32x128xf32, #tpu.memory_space<vmem>>, vector<1x16xf32>,
    %get3A_925 = vector.shape_cast %get3A_924 : vector<1x16xf32> to vector<16xf32>
    %add3A_926 = arith.addf %add3A_920, %get3A_925 : vector<16xf32>
    %get3A_927 = arith.constant 7 : i32
    %get3A_928 = arith.index_cast %get3A_927 : i32 to index
    %get3A_929 = arith.constant 112 : index
    %get3A_930 = tpu.vector_load %arg7[%get3A_928, %get3A_929] {strides = array<i32>} : memref<32x128xf32, #tpu.memory_space<vmem>>, vector<1x16xf32>,
    %get3A_931 = vector.shape_cast %get3A_930 : vector<1x16xf32> to vector<16xf32>
    %add3A_932 = arith.addf %add3A_926, %get3A_931 : vector<16xf32>
    %swap3A_933 = arith.constant 1 : i32
    %swap3A_934 = arith.index_cast %swap3A_933 : i32 to index
    %swap3A_935 = arith.constant 112 : index
    %swap3A_936 = tpu.vector_load %arg8[%swap3A_934, %swap3A_935] {strides = array<i32>} : memref<8x128xf32, #tpu.memory_space<vmem>>, vector<1x16xf32>,
    %swap3A_937 = vector.shape_cast %swap3A_936 : vector<1x16xf32> to vector<16xf32>
    %swap3A_938 = vector.shape_cast %add3A_932 : vector<16xf32> to vector<1x16xf32>
    tpu.vector_store %arg8[%swap3A_934, %swap3A_935], %swap3A_938 {strides = array<i32>} : memref<8x128xf32, #tpu.memory_space<vmem>>, vector<1x16xf32>,
    %get3A_939 = arith.constant 8 : i32
    %get3A_940 = arith.index_cast %get3A_939 : i32 to index
    %get3A_941 = arith.constant 0 : index
    %get3A_942 = tpu.vector_load %arg7[%get3A_940, %get3A_941] {strides = array<i32>} : memref<32x128xf32, #tpu.memory_space<vmem>>, vector<1x16xf32>,
    %get3A_943 = vector.shape_cast %get3A_942 : vector<1x16xf32> to vector<16xf32>
    %get3A_944 = arith.constant 9 : i32
    %get3A_945 = arith.index_cast %get3A_944 : i32 to index
    %get3A_946 = arith.constant 0 : index
    %get3A_947 = tpu.vector_load %arg7[%get3A_945, %get3A_946] {strides = array<i32>} : memref<32x128xf32, #tpu.memory_space<vmem>>, vector<1x16xf32>,
    %get3A_948 = vector.shape_cast %get3A_947 : vector<1x16xf32> to vector<16xf32>
    %add3A_949 = arith.addf %get3A_943, %get3A_948 : vector<16xf32>
    %get3A_950 = arith.constant 10 : i32
    %get3A_951 = arith.index_cast %get3A_950 : i32 to index
    %get3A_952 = arith.constant 0 : index
    %get3A_953 = tpu.vector_load %arg7[%get3A_951, %get3A_952] {strides = array<i32>} : memref<32x128xf32, #tpu.memory_space<vmem>>, vector<1x16xf32>,
    %get3A_954 = vector.shape_cast %get3A_953 : vector<1x16xf32> to vector<16xf32>
    %add3A_955 = arith.addf %add3A_949, %get3A_954 : vector<16xf32>
    %get3A_956 = arith.constant 11 : i32
    %get3A_957 = arith.index_cast %get3A_956 : i32 to index
    %get3A_958 = arith.constant 0 : index
    %get3A_959 = tpu.vector_load %arg7[%get3A_957, %get3A_958] {strides = array<i32>} : memref<32x128xf32, #tpu.memory_space<vmem>>, vector<1x16xf32>,
    %get3A_960 = vector.shape_cast %get3A_959 : vector<1x16xf32> to vector<16xf32>
    %add3A_961 = arith.addf %add3A_955, %get3A_960 : vector<16xf32>
    %swap3A_962 = arith.constant 2 : i32
    %swap3A_963 = arith.index_cast %swap3A_962 : i32 to index
    %swap3A_964 = arith.constant 0 : index
    %swap3A_965 = tpu.vector_load %arg8[%swap3A_963, %swap3A_964] {strides = array<i32>} : memref<8x128xf32, #tpu.memory_space<vmem>>, vector<1x16xf32>,
    %swap3A_966 = vector.shape_cast %swap3A_965 : vector<1x16xf32> to vector<16xf32>
    %swap3A_967 = vector.shape_cast %add3A_961 : vector<16xf32> to vector<1x16xf32>
    tpu.vector_store %arg8[%swap3A_963, %swap3A_964], %swap3A_967 {strides = array<i32>} : memref<8x128xf32, #tpu.memory_space<vmem>>, vector<1x16xf32>,
    %get3A_968 = arith.constant 8 : i32
    %get3A_969 = arith.index_cast %get3A_968 : i32 to index
    %get3A_970 = arith.constant 16 : index
    %get3A_971 = tpu.vector_load %arg7[%get3A_969, %get3A_970] {strides = array<i32>} : memref<32x128xf32, #tpu.memory_space<vmem>>, vector<1x16xf32>,
    %get3A_972 = vector.shape_cast %get3A_971 : vector<1x16xf32> to vector<16xf32>
    %get3A_973 = arith.constant 9 : i32
    %get3A_974 = arith.index_cast %get3A_973 : i32 to index
    %get3A_975 = arith.constant 16 : index
    %get3A_976 = tpu.vector_load %arg7[%get3A_974, %get3A_975] {strides = array<i32>} : memref<32x128xf32, #tpu.memory_space<vmem>>, vector<1x16xf32>,
    %get3A_977 = vector.shape_cast %get3A_976 : vector<1x16xf32> to vector<16xf32>
    %add3A_978 = arith.addf %get3A_972, %get3A_977 : vector<16xf32>
    %get3A_979 = arith.constant 10 : i32
    %get3A_980 = arith.index_cast %get3A_979 : i32 to index
    %get3A_981 = arith.constant 16 : index
    %get3A_982 = tpu.vector_load %arg7[%get3A_980, %get3A_981] {strides = array<i32>} : memref<32x128xf32, #tpu.memory_space<vmem>>, vector<1x16xf32>,
    %get3A_983 = vector.shape_cast %get3A_982 : vector<1x16xf32> to vector<16xf32>
    %add3A_984 = arith.addf %add3A_978, %get3A_983 : vector<16xf32>
    %get3A_985 = arith.constant 11 : i32
    %get3A_986 = arith.index_cast %get3A_985 : i32 to index
    %get3A_987 = arith.constant 16 : index
    %get3A_988 = tpu.vector_load %arg7[%get3A_986, %get3A_987] {strides = array<i32>} : memref<32x128xf32, #tpu.memory_space<vmem>>, vector<1x16xf32>,
    %get3A_989 = vector.shape_cast %get3A_988 : vector<1x16xf32> to vector<16xf32>
    %add3A_990 = arith.addf %add3A_984, %get3A_989 : vector<16xf32>
    %swap3A_991 = arith.constant 2 : i32
    %swap3A_992 = arith.index_cast %swap3A_991 : i32 to index
    %swap3A_993 = arith.constant 16 : index
    %swap3A_994 = tpu.vector_load %arg8[%swap3A_992, %swap3A_993] {strides = array<i32>} : memref<8x128xf32, #tpu.memory_space<vmem>>, vector<1x16xf32>,
    %swap3A_995 = vector.shape_cast %swap3A_994 : vector<1x16xf32> to vector<16xf32>
    %swap3A_996 = vector.shape_cast %add3A_990 : vector<16xf32> to vector<1x16xf32>
    tpu.vector_store %arg8[%swap3A_992, %swap3A_993], %swap3A_996 {strides = array<i32>} : memref<8x128xf32, #tpu.memory_space<vmem>>, vector<1x16xf32>,
    %get3A_997 = arith.constant 8 : i32
    %get3A_998 = arith.index_cast %get3A_997 : i32 to index
    %get3A_999 = arith.constant 32 : index
    %get3A_1000 = tpu.vector_load %arg7[%get3A_998, %get3A_999] {strides = array<i32>} : memref<32x128xf32, #tpu.memory_space<vmem>>, vector<1x16xf32>,
    %get3A_1001 = vector.shape_cast %get3A_1000 : vector<1x16xf32> to vector<16xf32>
    %get3A_1002 = arith.constant 9 : i32
    %get3A_1003 = arith.index_cast %get3A_1002 : i32 to index
    %get3A_1004 = arith.constant 32 : index
    %get3A_1005 = tpu.vector_load %arg7[%get3A_1003, %get3A_1004] {strides = array<i32>} : memref<32x128xf32, #tpu.memory_space<vmem>>, vector<1x16xf32>,
    %get3A_1006 = vector.shape_cast %get3A_1005 : vector<1x16xf32> to vector<16xf32>
    %add3A_1007 = arith.addf %get3A_1001, %get3A_1006 : vector<16xf32>
    %get3A_1008 = arith.constant 10 : i32
    %get3A_1009 = arith.index_cast %get3A_1008 : i32 to index
    %get3A_1010 = arith.constant 32 : index
    %get3A_1011 = tpu.vector_load %arg7[%get3A_1009, %get3A_1010] {strides = array<i32>} : memref<32x128xf32, #tpu.memory_space<vmem>>, vector<1x16xf32>,
    %get3A_1012 = vector.shape_cast %get3A_1011 : vector<1x16xf32> to vector<16xf32>
    %add3A_1013 = arith.addf %add3A_1007, %get3A_1012 : vector<16xf32>
    %get3A_1014 = arith.constant 11 : i32
    %get3A_1015 = arith.index_cast %get3A_1014 : i32 to index
    %get3A_1016 = arith.constant 32 : index
    %get3A_1017 = tpu.vector_load %arg7[%get3A_1015, %get3A_1016] {strides = array<i32>} : memref<32x128xf32, #tpu.memory_space<vmem>>, vector<1x16xf32>,
    %get3A_1018 = vector.shape_cast %get3A_1017 : vector<1x16xf32> to vector<16xf32>
    %add3A_1019 = arith.addf %add3A_1013, %get3A_1018 : vector<16xf32>
    %swap3A_1020 = arith.constant 2 : i32
    %swap3A_1021 = arith.index_cast %swap3A_1020 : i32 to index
    %swap3A_1022 = arith.constant 32 : index
    %swap3A_1023 = tpu.vector_load %arg8[%swap3A_1021, %swap3A_1022] {strides = array<i32>} : memref<8x128xf32, #tpu.memory_space<vmem>>, vector<1x16xf32>,
    %swap3A_1024 = vector.shape_cast %swap3A_1023 : vector<1x16xf32> to vector<16xf32>
    %swap3A_1025 = vector.shape_cast %add3A_1019 : vector<16xf32> to vector<1x16xf32>
    tpu.vector_store %arg8[%swap3A_1021, %swap3A_1022], %swap3A_1025 {strides = array<i32>} : memref<8x128xf32, #tpu.memory_space<vmem>>, vector<1x16xf32>,
    %get3A_1026 = arith.constant 8 : i32
    %get3A_1027 = arith.index_cast %get3A_1026 : i32 to index
    %get3A_1028 = arith.constant 48 : index
    %get3A_1029 = tpu.vector_load %arg7[%get3A_1027, %get3A_1028] {strides = array<i32>} : memref<32x128xf32, #tpu.memory_space<vmem>>, vector<1x16xf32>,
    %get3A_1030 = vector.shape_cast %get3A_1029 : vector<1x16xf32> to vector<16xf32>
    %get3A_1031 = arith.constant 9 : i32
    %get3A_1032 = arith.index_cast %get3A_1031 : i32 to index
    %get3A_1033 = arith.constant 48 : index
    %get3A_1034 = tpu.vector_load %arg7[%get3A_1032, %get3A_1033] {strides = array<i32>} : memref<32x128xf32, #tpu.memory_space<vmem>>, vector<1x16xf32>,
    %get3A_1035 = vector.shape_cast %get3A_1034 : vector<1x16xf32> to vector<16xf32>
    %add3A_1036 = arith.addf %get3A_1030, %get3A_1035 : vector<16xf32>
    %get3A_1037 = arith.constant 10 : i32
    %get3A_1038 = arith.index_cast %get3A_1037 : i32 to index
    %get3A_1039 = arith.constant 48 : index
    %get3A_1040 = tpu.vector_load %arg7[%get3A_1038, %get3A_1039] {strides = array<i32>} : memref<32x128xf32, #tpu.memory_space<vmem>>, vector<1x16xf32>,
    %get3A_1041 = vector.shape_cast %get3A_1040 : vector<1x16xf32> to vector<16xf32>
    %add3A_1042 = arith.addf %add3A_1036, %get3A_1041 : vector<16xf32>
    %get3A_1043 = arith.constant 11 : i32
    %get3A_1044 = arith.index_cast %get3A_1043 : i32 to index
    %get3A_1045 = arith.constant 48 : index
    %get3A_1046 = tpu.vector_load %arg7[%get3A_1044, %get3A_1045] {strides = array<i32>} : memref<32x128xf32, #tpu.memory_space<vmem>>, vector<1x16xf32>,
    %get3A_1047 = vector.shape_cast %get3A_1046 : vector<1x16xf32> to vector<16xf32>
    %add3A_1048 = arith.addf %add3A_1042, %get3A_1047 : vector<16xf32>
    %swap3A_1049 = arith.constant 2 : i32
    %swap3A_1050 = arith.index_cast %swap3A_1049 : i32 to index
    %swap3A_1051 = arith.constant 48 : index
    %swap3A_1052 = tpu.vector_load %arg8[%swap3A_1050, %swap3A_1051] {strides = array<i32>} : memref<8x128xf32, #tpu.memory_space<vmem>>, vector<1x16xf32>,
    %swap3A_1053 = vector.shape_cast %swap3A_1052 : vector<1x16xf32> to vector<16xf32>
    %swap3A_1054 = vector.shape_cast %add3A_1048 : vector<16xf32> to vector<1x16xf32>
    tpu.vector_store %arg8[%swap3A_1050, %swap3A_1051], %swap3A_1054 {strides = array<i32>} : memref<8x128xf32, #tpu.memory_space<vmem>>, vector<1x16xf32>,
    %get3A_1055 = arith.constant 8 : i32
    %get3A_1056 = arith.index_cast %get3A_1055 : i32 to index
    %get3A_1057 = arith.constant 64 : index
    %get3A_1058 = tpu.vector_load %arg7[%get3A_1056, %get3A_1057] {strides = array<i32>} : memref<32x128xf32, #tpu.memory_space<vmem>>, vector<1x16xf32>,
    %get3A_1059 = vector.shape_cast %get3A_1058 : vector<1x16xf32> to vector<16xf32>
    %get3A_1060 = arith.constant 9 : i32
    %get3A_1061 = arith.index_cast %get3A_1060 : i32 to index
    %get3A_1062 = arith.constant 64 : index
    %get3A_1063 = tpu.vector_load %arg7[%get3A_1061, %get3A_1062] {strides = array<i32>} : memref<32x128xf32, #tpu.memory_space<vmem>>, vector<1x16xf32>,
    %get3A_1064 = vector.shape_cast %get3A_1063 : vector<1x16xf32> to vector<16xf32>
    %add3A_1065 = arith.addf %get3A_1059, %get3A_1064 : vector<16xf32>
    %get3A_1066 = arith.constant 10 : i32
    %get3A_1067 = arith.index_cast %get3A_1066 : i32 to index
    %get3A_1068 = arith.constant 64 : index
    %get3A_1069 = tpu.vector_load %arg7[%get3A_1067, %get3A_1068] {strides = array<i32>} : memref<32x128xf32, #tpu.memory_space<vmem>>, vector<1x16xf32>,
    %get3A_1070 = vector.shape_cast %get3A_1069 : vector<1x16xf32> to vector<16xf32>
    %add3A_1071 = arith.addf %add3A_1065, %get3A_1070 : vector<16xf32>
    %get3A_1072 = arith.constant 11 : i32
    %get3A_1073 = arith.index_cast %get3A_1072 : i32 to index
    %get3A_1074 = arith.constant 64 : index
    %get3A_1075 = tpu.vector_load %arg7[%get3A_1073, %get3A_1074] {strides = array<i32>} : memref<32x128xf32, #tpu.memory_space<vmem>>, vector<1x16xf32>,
    %get3A_1076 = vector.shape_cast %get3A_1075 : vector<1x16xf32> to vector<16xf32>
    %add3A_1077 = arith.addf %add3A_1071, %get3A_1076 : vector<16xf32>
    %swap3A_1078 = arith.constant 2 : i32
    %swap3A_1079 = arith.index_cast %swap3A_1078 : i32 to index
    %swap3A_1080 = arith.constant 64 : index
    %swap3A_1081 = tpu.vector_load %arg8[%swap3A_1079, %swap3A_1080] {strides = array<i32>} : memref<8x128xf32, #tpu.memory_space<vmem>>, vector<1x16xf32>,
    %swap3A_1082 = vector.shape_cast %swap3A_1081 : vector<1x16xf32> to vector<16xf32>
    %swap3A_1083 = vector.shape_cast %add3A_1077 : vector<16xf32> to vector<1x16xf32>
    tpu.vector_store %arg8[%swap3A_1079, %swap3A_1080], %swap3A_1083 {strides = array<i32>} : memref<8x128xf32, #tpu.memory_space<vmem>>, vector<1x16xf32>,
    %get3A_1084 = arith.constant 8 : i32
    %get3A_1085 = arith.index_cast %get3A_1084 : i32 to index
    %get3A_1086 = arith.constant 80 : index
    %get3A_1087 = tpu.vector_load %arg7[%get3A_1085, %get3A_1086] {strides = array<i32>} : memref<32x128xf32, #tpu.memory_space<vmem>>, vector<1x16xf32>,
    %get3A_1088 = vector.shape_cast %get3A_1087 : vector<1x16xf32> to vector<16xf32>
    %get3A_1089 = arith.constant 9 : i32
    %get3A_1090 = arith.index_cast %get3A_1089 : i32 to index
    %get3A_1091 = arith.constant 80 : index
    %get3A_1092 = tpu.vector_load %arg7[%get3A_1090, %get3A_1091] {strides = array<i32>} : memref<32x128xf32, #tpu.memory_space<vmem>>, vector<1x16xf32>,
    %get3A_1093 = vector.shape_cast %get3A_1092 : vector<1x16xf32> to vector<16xf32>
    %add3A_1094 = arith.addf %get3A_1088, %get3A_1093 : vector<16xf32>
    %get3A_1095 = arith.constant 10 : i32
    %get3A_1096 = arith.index_cast %get3A_1095 : i32 to index
    %get3A_1097 = arith.constant 80 : index
    %get3A_1098 = tpu.vector_load %arg7[%get3A_1096, %get3A_1097] {strides = array<i32>} : memref<32x128xf32, #tpu.memory_space<vmem>>, vector<1x16xf32>,
    %get3A_1099 = vector.shape_cast %get3A_1098 : vector<1x16xf32> to vector<16xf32>
    %add3A_1100 = arith.addf %add3A_1094, %get3A_1099 : vector<16xf32>
    %get3A_1101 = arith.constant 11 : i32
    %get3A_1102 = arith.index_cast %get3A_1101 : i32 to index
    %get3A_1103 = arith.constant 80 : index
    %get3A_1104 = tpu.vector_load %arg7[%get3A_1102, %get3A_1103] {strides = array<i32>} : memref<32x128xf32, #tpu.memory_space<vmem>>, vector<1x16xf32>,
    %get3A_1105 = vector.shape_cast %get3A_1104 : vector<1x16xf32> to vector<16xf32>
    %add3A_1106 = arith.addf %add3A_1100, %get3A_1105 : vector<16xf32>
    %swap3A_1107 = arith.constant 2 : i32
    %swap3A_1108 = arith.index_cast %swap3A_1107 : i32 to index
    %swap3A_1109 = arith.constant 80 : index
    %swap3A_1110 = tpu.vector_load %arg8[%swap3A_1108, %swap3A_1109] {strides = array<i32>} : memref<8x128xf32, #tpu.memory_space<vmem>>, vector<1x16xf32>,
    %swap3A_1111 = vector.shape_cast %swap3A_1110 : vector<1x16xf32> to vector<16xf32>
    %swap3A_1112 = vector.shape_cast %add3A_1106 : vector<16xf32> to vector<1x16xf32>
    tpu.vector_store %arg8[%swap3A_1108, %swap3A_1109], %swap3A_1112 {strides = array<i32>} : memref<8x128xf32, #tpu.memory_space<vmem>>, vector<1x16xf32>,
    %get3A_1113 = arith.constant 8 : i32
    %get3A_1114 = arith.index_cast %get3A_1113 : i32 to index
    %get3A_1115 = arith.constant 96 : index
    %get3A_1116 = tpu.vector_load %arg7[%get3A_1114, %get3A_1115] {strides = array<i32>} : memref<32x128xf32, #tpu.memory_space<vmem>>, vector<1x16xf32>,
    %get3A_1117 = vector.shape_cast %get3A_1116 : vector<1x16xf32> to vector<16xf32>
    %get3A_1118 = arith.constant 9 : i32
    %get3A_1119 = arith.index_cast %get3A_1118 : i32 to index
    %get3A_1120 = arith.constant 96 : index
    %get3A_1121 = tpu.vector_load %arg7[%get3A_1119, %get3A_1120] {strides = array<i32>} : memref<32x128xf32, #tpu.memory_space<vmem>>, vector<1x16xf32>,
    %get3A_1122 = vector.shape_cast %get3A_1121 : vector<1x16xf32> to vector<16xf32>
    %add3A_1123 = arith.addf %get3A_1117, %get3A_1122 : vector<16xf32>
    %get3A_1124 = arith.constant 10 : i32
    %get3A_1125 = arith.index_cast %get3A_1124 : i32 to index
    %get3A_1126 = arith.constant 96 : index
    %get3A_1127 = tpu.vector_load %arg7[%get3A_1125, %get3A_1126] {strides = array<i32>} : memref<32x128xf32, #tpu.memory_space<vmem>>, vector<1x16xf32>,
    %get3A_1128 = vector.shape_cast %get3A_1127 : vector<1x16xf32> to vector<16xf32>
    %add3A_1129 = arith.addf %add3A_1123, %get3A_1128 : vector<16xf32>
    %get3A_1130 = arith.constant 11 : i32
    %get3A_1131 = arith.index_cast %get3A_1130 : i32 to index
    %get3A_1132 = arith.constant 96 : index
    %get3A_1133 = tpu.vector_load %arg7[%get3A_1131, %get3A_1132] {strides = array<i32>} : memref<32x128xf32, #tpu.memory_space<vmem>>, vector<1x16xf32>,
    %get3A_1134 = vector.shape_cast %get3A_1133 : vector<1x16xf32> to vector<16xf32>
    %add3A_1135 = arith.addf %add3A_1129, %get3A_1134 : vector<16xf32>
    %swap3A_1136 = arith.constant 2 : i32
    %swap3A_1137 = arith.index_cast %swap3A_1136 : i32 to index
    %swap3A_1138 = arith.constant 96 : index
    %swap3A_1139 = tpu.vector_load %arg8[%swap3A_1137, %swap3A_1138] {strides = array<i32>} : memref<8x128xf32, #tpu.memory_space<vmem>>, vector<1x16xf32>,
    %swap3A_1140 = vector.shape_cast %swap3A_1139 : vector<1x16xf32> to vector<16xf32>
    %swap3A_1141 = vector.shape_cast %add3A_1135 : vector<16xf32> to vector<1x16xf32>
    tpu.vector_store %arg8[%swap3A_1137, %swap3A_1138], %swap3A_1141 {strides = array<i32>} : memref<8x128xf32, #tpu.memory_space<vmem>>, vector<1x16xf32>,
    %get3A_1142 = arith.constant 8 : i32
    %get3A_1143 = arith.index_cast %get3A_1142 : i32 to index
    %get3A_1144 = arith.constant 112 : index
    %get3A_1145 = tpu.vector_load %arg7[%get3A_1143, %get3A_1144] {strides = array<i32>} : memref<32x128xf32, #tpu.memory_space<vmem>>, vector<1x16xf32>,
    %get3A_1146 = vector.shape_cast %get3A_1145 : vector<1x16xf32> to vector<16xf32>
    %get3A_1147 = arith.constant 9 : i32
    %get3A_1148 = arith.index_cast %get3A_1147 : i32 to index
    %get3A_1149 = arith.constant 112 : index
    %get3A_1150 = tpu.vector_load %arg7[%get3A_1148, %get3A_1149] {strides = array<i32>} : memref<32x128xf32, #tpu.memory_space<vmem>>, vector<1x16xf32>,
    %get3A_1151 = vector.shape_cast %get3A_1150 : vector<1x16xf32> to vector<16xf32>
    %add3A_1152 = arith.addf %get3A_1146, %get3A_1151 : vector<16xf32>
    %get3A_1153 = arith.constant 10 : i32
    %get3A_1154 = arith.index_cast %get3A_1153 : i32 to index
    %get3A_1155 = arith.constant 112 : index
    %get3A_1156 = tpu.vector_load %arg7[%get3A_1154, %get3A_1155] {strides = array<i32>} : memref<32x128xf32, #tpu.memory_space<vmem>>, vector<1x16xf32>,
    %get3A_1157 = vector.shape_cast %get3A_1156 : vector<1x16xf32> to vector<16xf32>
    %add3A_1158 = arith.addf %add3A_1152, %get3A_1157 : vector<16xf32>
    %get3A_1159 = arith.constant 11 : i32
    %get3A_1160 = arith.index_cast %get3A_1159 : i32 to index
    %get3A_1161 = arith.constant 112 : index
    %get3A_1162 = tpu.vector_load %arg7[%get3A_1160, %get3A_1161] {strides = array<i32>} : memref<32x128xf32, #tpu.memory_space<vmem>>, vector<1x16xf32>,
    %get3A_1163 = vector.shape_cast %get3A_1162 : vector<1x16xf32> to vector<16xf32>
    %add3A_1164 = arith.addf %add3A_1158, %get3A_1163 : vector<16xf32>
    %swap3A_1165 = arith.constant 2 : i32
    %swap3A_1166 = arith.index_cast %swap3A_1165 : i32 to index
    %swap3A_1167 = arith.constant 112 : index
    %swap3A_1168 = tpu.vector_load %arg8[%swap3A_1166, %swap3A_1167] {strides = array<i32>} : memref<8x128xf32, #tpu.memory_space<vmem>>, vector<1x16xf32>,
    %swap3A_1169 = vector.shape_cast %swap3A_1168 : vector<1x16xf32> to vector<16xf32>
    %swap3A_1170 = vector.shape_cast %add3A_1164 : vector<16xf32> to vector<1x16xf32>
    tpu.vector_store %arg8[%swap3A_1166, %swap3A_1167], %swap3A_1170 {strides = array<i32>} : memref<8x128xf32, #tpu.memory_space<vmem>>, vector<1x16xf32>,
    %get3A_1171 = arith.constant 12 : i32
    %get3A_1172 = arith.index_cast %get3A_1171 : i32 to index
    %get3A_1173 = arith.constant 0 : index
    %get3A_1174 = tpu.vector_load %arg7[%get3A_1172, %get3A_1173] {strides = array<i32>} : memref<32x128xf32, #tpu.memory_space<vmem>>, vector<1x16xf32>,
    %get3A_1175 = vector.shape_cast %get3A_1174 : vector<1x16xf32> to vector<16xf32>
    %get3A_1176 = arith.constant 13 : i32
    %get3A_1177 = arith.index_cast %get3A_1176 : i32 to index
    %get3A_1178 = arith.constant 0 : index
    %get3A_1179 = tpu.vector_load %arg7[%get3A_1177, %get3A_1178] {strides = array<i32>} : memref<32x128xf32, #tpu.memory_space<vmem>>, vector<1x16xf32>,
    %get3A_1180 = vector.shape_cast %get3A_1179 : vector<1x16xf32> to vector<16xf32>
    %add3A_1181 = arith.addf %get3A_1175, %get3A_1180 : vector<16xf32>
    %get3A_1182 = arith.constant 14 : i32
    %get3A_1183 = arith.index_cast %get3A_1182 : i32 to index
    %get3A_1184 = arith.constant 0 : index
    %get3A_1185 = tpu.vector_load %arg7[%get3A_1183, %get3A_1184] {strides = array<i32>} : memref<32x128xf32, #tpu.memory_space<vmem>>, vector<1x16xf32>,
    %get3A_1186 = vector.shape_cast %get3A_1185 : vector<1x16xf32> to vector<16xf32>
    %add3A_1187 = arith.addf %add3A_1181, %get3A_1186 : vector<16xf32>
    %get3A_1188 = arith.constant 15 : i32
    %get3A_1189 = arith.index_cast %get3A_1188 : i32 to index
    %get3A_1190 = arith.constant 0 : index
    %get3A_1191 = tpu.vector_load %arg7[%get3A_1189, %get3A_1190] {strides = array<i32>} : memref<32x128xf32, #tpu.memory_space<vmem>>, vector<1x16xf32>,
    %get3A_1192 = vector.shape_cast %get3A_1191 : vector<1x16xf32> to vector<16xf32>
    %add3A_1193 = arith.addf %add3A_1187, %get3A_1192 : vector<16xf32>
    %swap3A_1194 = arith.constant 3 : i32
    %swap3A_1195 = arith.index_cast %swap3A_1194 : i32 to index
    %swap3A_1196 = arith.constant 0 : index
    %swap3A_1197 = tpu.vector_load %arg8[%swap3A_1195, %swap3A_1196] {strides = array<i32>} : memref<8x128xf32, #tpu.memory_space<vmem>>, vector<1x16xf32>,
    %swap3A_1198 = vector.shape_cast %swap3A_1197 : vector<1x16xf32> to vector<16xf32>
    %swap3A_1199 = vector.shape_cast %add3A_1193 : vector<16xf32> to vector<1x16xf32>
    tpu.vector_store %arg8[%swap3A_1195, %swap3A_1196], %swap3A_1199 {strides = array<i32>} : memref<8x128xf32, #tpu.memory_space<vmem>>, vector<1x16xf32>,
    %get3A_1200 = arith.constant 12 : i32
    %get3A_1201 = arith.index_cast %get3A_1200 : i32 to index
    %get3A_1202 = arith.constant 16 : index
    %get3A_1203 = tpu.vector_load %arg7[%get3A_1201, %get3A_1202] {strides = array<i32>} : memref<32x128xf32, #tpu.memory_space<vmem>>, vector<1x16xf32>,
    %get3A_1204 = vector.shape_cast %get3A_1203 : vector<1x16xf32> to vector<16xf32>
    %get3A_1205 = arith.constant 13 : i32
    %get3A_1206 = arith.index_cast %get3A_1205 : i32 to index
    %get3A_1207 = arith.constant 16 : index
    %get3A_1208 = tpu.vector_load %arg7[%get3A_1206, %get3A_1207] {strides = array<i32>} : memref<32x128xf32, #tpu.memory_space<vmem>>, vector<1x16xf32>,
    %get3A_1209 = vector.shape_cast %get3A_1208 : vector<1x16xf32> to vector<16xf32>
    %add3A_1210 = arith.addf %get3A_1204, %get3A_1209 : vector<16xf32>
    %get3A_1211 = arith.constant 14 : i32
    %get3A_1212 = arith.index_cast %get3A_1211 : i32 to index
    %get3A_1213 = arith.constant 16 : index
    %get3A_1214 = tpu.vector_load %arg7[%get3A_1212, %get3A_1213] {strides = array<i32>} : memref<32x128xf32, #tpu.memory_space<vmem>>, vector<1x16xf32>,
    %get3A_1215 = vector.shape_cast %get3A_1214 : vector<1x16xf32> to vector<16xf32>
    %add3A_1216 = arith.addf %add3A_1210, %get3A_1215 : vector<16xf32>
    %get3A_1217 = arith.constant 15 : i32
    %get3A_1218 = arith.index_cast %get3A_1217 : i32 to index
    %get3A_1219 = arith.constant 16 : index
    %get3A_1220 = tpu.vector_load %arg7[%get3A_1218, %get3A_1219] {strides = array<i32>} : memref<32x128xf32, #tpu.memory_space<vmem>>, vector<1x16xf32>,
    %get3A_1221 = vector.shape_cast %get3A_1220 : vector<1x16xf32> to vector<16xf32>
    %add3A_1222 = arith.addf %add3A_1216, %get3A_1221 : vector<16xf32>
    %swap3A_1223 = arith.constant 3 : i32
    %swap3A_1224 = arith.index_cast %swap3A_1223 : i32 to index
    %swap3A_1225 = arith.constant 16 : index
    %swap3A_1226 = tpu.vector_load %arg8[%swap3A_1224, %swap3A_1225] {strides = array<i32>} : memref<8x128xf32, #tpu.memory_space<vmem>>, vector<1x16xf32>,
    %swap3A_1227 = vector.shape_cast %swap3A_1226 : vector<1x16xf32> to vector<16xf32>
    %swap3A_1228 = vector.shape_cast %add3A_1222 : vector<16xf32> to vector<1x16xf32>
    tpu.vector_store %arg8[%swap3A_1224, %swap3A_1225], %swap3A_1228 {strides = array<i32>} : memref<8x128xf32, #tpu.memory_space<vmem>>, vector<1x16xf32>,
    %get3A_1229 = arith.constant 12 : i32
    %get3A_1230 = arith.index_cast %get3A_1229 : i32 to index
    %get3A_1231 = arith.constant 32 : index
    %get3A_1232 = tpu.vector_load %arg7[%get3A_1230, %get3A_1231] {strides = array<i32>} : memref<32x128xf32, #tpu.memory_space<vmem>>, vector<1x16xf32>,
    %get3A_1233 = vector.shape_cast %get3A_1232 : vector<1x16xf32> to vector<16xf32>
    %get3A_1234 = arith.constant 13 : i32
    %get3A_1235 = arith.index_cast %get3A_1234 : i32 to index
    %get3A_1236 = arith.constant 32 : index
    %get3A_1237 = tpu.vector_load %arg7[%get3A_1235, %get3A_1236] {strides = array<i32>} : memref<32x128xf32, #tpu.memory_space<vmem>>, vector<1x16xf32>,
    %get3A_1238 = vector.shape_cast %get3A_1237 : vector<1x16xf32> to vector<16xf32>
    %add3A_1239 = arith.addf %get3A_1233, %get3A_1238 : vector<16xf32>
    %get3A_1240 = arith.constant 14 : i32
    %get3A_1241 = arith.index_cast %get3A_1240 : i32 to index
    %get3A_1242 = arith.constant 32 : index
    %get3A_1243 = tpu.vector_load %arg7[%get3A_1241, %get3A_1242] {strides = array<i32>} : memref<32x128xf32, #tpu.memory_space<vmem>>, vector<1x16xf32>,
    %get3A_1244 = vector.shape_cast %get3A_1243 : vector<1x16xf32> to vector<16xf32>
    %add3A_1245 = arith.addf %add3A_1239, %get3A_1244 : vector<16xf32>
    %get3A_1246 = arith.constant 15 : i32
    %get3A_1247 = arith.index_cast %get3A_1246 : i32 to index
    %get3A_1248 = arith.constant 32 : index
    %get3A_1249 = tpu.vector_load %arg7[%get3A_1247, %get3A_1248] {strides = array<i32>} : memref<32x128xf32, #tpu.memory_space<vmem>>, vector<1x16xf32>,
    %get3A_1250 = vector.shape_cast %get3A_1249 : vector<1x16xf32> to vector<16xf32>
    %add3A_1251 = arith.addf %add3A_1245, %get3A_1250 : vector<16xf32>
    %swap3A_1252 = arith.constant 3 : i32
    %swap3A_1253 = arith.index_cast %swap3A_1252 : i32 to index
    %swap3A_1254 = arith.constant 32 : index
    %swap3A_1255 = tpu.vector_load %arg8[%swap3A_1253, %swap3A_1254] {strides = array<i32>} : memref<8x128xf32, #tpu.memory_space<vmem>>, vector<1x16xf32>,
    %swap3A_1256 = vector.shape_cast %swap3A_1255 : vector<1x16xf32> to vector<16xf32>
    %swap3A_1257 = vector.shape_cast %add3A_1251 : vector<16xf32> to vector<1x16xf32>
    tpu.vector_store %arg8[%swap3A_1253, %swap3A_1254], %swap3A_1257 {strides = array<i32>} : memref<8x128xf32, #tpu.memory_space<vmem>>, vector<1x16xf32>,
    %get3A_1258 = arith.constant 12 : i32
    %get3A_1259 = arith.index_cast %get3A_1258 : i32 to index
    %get3A_1260 = arith.constant 48 : index
    %get3A_1261 = tpu.vector_load %arg7[%get3A_1259, %get3A_1260] {strides = array<i32>} : memref<32x128xf32, #tpu.memory_space<vmem>>, vector<1x16xf32>,
    %get3A_1262 = vector.shape_cast %get3A_1261 : vector<1x16xf32> to vector<16xf32>
    %get3A_1263 = arith.constant 13 : i32
    %get3A_1264 = arith.index_cast %get3A_1263 : i32 to index
    %get3A_1265 = arith.constant 48 : index
    %get3A_1266 = tpu.vector_load %arg7[%get3A_1264, %get3A_1265] {strides = array<i32>} : memref<32x128xf32, #tpu.memory_space<vmem>>, vector<1x16xf32>,
    %get3A_1267 = vector.shape_cast %get3A_1266 : vector<1x16xf32> to vector<16xf32>
    %add3A_1268 = arith.addf %get3A_1262, %get3A_1267 : vector<16xf32>
    %get3A_1269 = arith.constant 14 : i32
    %get3A_1270 = arith.index_cast %get3A_1269 : i32 to index
    %get3A_1271 = arith.constant 48 : index
    %get3A_1272 = tpu.vector_load %arg7[%get3A_1270, %get3A_1271] {strides = array<i32>} : memref<32x128xf32, #tpu.memory_space<vmem>>, vector<1x16xf32>,
    %get3A_1273 = vector.shape_cast %get3A_1272 : vector<1x16xf32> to vector<16xf32>
    %add3A_1274 = arith.addf %add3A_1268, %get3A_1273 : vector<16xf32>
    %get3A_1275 = arith.constant 15 : i32
    %get3A_1276 = arith.index_cast %get3A_1275 : i32 to index
    %get3A_1277 = arith.constant 48 : index
    %get3A_1278 = tpu.vector_load %arg7[%get3A_1276, %get3A_1277] {strides = array<i32>} : memref<32x128xf32, #tpu.memory_space<vmem>>, vector<1x16xf32>,
    %get3A_1279 = vector.shape_cast %get3A_1278 : vector<1x16xf32> to vector<16xf32>
    %add3A_1280 = arith.addf %add3A_1274, %get3A_1279 : vector<16xf32>
    %swap3A_1281 = arith.constant 3 : i32
    %swap3A_1282 = arith.index_cast %swap3A_1281 : i32 to index
    %swap3A_1283 = arith.constant 48 : index
    %swap3A_1284 = tpu.vector_load %arg8[%swap3A_1282, %swap3A_1283] {strides = array<i32>} : memref<8x128xf32, #tpu.memory_space<vmem>>, vector<1x16xf32>,
    %swap3A_1285 = vector.shape_cast %swap3A_1284 : vector<1x16xf32> to vector<16xf32>
    %swap3A_1286 = vector.shape_cast %add3A_1280 : vector<16xf32> to vector<1x16xf32>
    tpu.vector_store %arg8[%swap3A_1282, %swap3A_1283], %swap3A_1286 {strides = array<i32>} : memref<8x128xf32, #tpu.memory_space<vmem>>, vector<1x16xf32>,
    %get3A_1287 = arith.constant 12 : i32
    %get3A_1288 = arith.index_cast %get3A_1287 : i32 to index
    %get3A_1289 = arith.constant 64 : index
    %get3A_1290 = tpu.vector_load %arg7[%get3A_1288, %get3A_1289] {strides = array<i32>} : memref<32x128xf32, #tpu.memory_space<vmem>>, vector<1x16xf32>,
    %get3A_1291 = vector.shape_cast %get3A_1290 : vector<1x16xf32> to vector<16xf32>
    %get3A_1292 = arith.constant 13 : i32
    %get3A_1293 = arith.index_cast %get3A_1292 : i32 to index
    %get3A_1294 = arith.constant 64 : index
    %get3A_1295 = tpu.vector_load %arg7[%get3A_1293, %get3A_1294] {strides = array<i32>} : memref<32x128xf32, #tpu.memory_space<vmem>>, vector<1x16xf32>,
    %get3A_1296 = vector.shape_cast %get3A_1295 : vector<1x16xf32> to vector<16xf32>
    %add3A_1297 = arith.addf %get3A_1291, %get3A_1296 : vector<16xf32>
    %get3A_1298 = arith.constant 14 : i32
    %get3A_1299 = arith.index_cast %get3A_1298 : i32 to index
    %get3A_1300 = arith.constant 64 : index
    %get3A_1301 = tpu.vector_load %arg7[%get3A_1299, %get3A_1300] {strides = array<i32>} : memref<32x128xf32, #tpu.memory_space<vmem>>, vector<1x16xf32>,
    %get3A_1302 = vector.shape_cast %get3A_1301 : vector<1x16xf32> to vector<16xf32>
    %add3A_1303 = arith.addf %add3A_1297, %get3A_1302 : vector<16xf32>
    %get3A_1304 = arith.constant 15 : i32
    %get3A_1305 = arith.index_cast %get3A_1304 : i32 to index
    %get3A_1306 = arith.constant 64 : index
    %get3A_1307 = tpu.vector_load %arg7[%get3A_1305, %get3A_1306] {strides = array<i32>} : memref<32x128xf32, #tpu.memory_space<vmem>>, vector<1x16xf32>,
    %get3A_1308 = vector.shape_cast %get3A_1307 : vector<1x16xf32> to vector<16xf32>
    %add3A_1309 = arith.addf %add3A_1303, %get3A_1308 : vector<16xf32>
    %swap3A_1310 = arith.constant 3 : i32
    %swap3A_1311 = arith.index_cast %swap3A_1310 : i32 to index
    %swap3A_1312 = arith.constant 64 : index
    %swap3A_1313 = tpu.vector_load %arg8[%swap3A_1311, %swap3A_1312] {strides = array<i32>} : memref<8x128xf32, #tpu.memory_space<vmem>>, vector<1x16xf32>,
    %swap3A_1314 = vector.shape_cast %swap3A_1313 : vector<1x16xf32> to vector<16xf32>
    %swap3A_1315 = vector.shape_cast %add3A_1309 : vector<16xf32> to vector<1x16xf32>
    tpu.vector_store %arg8[%swap3A_1311, %swap3A_1312], %swap3A_1315 {strides = array<i32>} : memref<8x128xf32, #tpu.memory_space<vmem>>, vector<1x16xf32>,
    %get3A_1316 = arith.constant 12 : i32
    %get3A_1317 = arith.index_cast %get3A_1316 : i32 to index
    %get3A_1318 = arith.constant 80 : index
    %get3A_1319 = tpu.vector_load %arg7[%get3A_1317, %get3A_1318] {strides = array<i32>} : memref<32x128xf32, #tpu.memory_space<vmem>>, vector<1x16xf32>,
    %get3A_1320 = vector.shape_cast %get3A_1319 : vector<1x16xf32> to vector<16xf32>
    %get3A_1321 = arith.constant 13 : i32
    %get3A_1322 = arith.index_cast %get3A_1321 : i32 to index
    %get3A_1323 = arith.constant 80 : index
    %get3A_1324 = tpu.vector_load %arg7[%get3A_1322, %get3A_1323] {strides = array<i32>} : memref<32x128xf32, #tpu.memory_space<vmem>>, vector<1x16xf32>,
    %get3A_1325 = vector.shape_cast %get3A_1324 : vector<1x16xf32> to vector<16xf32>
    %add3A_1326 = arith.addf %get3A_1320, %get3A_1325 : vector<16xf32>
    %get3A_1327 = arith.constant 14 : i32
    %get3A_1328 = arith.index_cast %get3A_1327 : i32 to index
    %get3A_1329 = arith.constant 80 : index
    %get3A_1330 = tpu.vector_load %arg7[%get3A_1328, %get3A_1329] {strides = array<i32>} : memref<32x128xf32, #tpu.memory_space<vmem>>, vector<1x16xf32>,
    %get3A_1331 = vector.shape_cast %get3A_1330 : vector<1x16xf32> to vector<16xf32>
    %add3A_1332 = arith.addf %add3A_1326, %get3A_1331 : vector<16xf32>
    %get3A_1333 = arith.constant 15 : i32
    %get3A_1334 = arith.index_cast %get3A_1333 : i32 to index
    %get3A_1335 = arith.constant 80 : index
    %get3A_1336 = tpu.vector_load %arg7[%get3A_1334, %get3A_1335] {strides = array<i32>} : memref<32x128xf32, #tpu.memory_space<vmem>>, vector<1x16xf32>,
    %get3A_1337 = vector.shape_cast %get3A_1336 : vector<1x16xf32> to vector<16xf32>
    %add3A_1338 = arith.addf %add3A_1332, %get3A_1337 : vector<16xf32>
    %swap3A_1339 = arith.constant 3 : i32
    %swap3A_1340 = arith.index_cast %swap3A_1339 : i32 to index
    %swap3A_1341 = arith.constant 80 : index
    %swap3A_1342 = tpu.vector_load %arg8[%swap3A_1340, %swap3A_1341] {strides = array<i32>} : memref<8x128xf32, #tpu.memory_space<vmem>>, vector<1x16xf32>,
    %swap3A_1343 = vector.shape_cast %swap3A_1342 : vector<1x16xf32> to vector<16xf32>
    %swap3A_1344 = vector.shape_cast %add3A_1338 : vector<16xf32> to vector<1x16xf32>
    tpu.vector_store %arg8[%swap3A_1340, %swap3A_1341], %swap3A_1344 {strides = array<i32>} : memref<8x128xf32, #tpu.memory_space<vmem>>, vector<1x16xf32>,
    %get3A_1345 = arith.constant 12 : i32
    %get3A_1346 = arith.index_cast %get3A_1345 : i32 to index
    %get3A_1347 = arith.constant 96 : index
    %get3A_1348 = tpu.vector_load %arg7[%get3A_1346, %get3A_1347] {strides = array<i32>} : memref<32x128xf32, #tpu.memory_space<vmem>>, vector<1x16xf32>,
    %get3A_1349 = vector.shape_cast %get3A_1348 : vector<1x16xf32> to vector<16xf32>
    %get3A_1350 = arith.constant 13 : i32
    %get3A_1351 = arith.index_cast %get3A_1350 : i32 to index
    %get3A_1352 = arith.constant 96 : index
    %get3A_1353 = tpu.vector_load %arg7[%get3A_1351, %get3A_1352] {strides = array<i32>} : memref<32x128xf32, #tpu.memory_space<vmem>>, vector<1x16xf32>,
    %get3A_1354 = vector.shape_cast %get3A_1353 : vector<1x16xf32> to vector<16xf32>
    %add3A_1355 = arith.addf %get3A_1349, %get3A_1354 : vector<16xf32>
    %get3A_1356 = arith.constant 14 : i32
    %get3A_1357 = arith.index_cast %get3A_1356 : i32 to index
    %get3A_1358 = arith.constant 96 : index
    %get3A_1359 = tpu.vector_load %arg7[%get3A_1357, %get3A_1358] {strides = array<i32>} : memref<32x128xf32, #tpu.memory_space<vmem>>, vector<1x16xf32>,
    %get3A_1360 = vector.shape_cast %get3A_1359 : vector<1x16xf32> to vector<16xf32>
    %add3A_1361 = arith.addf %add3A_1355, %get3A_1360 : vector<16xf32>
    %get3A_1362 = arith.constant 15 : i32
    %get3A_1363 = arith.index_cast %get3A_1362 : i32 to index
    %get3A_1364 = arith.constant 96 : index
    %get3A_1365 = tpu.vector_load %arg7[%get3A_1363, %get3A_1364] {strides = array<i32>} : memref<32x128xf32, #tpu.memory_space<vmem>>, vector<1x16xf32>,
    %get3A_1366 = vector.shape_cast %get3A_1365 : vector<1x16xf32> to vector<16xf32>
    %add3A_1367 = arith.addf %add3A_1361, %get3A_1366 : vector<16xf32>
    %swap3A_1368 = arith.constant 3 : i32
    %swap3A_1369 = arith.index_cast %swap3A_1368 : i32 to index
    %swap3A_1370 = arith.constant 96 : index
    %swap3A_1371 = tpu.vector_load %arg8[%swap3A_1369, %swap3A_1370] {strides = array<i32>} : memref<8x128xf32, #tpu.memory_space<vmem>>, vector<1x16xf32>,
    %swap3A_1372 = vector.shape_cast %swap3A_1371 : vector<1x16xf32> to vector<16xf32>
    %swap3A_1373 = vector.shape_cast %add3A_1367 : vector<16xf32> to vector<1x16xf32>
    tpu.vector_store %arg8[%swap3A_1369, %swap3A_1370], %swap3A_1373 {strides = array<i32>} : memref<8x128xf32, #tpu.memory_space<vmem>>, vector<1x16xf32>,
    %get3A_1374 = arith.constant 12 : i32
    %get3A_1375 = arith.index_cast %get3A_1374 : i32 to index
    %get3A_1376 = arith.constant 112 : index
    %get3A_1377 = tpu.vector_load %arg7[%get3A_1375, %get3A_1376] {strides = array<i32>} : memref<32x128xf32, #tpu.memory_space<vmem>>, vector<1x16xf32>,
    %get3A_1378 = vector.shape_cast %get3A_1377 : vector<1x16xf32> to vector<16xf32>
    %get3A_1379 = arith.constant 13 : i32
    %get3A_1380 = arith.index_cast %get3A_1379 : i32 to index
    %get3A_1381 = arith.constant 112 : index
    %get3A_1382 = tpu.vector_load %arg7[%get3A_1380, %get3A_1381] {strides = array<i32>} : memref<32x128xf32, #tpu.memory_space<vmem>>, vector<1x16xf32>,
    %get3A_1383 = vector.shape_cast %get3A_1382 : vector<1x16xf32> to vector<16xf32>
    %add3A_1384 = arith.addf %get3A_1378, %get3A_1383 : vector<16xf32>
    %get3A_1385 = arith.constant 14 : i32
    %get3A_1386 = arith.index_cast %get3A_1385 : i32 to index
    %get3A_1387 = arith.constant 112 : index
    %get3A_1388 = tpu.vector_load %arg7[%get3A_1386, %get3A_1387] {strides = array<i32>} : memref<32x128xf32, #tpu.memory_space<vmem>>, vector<1x16xf32>,
    %get3A_1389 = vector.shape_cast %get3A_1388 : vector<1x16xf32> to vector<16xf32>
    %add3A_1390 = arith.addf %add3A_1384, %get3A_1389 : vector<16xf32>
    %get3A_1391 = arith.constant 15 : i32
    %get3A_1392 = arith.index_cast %get3A_1391 : i32 to index
    %get3A_1393 = arith.constant 112 : index
    %get3A_1394 = tpu.vector_load %arg7[%get3A_1392, %get3A_1393] {strides = array<i32>} : memref<32x128xf32, #tpu.memory_space<vmem>>, vector<1x16xf32>,
    %get3A_1395 = vector.shape_cast %get3A_1394 : vector<1x16xf32> to vector<16xf32>
    %add3A_1396 = arith.addf %add3A_1390, %get3A_1395 : vector<16xf32>
    %swap3A_1397 = arith.constant 3 : i32
    %swap3A_1398 = arith.index_cast %swap3A_1397 : i32 to index
    %swap3A_1399 = arith.constant 112 : index
    %swap3A_1400 = tpu.vector_load %arg8[%swap3A_1398, %swap3A_1399] {strides = array<i32>} : memref<8x128xf32, #tpu.memory_space<vmem>>, vector<1x16xf32>,
    %swap3A_1401 = vector.shape_cast %swap3A_1400 : vector<1x16xf32> to vector<16xf32>
    %swap3A_1402 = vector.shape_cast %add3A_1396 : vector<16xf32> to vector<1x16xf32>
    tpu.vector_store %arg8[%swap3A_1398, %swap3A_1399], %swap3A_1402 {strides = array<i32>} : memref<8x128xf32, #tpu.memory_space<vmem>>, vector<1x16xf32>,
    %get3A_1403 = arith.constant 16 : i32
    %get3A_1404 = arith.index_cast %get3A_1403 : i32 to index
    %get3A_1405 = arith.constant 0 : index
    %get3A_1406 = tpu.vector_load %arg7[%get3A_1404, %get3A_1405] {strides = array<i32>} : memref<32x128xf32, #tpu.memory_space<vmem>>, vector<1x16xf32>,
    %get3A_1407 = vector.shape_cast %get3A_1406 : vector<1x16xf32> to vector<16xf32>
    %get3A_1408 = arith.constant 17 : i32
    %get3A_1409 = arith.index_cast %get3A_1408 : i32 to index
    %get3A_1410 = arith.constant 0 : index
    %get3A_1411 = tpu.vector_load %arg7[%get3A_1409, %get3A_1410] {strides = array<i32>} : memref<32x128xf32, #tpu.memory_space<vmem>>, vector<1x16xf32>,
    %get3A_1412 = vector.shape_cast %get3A_1411 : vector<1x16xf32> to vector<16xf32>
    %add3A_1413 = arith.addf %get3A_1407, %get3A_1412 : vector<16xf32>
    %get3A_1414 = arith.constant 18 : i32
    %get3A_1415 = arith.index_cast %get3A_1414 : i32 to index
    %get3A_1416 = arith.constant 0 : index
    %get3A_1417 = tpu.vector_load %arg7[%get3A_1415, %get3A_1416] {strides = array<i32>} : memref<32x128xf32, #tpu.memory_space<vmem>>, vector<1x16xf32>,
    %get3A_1418 = vector.shape_cast %get3A_1417 : vector<1x16xf32> to vector<16xf32>
    %add3A_1419 = arith.addf %add3A_1413, %get3A_1418 : vector<16xf32>
    %get3A_1420 = arith.constant 19 : i32
    %get3A_1421 = arith.index_cast %get3A_1420 : i32 to index
    %get3A_1422 = arith.constant 0 : index
    %get3A_1423 = tpu.vector_load %arg7[%get3A_1421, %get3A_1422] {strides = array<i32>} : memref<32x128xf32, #tpu.memory_space<vmem>>, vector<1x16xf32>,
    %get3A_1424 = vector.shape_cast %get3A_1423 : vector<1x16xf32> to vector<16xf32>
    %add3A_1425 = arith.addf %add3A_1419, %get3A_1424 : vector<16xf32>
    %swap3A_1426 = arith.constant 4 : i32
    %swap3A_1427 = arith.index_cast %swap3A_1426 : i32 to index
    %swap3A_1428 = arith.constant 0 : index
    %swap3A_1429 = tpu.vector_load %arg8[%swap3A_1427, %swap3A_1428] {strides = array<i32>} : memref<8x128xf32, #tpu.memory_space<vmem>>, vector<1x16xf32>,
    %swap3A_1430 = vector.shape_cast %swap3A_1429 : vector<1x16xf32> to vector<16xf32>
    %swap3A_1431 = vector.shape_cast %add3A_1425 : vector<16xf32> to vector<1x16xf32>
    tpu.vector_store %arg8[%swap3A_1427, %swap3A_1428], %swap3A_1431 {strides = array<i32>} : memref<8x128xf32, #tpu.memory_space<vmem>>, vector<1x16xf32>,
    %get3A_1432 = arith.constant 16 : i32
    %get3A_1433 = arith.index_cast %get3A_1432 : i32 to index
    %get3A_1434 = arith.constant 16 : index
    %get3A_1435 = tpu.vector_load %arg7[%get3A_1433, %get3A_1434] {strides = array<i32>} : memref<32x128xf32, #tpu.memory_space<vmem>>, vector<1x16xf32>,
    %get3A_1436 = vector.shape_cast %get3A_1435 : vector<1x16xf32> to vector<16xf32>
    %get3A_1437 = arith.constant 17 : i32
    %get3A_1438 = arith.index_cast %get3A_1437 : i32 to index
    %get3A_1439 = arith.constant 16 : index
    %get3A_1440 = tpu.vector_load %arg7[%get3A_1438, %get3A_1439] {strides = array<i32>} : memref<32x128xf32, #tpu.memory_space<vmem>>, vector<1x16xf32>,
    %get3A_1441 = vector.shape_cast %get3A_1440 : vector<1x16xf32> to vector<16xf32>
    %add3A_1442 = arith.addf %get3A_1436, %get3A_1441 : vector<16xf32>
    %get3A_1443 = arith.constant 18 : i32
    %get3A_1444 = arith.index_cast %get3A_1443 : i32 to index
    %get3A_1445 = arith.constant 16 : index
    %get3A_1446 = tpu.vector_load %arg7[%get3A_1444, %get3A_1445] {strides = array<i32>} : memref<32x128xf32, #tpu.memory_space<vmem>>, vector<1x16xf32>,
    %get3A_1447 = vector.shape_cast %get3A_1446 : vector<1x16xf32> to vector<16xf32>
    %add3A_1448 = arith.addf %add3A_1442, %get3A_1447 : vector<16xf32>
    %get3A_1449 = arith.constant 19 : i32
    %get3A_1450 = arith.index_cast %get3A_1449 : i32 to index
    %get3A_1451 = arith.constant 16 : index
    %get3A_1452 = tpu.vector_load %arg7[%get3A_1450, %get3A_1451] {strides = array<i32>} : memref<32x128xf32, #tpu.memory_space<vmem>>, vector<1x16xf32>,
    %get3A_1453 = vector.shape_cast %get3A_1452 : vector<1x16xf32> to vector<16xf32>
    %add3A_1454 = arith.addf %add3A_1448, %get3A_1453 : vector<16xf32>
    %swap3A_1455 = arith.constant 4 : i32
    %swap3A_1456 = arith.index_cast %swap3A_1455 : i32 to index
    %swap3A_1457 = arith.constant 16 : index
    %swap3A_1458 = tpu.vector_load %arg8[%swap3A_1456, %swap3A_1457] {strides = array<i32>} : memref<8x128xf32, #tpu.memory_space<vmem>>, vector<1x16xf32>,
    %swap3A_1459 = vector.shape_cast %swap3A_1458 : vector<1x16xf32> to vector<16xf32>
    %swap3A_1460 = vector.shape_cast %add3A_1454 : vector<16xf32> to vector<1x16xf32>
    tpu.vector_store %arg8[%swap3A_1456, %swap3A_1457], %swap3A_1460 {strides = array<i32>} : memref<8x128xf32, #tpu.memory_space<vmem>>, vector<1x16xf32>,
    %get3A_1461 = arith.constant 16 : i32
    %get3A_1462 = arith.index_cast %get3A_1461 : i32 to index
    %get3A_1463 = arith.constant 32 : index
    %get3A_1464 = tpu.vector_load %arg7[%get3A_1462, %get3A_1463] {strides = array<i32>} : memref<32x128xf32, #tpu.memory_space<vmem>>, vector<1x16xf32>,
    %get3A_1465 = vector.shape_cast %get3A_1464 : vector<1x16xf32> to vector<16xf32>
    %get3A_1466 = arith.constant 17 : i32
    %get3A_1467 = arith.index_cast %get3A_1466 : i32 to index
    %get3A_1468 = arith.constant 32 : index
    %get3A_1469 = tpu.vector_load %arg7[%get3A_1467, %get3A_1468] {strides = array<i32>} : memref<32x128xf32, #tpu.memory_space<vmem>>, vector<1x16xf32>,
    %get3A_1470 = vector.shape_cast %get3A_1469 : vector<1x16xf32> to vector<16xf32>
    %add3A_1471 = arith.addf %get3A_1465, %get3A_1470 : vector<16xf32>
    %get3A_1472 = arith.constant 18 : i32
    %get3A_1473 = arith.index_cast %get3A_1472 : i32 to index
    %get3A_1474 = arith.constant 32 : index
    %get3A_1475 = tpu.vector_load %arg7[%get3A_1473, %get3A_1474] {strides = array<i32>} : memref<32x128xf32, #tpu.memory_space<vmem>>, vector<1x16xf32>,
    %get3A_1476 = vector.shape_cast %get3A_1475 : vector<1x16xf32> to vector<16xf32>
    %add3A_1477 = arith.addf %add3A_1471, %get3A_1476 : vector<16xf32>
    %get3A_1478 = arith.constant 19 : i32
    %get3A_1479 = arith.index_cast %get3A_1478 : i32 to index
    %get3A_1480 = arith.constant 32 : index
    %get3A_1481 = tpu.vector_load %arg7[%get3A_1479, %get3A_1480] {strides = array<i32>} : memref<32x128xf32, #tpu.memory_space<vmem>>, vector<1x16xf32>,
    %get3A_1482 = vector.shape_cast %get3A_1481 : vector<1x16xf32> to vector<16xf32>
    %add3A_1483 = arith.addf %add3A_1477, %get3A_1482 : vector<16xf32>
    %swap3A_1484 = arith.constant 4 : i32
    %swap3A_1485 = arith.index_cast %swap3A_1484 : i32 to index
    %swap3A_1486 = arith.constant 32 : index
    %swap3A_1487 = tpu.vector_load %arg8[%swap3A_1485, %swap3A_1486] {strides = array<i32>} : memref<8x128xf32, #tpu.memory_space<vmem>>, vector<1x16xf32>,
    %swap3A_1488 = vector.shape_cast %swap3A_1487 : vector<1x16xf32> to vector<16xf32>
    %swap3A_1489 = vector.shape_cast %add3A_1483 : vector<16xf32> to vector<1x16xf32>
    tpu.vector_store %arg8[%swap3A_1485, %swap3A_1486], %swap3A_1489 {strides = array<i32>} : memref<8x128xf32, #tpu.memory_space<vmem>>, vector<1x16xf32>,
    %get3A_1490 = arith.constant 16 : i32
    %get3A_1491 = arith.index_cast %get3A_1490 : i32 to index
    %get3A_1492 = arith.constant 48 : index
    %get3A_1493 = tpu.vector_load %arg7[%get3A_1491, %get3A_1492] {strides = array<i32>} : memref<32x128xf32, #tpu.memory_space<vmem>>, vector<1x16xf32>,
    %get3A_1494 = vector.shape_cast %get3A_1493 : vector<1x16xf32> to vector<16xf32>
    %get3A_1495 = arith.constant 17 : i32
    %get3A_1496 = arith.index_cast %get3A_1495 : i32 to index
    %get3A_1497 = arith.constant 48 : index
    %get3A_1498 = tpu.vector_load %arg7[%get3A_1496, %get3A_1497] {strides = array<i32>} : memref<32x128xf32, #tpu.memory_space<vmem>>, vector<1x16xf32>,
    %get3A_1499 = vector.shape_cast %get3A_1498 : vector<1x16xf32> to vector<16xf32>
    %add3A_1500 = arith.addf %get3A_1494, %get3A_1499 : vector<16xf32>
    %get3A_1501 = arith.constant 18 : i32
    %get3A_1502 = arith.index_cast %get3A_1501 : i32 to index
    %get3A_1503 = arith.constant 48 : index
    %get3A_1504 = tpu.vector_load %arg7[%get3A_1502, %get3A_1503] {strides = array<i32>} : memref<32x128xf32, #tpu.memory_space<vmem>>, vector<1x16xf32>,
    %get3A_1505 = vector.shape_cast %get3A_1504 : vector<1x16xf32> to vector<16xf32>
    %add3A_1506 = arith.addf %add3A_1500, %get3A_1505 : vector<16xf32>
    %get3A_1507 = arith.constant 19 : i32
    %get3A_1508 = arith.index_cast %get3A_1507 : i32 to index
    %get3A_1509 = arith.constant 48 : index
    %get3A_1510 = tpu.vector_load %arg7[%get3A_1508, %get3A_1509] {strides = array<i32>} : memref<32x128xf32, #tpu.memory_space<vmem>>, vector<1x16xf32>,
    %get3A_1511 = vector.shape_cast %get3A_1510 : vector<1x16xf32> to vector<16xf32>
    %add3A_1512 = arith.addf %add3A_1506, %get3A_1511 : vector<16xf32>
    %swap3A_1513 = arith.constant 4 : i32
    %swap3A_1514 = arith.index_cast %swap3A_1513 : i32 to index
    %swap3A_1515 = arith.constant 48 : index
    %swap3A_1516 = tpu.vector_load %arg8[%swap3A_1514, %swap3A_1515] {strides = array<i32>} : memref<8x128xf32, #tpu.memory_space<vmem>>, vector<1x16xf32>,
    %swap3A_1517 = vector.shape_cast %swap3A_1516 : vector<1x16xf32> to vector<16xf32>
    %swap3A_1518 = vector.shape_cast %add3A_1512 : vector<16xf32> to vector<1x16xf32>
    tpu.vector_store %arg8[%swap3A_1514, %swap3A_1515], %swap3A_1518 {strides = array<i32>} : memref<8x128xf32, #tpu.memory_space<vmem>>, vector<1x16xf32>,
    %get3A_1519 = arith.constant 16 : i32
    %get3A_1520 = arith.index_cast %get3A_1519 : i32 to index
    %get3A_1521 = arith.constant 64 : index
    %get3A_1522 = tpu.vector_load %arg7[%get3A_1520, %get3A_1521] {strides = array<i32>} : memref<32x128xf32, #tpu.memory_space<vmem>>, vector<1x16xf32>,
    %get3A_1523 = vector.shape_cast %get3A_1522 : vector<1x16xf32> to vector<16xf32>
    %get3A_1524 = arith.constant 17 : i32
    %get3A_1525 = arith.index_cast %get3A_1524 : i32 to index
    %get3A_1526 = arith.constant 64 : index
    %get3A_1527 = tpu.vector_load %arg7[%get3A_1525, %get3A_1526] {strides = array<i32>} : memref<32x128xf32, #tpu.memory_space<vmem>>, vector<1x16xf32>,
    %get3A_1528 = vector.shape_cast %get3A_1527 : vector<1x16xf32> to vector<16xf32>
    %add3A_1529 = arith.addf %get3A_1523, %get3A_1528 : vector<16xf32>
    %get3A_1530 = arith.constant 18 : i32
    %get3A_1531 = arith.index_cast %get3A_1530 : i32 to index
    %get3A_1532 = arith.constant 64 : index
    %get3A_1533 = tpu.vector_load %arg7[%get3A_1531, %get3A_1532] {strides = array<i32>} : memref<32x128xf32, #tpu.memory_space<vmem>>, vector<1x16xf32>,
    %get3A_1534 = vector.shape_cast %get3A_1533 : vector<1x16xf32> to vector<16xf32>
    %add3A_1535 = arith.addf %add3A_1529, %get3A_1534 : vector<16xf32>
    %get3A_1536 = arith.constant 19 : i32
    %get3A_1537 = arith.index_cast %get3A_1536 : i32 to index
    %get3A_1538 = arith.constant 64 : index
    %get3A_1539 = tpu.vector_load %arg7[%get3A_1537, %get3A_1538] {strides = array<i32>} : memref<32x128xf32, #tpu.memory_space<vmem>>, vector<1x16xf32>,
    %get3A_1540 = vector.shape_cast %get3A_1539 : vector<1x16xf32> to vector<16xf32>
    %add3A_1541 = arith.addf %add3A_1535, %get3A_1540 : vector<16xf32>
    %swap3A_1542 = arith.constant 4 : i32
    %swap3A_1543 = arith.index_cast %swap3A_1542 : i32 to index
    %swap3A_1544 = arith.constant 64 : index
    %swap3A_1545 = tpu.vector_load %arg8[%swap3A_1543, %swap3A_1544] {strides = array<i32>} : memref<8x128xf32, #tpu.memory_space<vmem>>, vector<1x16xf32>,
    %swap3A_1546 = vector.shape_cast %swap3A_1545 : vector<1x16xf32> to vector<16xf32>
    %swap3A_1547 = vector.shape_cast %add3A_1541 : vector<16xf32> to vector<1x16xf32>
    tpu.vector_store %arg8[%swap3A_1543, %swap3A_1544], %swap3A_1547 {strides = array<i32>} : memref<8x128xf32, #tpu.memory_space<vmem>>, vector<1x16xf32>,
    %get3A_1548 = arith.constant 16 : i32
    %get3A_1549 = arith.index_cast %get3A_1548 : i32 to index
    %get3A_1550 = arith.constant 80 : index
    %get3A_1551 = tpu.vector_load %arg7[%get3A_1549, %get3A_1550] {strides = array<i32>} : memref<32x128xf32, #tpu.memory_space<vmem>>, vector<1x16xf32>,
    %get3A_1552 = vector.shape_cast %get3A_1551 : vector<1x16xf32> to vector<16xf32>
    %get3A_1553 = arith.constant 17 : i32
    %get3A_1554 = arith.index_cast %get3A_1553 : i32 to index
    %get3A_1555 = arith.constant 80 : index
    %get3A_1556 = tpu.vector_load %arg7[%get3A_1554, %get3A_1555] {strides = array<i32>} : memref<32x128xf32, #tpu.memory_space<vmem>>, vector<1x16xf32>,
    %get3A_1557 = vector.shape_cast %get3A_1556 : vector<1x16xf32> to vector<16xf32>
    %add3A_1558 = arith.addf %get3A_1552, %get3A_1557 : vector<16xf32>
    %get3A_1559 = arith.constant 18 : i32
    %get3A_1560 = arith.index_cast %get3A_1559 : i32 to index
    %get3A_1561 = arith.constant 80 : index
    %get3A_1562 = tpu.vector_load %arg7[%get3A_1560, %get3A_1561] {strides = array<i32>} : memref<32x128xf32, #tpu.memory_space<vmem>>, vector<1x16xf32>,
    %get3A_1563 = vector.shape_cast %get3A_1562 : vector<1x16xf32> to vector<16xf32>
    %add3A_1564 = arith.addf %add3A_1558, %get3A_1563 : vector<16xf32>
    %get3A_1565 = arith.constant 19 : i32
    %get3A_1566 = arith.index_cast %get3A_1565 : i32 to index
    %get3A_1567 = arith.constant 80 : index
    %get3A_1568 = tpu.vector_load %arg7[%get3A_1566, %get3A_1567] {strides = array<i32>} : memref<32x128xf32, #tpu.memory_space<vmem>>, vector<1x16xf32>,
    %get3A_1569 = vector.shape_cast %get3A_1568 : vector<1x16xf32> to vector<16xf32>
    %add3A_1570 = arith.addf %add3A_1564, %get3A_1569 : vector<16xf32>
    %swap3A_1571 = arith.constant 4 : i32
    %swap3A_1572 = arith.index_cast %swap3A_1571 : i32 to index
    %swap3A_1573 = arith.constant 80 : index
    %swap3A_1574 = tpu.vector_load %arg8[%swap3A_1572, %swap3A_1573] {strides = array<i32>} : memref<8x128xf32, #tpu.memory_space<vmem>>, vector<1x16xf32>,
    %swap3A_1575 = vector.shape_cast %swap3A_1574 : vector<1x16xf32> to vector<16xf32>
    %swap3A_1576 = vector.shape_cast %add3A_1570 : vector<16xf32> to vector<1x16xf32>
    tpu.vector_store %arg8[%swap3A_1572, %swap3A_1573], %swap3A_1576 {strides = array<i32>} : memref<8x128xf32, #tpu.memory_space<vmem>>, vector<1x16xf32>,
    %get3A_1577 = arith.constant 16 : i32
    %get3A_1578 = arith.index_cast %get3A_1577 : i32 to index
    %get3A_1579 = arith.constant 96 : index
    %get3A_1580 = tpu.vector_load %arg7[%get3A_1578, %get3A_1579] {strides = array<i32>} : memref<32x128xf32, #tpu.memory_space<vmem>>, vector<1x16xf32>,
    %get3A_1581 = vector.shape_cast %get3A_1580 : vector<1x16xf32> to vector<16xf32>
    %get3A_1582 = arith.constant 17 : i32
    %get3A_1583 = arith.index_cast %get3A_1582 : i32 to index
    %get3A_1584 = arith.constant 96 : index
    %get3A_1585 = tpu.vector_load %arg7[%get3A_1583, %get3A_1584] {strides = array<i32>} : memref<32x128xf32, #tpu.memory_space<vmem>>, vector<1x16xf32>,
    %get3A_1586 = vector.shape_cast %get3A_1585 : vector<1x16xf32> to vector<16xf32>
    %add3A_1587 = arith.addf %get3A_1581, %get3A_1586 : vector<16xf32>
    %get3A_1588 = arith.constant 18 : i32
    %get3A_1589 = arith.index_cast %get3A_1588 : i32 to index
    %get3A_1590 = arith.constant 96 : index
    %get3A_1591 = tpu.vector_load %arg7[%get3A_1589, %get3A_1590] {strides = array<i32>} : memref<32x128xf32, #tpu.memory_space<vmem>>, vector<1x16xf32>,
    %get3A_1592 = vector.shape_cast %get3A_1591 : vector<1x16xf32> to vector<16xf32>
    %add3A_1593 = arith.addf %add3A_1587, %get3A_1592 : vector<16xf32>
    %get3A_1594 = arith.constant 19 : i32
    %get3A_1595 = arith.index_cast %get3A_1594 : i32 to index
    %get3A_1596 = arith.constant 96 : index
    %get3A_1597 = tpu.vector_load %arg7[%get3A_1595, %get3A_1596] {strides = array<i32>} : memref<32x128xf32, #tpu.memory_space<vmem>>, vector<1x16xf32>,
    %get3A_1598 = vector.shape_cast %get3A_1597 : vector<1x16xf32> to vector<16xf32>
    %add3A_1599 = arith.addf %add3A_1593, %get3A_1598 : vector<16xf32>
    %swap3A_1600 = arith.constant 4 : i32
    %swap3A_1601 = arith.index_cast %swap3A_1600 : i32 to index
    %swap3A_1602 = arith.constant 96 : index
    %swap3A_1603 = tpu.vector_load %arg8[%swap3A_1601, %swap3A_1602] {strides = array<i32>} : memref<8x128xf32, #tpu.memory_space<vmem>>, vector<1x16xf32>,
    %swap3A_1604 = vector.shape_cast %swap3A_1603 : vector<1x16xf32> to vector<16xf32>
    %swap3A_1605 = vector.shape_cast %add3A_1599 : vector<16xf32> to vector<1x16xf32>
    tpu.vector_store %arg8[%swap3A_1601, %swap3A_1602], %swap3A_1605 {strides = array<i32>} : memref<8x128xf32, #tpu.memory_space<vmem>>, vector<1x16xf32>,
    %get3A_1606 = arith.constant 16 : i32
    %get3A_1607 = arith.index_cast %get3A_1606 : i32 to index
    %get3A_1608 = arith.constant 112 : index
    %get3A_1609 = tpu.vector_load %arg7[%get3A_1607, %get3A_1608] {strides = array<i32>} : memref<32x128xf32, #tpu.memory_space<vmem>>, vector<1x16xf32>,
    %get3A_1610 = vector.shape_cast %get3A_1609 : vector<1x16xf32> to vector<16xf32>
    %get3A_1611 = arith.constant 17 : i32
    %get3A_1612 = arith.index_cast %get3A_1611 : i32 to index
    %get3A_1613 = arith.constant 112 : index
    %get3A_1614 = tpu.vector_load %arg7[%get3A_1612, %get3A_1613] {strides = array<i32>} : memref<32x128xf32, #tpu.memory_space<vmem>>, vector<1x16xf32>,
    %get3A_1615 = vector.shape_cast %get3A_1614 : vector<1x16xf32> to vector<16xf32>
    %add3A_1616 = arith.addf %get3A_1610, %get3A_1615 : vector<16xf32>
    %get3A_1617 = arith.constant 18 : i32
    %get3A_1618 = arith.index_cast %get3A_1617 : i32 to index
    %get3A_1619 = arith.constant 112 : index
    %get3A_1620 = tpu.vector_load %arg7[%get3A_1618, %get3A_1619] {strides = array<i32>} : memref<32x128xf32, #tpu.memory_space<vmem>>, vector<1x16xf32>,
    %get3A_1621 = vector.shape_cast %get3A_1620 : vector<1x16xf32> to vector<16xf32>
    %add3A_1622 = arith.addf %add3A_1616, %get3A_1621 : vector<16xf32>
    %get3A_1623 = arith.constant 19 : i32
    %get3A_1624 = arith.index_cast %get3A_1623 : i32 to index
    %get3A_1625 = arith.constant 112 : index
    %get3A_1626 = tpu.vector_load %arg7[%get3A_1624, %get3A_1625] {strides = array<i32>} : memref<32x128xf32, #tpu.memory_space<vmem>>, vector<1x16xf32>,
    %get3A_1627 = vector.shape_cast %get3A_1626 : vector<1x16xf32> to vector<16xf32>
    %add3A_1628 = arith.addf %add3A_1622, %get3A_1627 : vector<16xf32>
    %swap3A_1629 = arith.constant 4 : i32
    %swap3A_1630 = arith.index_cast %swap3A_1629 : i32 to index
    %swap3A_1631 = arith.constant 112 : index
    %swap3A_1632 = tpu.vector_load %arg8[%swap3A_1630, %swap3A_1631] {strides = array<i32>} : memref<8x128xf32, #tpu.memory_space<vmem>>, vector<1x16xf32>,
    %swap3A_1633 = vector.shape_cast %swap3A_1632 : vector<1x16xf32> to vector<16xf32>
    %swap3A_1634 = vector.shape_cast %add3A_1628 : vector<16xf32> to vector<1x16xf32>
    tpu.vector_store %arg8[%swap3A_1630, %swap3A_1631], %swap3A_1634 {strides = array<i32>} : memref<8x128xf32, #tpu.memory_space<vmem>>, vector<1x16xf32>,
    %get3A_1635 = arith.constant 20 : i32
    %get3A_1636 = arith.index_cast %get3A_1635 : i32 to index
    %get3A_1637 = arith.constant 0 : index
    %get3A_1638 = tpu.vector_load %arg7[%get3A_1636, %get3A_1637] {strides = array<i32>} : memref<32x128xf32, #tpu.memory_space<vmem>>, vector<1x16xf32>,
    %get3A_1639 = vector.shape_cast %get3A_1638 : vector<1x16xf32> to vector<16xf32>
    %get3A_1640 = arith.constant 21 : i32
    %get3A_1641 = arith.index_cast %get3A_1640 : i32 to index
    %get3A_1642 = arith.constant 0 : index
    %get3A_1643 = tpu.vector_load %arg7[%get3A_1641, %get3A_1642] {strides = array<i32>} : memref<32x128xf32, #tpu.memory_space<vmem>>, vector<1x16xf32>,
    %get3A_1644 = vector.shape_cast %get3A_1643 : vector<1x16xf32> to vector<16xf32>
    %add3A_1645 = arith.addf %get3A_1639, %get3A_1644 : vector<16xf32>
    %get3A_1646 = arith.constant 22 : i32
    %get3A_1647 = arith.index_cast %get3A_1646 : i32 to index
    %get3A_1648 = arith.constant 0 : index
    %get3A_1649 = tpu.vector_load %arg7[%get3A_1647, %get3A_1648] {strides = array<i32>} : memref<32x128xf32, #tpu.memory_space<vmem>>, vector<1x16xf32>,
    %get3A_1650 = vector.shape_cast %get3A_1649 : vector<1x16xf32> to vector<16xf32>
    %add3A_1651 = arith.addf %add3A_1645, %get3A_1650 : vector<16xf32>
    %get3A_1652 = arith.constant 23 : i32
    %get3A_1653 = arith.index_cast %get3A_1652 : i32 to index
    %get3A_1654 = arith.constant 0 : index
    %get3A_1655 = tpu.vector_load %arg7[%get3A_1653, %get3A_1654] {strides = array<i32>} : memref<32x128xf32, #tpu.memory_space<vmem>>, vector<1x16xf32>,
    %get3A_1656 = vector.shape_cast %get3A_1655 : vector<1x16xf32> to vector<16xf32>
    %add3A_1657 = arith.addf %add3A_1651, %get3A_1656 : vector<16xf32>
    %swap3A_1658 = arith.constant 5 : i32
    %swap3A_1659 = arith.index_cast %swap3A_1658 : i32 to index
    %swap3A_1660 = arith.constant 0 : index
    %swap3A_1661 = tpu.vector_load %arg8[%swap3A_1659, %swap3A_1660] {strides = array<i32>} : memref<8x128xf32, #tpu.memory_space<vmem>>, vector<1x16xf32>,
    %swap3A_1662 = vector.shape_cast %swap3A_1661 : vector<1x16xf32> to vector<16xf32>
    %swap3A_1663 = vector.shape_cast %add3A_1657 : vector<16xf32> to vector<1x16xf32>
    tpu.vector_store %arg8[%swap3A_1659, %swap3A_1660], %swap3A_1663 {strides = array<i32>} : memref<8x128xf32, #tpu.memory_space<vmem>>, vector<1x16xf32>,
    %get3A_1664 = arith.constant 20 : i32
    %get3A_1665 = arith.index_cast %get3A_1664 : i32 to index
    %get3A_1666 = arith.constant 16 : index
    %get3A_1667 = tpu.vector_load %arg7[%get3A_1665, %get3A_1666] {strides = array<i32>} : memref<32x128xf32, #tpu.memory_space<vmem>>, vector<1x16xf32>,
    %get3A_1668 = vector.shape_cast %get3A_1667 : vector<1x16xf32> to vector<16xf32>
    %get3A_1669 = arith.constant 21 : i32
    %get3A_1670 = arith.index_cast %get3A_1669 : i32 to index
    %get3A_1671 = arith.constant 16 : index
    %get3A_1672 = tpu.vector_load %arg7[%get3A_1670, %get3A_1671] {strides = array<i32>} : memref<32x128xf32, #tpu.memory_space<vmem>>, vector<1x16xf32>,
    %get3A_1673 = vector.shape_cast %get3A_1672 : vector<1x16xf32> to vector<16xf32>
    %add3A_1674 = arith.addf %get3A_1668, %get3A_1673 : vector<16xf32>
    %get3A_1675 = arith.constant 22 : i32
    %get3A_1676 = arith.index_cast %get3A_1675 : i32 to index
    %get3A_1677 = arith.constant 16 : index
    %get3A_1678 = tpu.vector_load %arg7[%get3A_1676, %get3A_1677] {strides = array<i32>} : memref<32x128xf32, #tpu.memory_space<vmem>>, vector<1x16xf32>,
    %get3A_1679 = vector.shape_cast %get3A_1678 : vector<1x16xf32> to vector<16xf32>
    %add3A_1680 = arith.addf %add3A_1674, %get3A_1679 : vector<16xf32>
    %get3A_1681 = arith.constant 23 : i32
    %get3A_1682 = arith.index_cast %get3A_1681 : i32 to index
    %get3A_1683 = arith.constant 16 : index
    %get3A_1684 = tpu.vector_load %arg7[%get3A_1682, %get3A_1683] {strides = array<i32>} : memref<32x128xf32, #tpu.memory_space<vmem>>, vector<1x16xf32>,
    %get3A_1685 = vector.shape_cast %get3A_1684 : vector<1x16xf32> to vector<16xf32>
    %add3A_1686 = arith.addf %add3A_1680, %get3A_1685 : vector<16xf32>
    %swap3A_1687 = arith.constant 5 : i32
    %swap3A_1688 = arith.index_cast %swap3A_1687 : i32 to index
    %swap3A_1689 = arith.constant 16 : index
    %swap3A_1690 = tpu.vector_load %arg8[%swap3A_1688, %swap3A_1689] {strides = array<i32>} : memref<8x128xf32, #tpu.memory_space<vmem>>, vector<1x16xf32>,
    %swap3A_1691 = vector.shape_cast %swap3A_1690 : vector<1x16xf32> to vector<16xf32>
    %swap3A_1692 = vector.shape_cast %add3A_1686 : vector<16xf32> to vector<1x16xf32>
    tpu.vector_store %arg8[%swap3A_1688, %swap3A_1689], %swap3A_1692 {strides = array<i32>} : memref<8x128xf32, #tpu.memory_space<vmem>>, vector<1x16xf32>,
    %get3A_1693 = arith.constant 20 : i32
    %get3A_1694 = arith.index_cast %get3A_1693 : i32 to index
    %get3A_1695 = arith.constant 32 : index
    %get3A_1696 = tpu.vector_load %arg7[%get3A_1694, %get3A_1695] {strides = array<i32>} : memref<32x128xf32, #tpu.memory_space<vmem>>, vector<1x16xf32>,
    %get3A_1697 = vector.shape_cast %get3A_1696 : vector<1x16xf32> to vector<16xf32>
    %get3A_1698 = arith.constant 21 : i32
    %get3A_1699 = arith.index_cast %get3A_1698 : i32 to index
    %get3A_1700 = arith.constant 32 : index
    %get3A_1701 = tpu.vector_load %arg7[%get3A_1699, %get3A_1700] {strides = array<i32>} : memref<32x128xf32, #tpu.memory_space<vmem>>, vector<1x16xf32>,
    %get3A_1702 = vector.shape_cast %get3A_1701 : vector<1x16xf32> to vector<16xf32>
    %add3A_1703 = arith.addf %get3A_1697, %get3A_1702 : vector<16xf32>
    %get3A_1704 = arith.constant 22 : i32
    %get3A_1705 = arith.index_cast %get3A_1704 : i32 to index
    %get3A_1706 = arith.constant 32 : index
    %get3A_1707 = tpu.vector_load %arg7[%get3A_1705, %get3A_1706] {strides = array<i32>} : memref<32x128xf32, #tpu.memory_space<vmem>>, vector<1x16xf32>,
    %get3A_1708 = vector.shape_cast %get3A_1707 : vector<1x16xf32> to vector<16xf32>
    %add3A_1709 = arith.addf %add3A_1703, %get3A_1708 : vector<16xf32>
    %get3A_1710 = arith.constant 23 : i32
    %get3A_1711 = arith.index_cast %get3A_1710 : i32 to index
    %get3A_1712 = arith.constant 32 : index
    %get3A_1713 = tpu.vector_load %arg7[%get3A_1711, %get3A_1712] {strides = array<i32>} : memref<32x128xf32, #tpu.memory_space<vmem>>, vector<1x16xf32>,
    %get3A_1714 = vector.shape_cast %get3A_1713 : vector<1x16xf32> to vector<16xf32>
    %add3A_1715 = arith.addf %add3A_1709, %get3A_1714 : vector<16xf32>
    %swap3A_1716 = arith.constant 5 : i32
    %swap3A_1717 = arith.index_cast %swap3A_1716 : i32 to index
    %swap3A_1718 = arith.constant 32 : index
    %swap3A_1719 = tpu.vector_load %arg8[%swap3A_1717, %swap3A_1718] {strides = array<i32>} : memref<8x128xf32, #tpu.memory_space<vmem>>, vector<1x16xf32>,
    %swap3A_1720 = vector.shape_cast %swap3A_1719 : vector<1x16xf32> to vector<16xf32>
    %swap3A_1721 = vector.shape_cast %add3A_1715 : vector<16xf32> to vector<1x16xf32>
    tpu.vector_store %arg8[%swap3A_1717, %swap3A_1718], %swap3A_1721 {strides = array<i32>} : memref<8x128xf32, #tpu.memory_space<vmem>>, vector<1x16xf32>,
    %get3A_1722 = arith.constant 20 : i32
    %get3A_1723 = arith.index_cast %get3A_1722 : i32 to index
    %get3A_1724 = arith.constant 48 : index
    %get3A_1725 = tpu.vector_load %arg7[%get3A_1723, %get3A_1724] {strides = array<i32>} : memref<32x128xf32, #tpu.memory_space<vmem>>, vector<1x16xf32>,
    %get3A_1726 = vector.shape_cast %get3A_1725 : vector<1x16xf32> to vector<16xf32>
    %get3A_1727 = arith.constant 21 : i32
    %get3A_1728 = arith.index_cast %get3A_1727 : i32 to index
    %get3A_1729 = arith.constant 48 : index
    %get3A_1730 = tpu.vector_load %arg7[%get3A_1728, %get3A_1729] {strides = array<i32>} : memref<32x128xf32, #tpu.memory_space<vmem>>, vector<1x16xf32>,
    %get3A_1731 = vector.shape_cast %get3A_1730 : vector<1x16xf32> to vector<16xf32>
    %add3A_1732 = arith.addf %get3A_1726, %get3A_1731 : vector<16xf32>
    %get3A_1733 = arith.constant 22 : i32
    %get3A_1734 = arith.index_cast %get3A_1733 : i32 to index
    %get3A_1735 = arith.constant 48 : index
    %get3A_1736 = tpu.vector_load %arg7[%get3A_1734, %get3A_1735] {strides = array<i32>} : memref<32x128xf32, #tpu.memory_space<vmem>>, vector<1x16xf32>,
    %get3A_1737 = vector.shape_cast %get3A_1736 : vector<1x16xf32> to vector<16xf32>
    %add3A_1738 = arith.addf %add3A_1732, %get3A_1737 : vector<16xf32>
    %get3A_1739 = arith.constant 23 : i32
    %get3A_1740 = arith.index_cast %get3A_1739 : i32 to index
    %get3A_1741 = arith.constant 48 : index
    %get3A_1742 = tpu.vector_load %arg7[%get3A_1740, %get3A_1741] {strides = array<i32>} : memref<32x128xf32, #tpu.memory_space<vmem>>, vector<1x16xf32>,
    %get3A_1743 = vector.shape_cast %get3A_1742 : vector<1x16xf32> to vector<16xf32>
    %add3A_1744 = arith.addf %add3A_1738, %get3A_1743 : vector<16xf32>
    %swap3A_1745 = arith.constant 5 : i32
    %swap3A_1746 = arith.index_cast %swap3A_1745 : i32 to index
    %swap3A_1747 = arith.constant 48 : index
    %swap3A_1748 = tpu.vector_load %arg8[%swap3A_1746, %swap3A_1747] {strides = array<i32>} : memref<8x128xf32, #tpu.memory_space<vmem>>, vector<1x16xf32>,
    %swap3A_1749 = vector.shape_cast %swap3A_1748 : vector<1x16xf32> to vector<16xf32>
    %swap3A_1750 = vector.shape_cast %add3A_1744 : vector<16xf32> to vector<1x16xf32>
    tpu.vector_store %arg8[%swap3A_1746, %swap3A_1747], %swap3A_1750 {strides = array<i32>} : memref<8x128xf32, #tpu.memory_space<vmem>>, vector<1x16xf32>,
    %get3A_1751 = arith.constant 20 : i32
    %get3A_1752 = arith.index_cast %get3A_1751 : i32 to index
    %get3A_1753 = arith.constant 64 : index
    %get3A_1754 = tpu.vector_load %arg7[%get3A_1752, %get3A_1753] {strides = array<i32>} : memref<32x128xf32, #tpu.memory_space<vmem>>, vector<1x16xf32>,
    %get3A_1755 = vector.shape_cast %get3A_1754 : vector<1x16xf32> to vector<16xf32>
    %get3A_1756 = arith.constant 21 : i32
    %get3A_1757 = arith.index_cast %get3A_1756 : i32 to index
    %get3A_1758 = arith.constant 64 : index
    %get3A_1759 = tpu.vector_load %arg7[%get3A_1757, %get3A_1758] {strides = array<i32>} : memref<32x128xf32, #tpu.memory_space<vmem>>, vector<1x16xf32>,
    %get3A_1760 = vector.shape_cast %get3A_1759 : vector<1x16xf32> to vector<16xf32>
    %add3A_1761 = arith.addf %get3A_1755, %get3A_1760 : vector<16xf32>
    %get3A_1762 = arith.constant 22 : i32
    %get3A_1763 = arith.index_cast %get3A_1762 : i32 to index
    %get3A_1764 = arith.constant 64 : index
    %get3A_1765 = tpu.vector_load %arg7[%get3A_1763, %get3A_1764] {strides = array<i32>} : memref<32x128xf32, #tpu.memory_space<vmem>>, vector<1x16xf32>,
    %get3A_1766 = vector.shape_cast %get3A_1765 : vector<1x16xf32> to vector<16xf32>
    %add3A_1767 = arith.addf %add3A_1761, %get3A_1766 : vector<16xf32>
    %get3A_1768 = arith.constant 23 : i32
    %get3A_1769 = arith.index_cast %get3A_1768 : i32 to index
    %get3A_1770 = arith.constant 64 : index
    %get3A_1771 = tpu.vector_load %arg7[%get3A_1769, %get3A_1770] {strides = array<i32>} : memref<32x128xf32, #tpu.memory_space<vmem>>, vector<1x16xf32>,
    %get3A_1772 = vector.shape_cast %get3A_1771 : vector<1x16xf32> to vector<16xf32>
    %add3A_1773 = arith.addf %add3A_1767, %get3A_1772 : vector<16xf32>
    %swap3A_1774 = arith.constant 5 : i32
    %swap3A_1775 = arith.index_cast %swap3A_1774 : i32 to index
    %swap3A_1776 = arith.constant 64 : index
    %swap3A_1777 = tpu.vector_load %arg8[%swap3A_1775, %swap3A_1776] {strides = array<i32>} : memref<8x128xf32, #tpu.memory_space<vmem>>, vector<1x16xf32>,
    %swap3A_1778 = vector.shape_cast %swap3A_1777 : vector<1x16xf32> to vector<16xf32>
    %swap3A_1779 = vector.shape_cast %add3A_1773 : vector<16xf32> to vector<1x16xf32>
    tpu.vector_store %arg8[%swap3A_1775, %swap3A_1776], %swap3A_1779 {strides = array<i32>} : memref<8x128xf32, #tpu.memory_space<vmem>>, vector<1x16xf32>,
    %get3A_1780 = arith.constant 20 : i32
    %get3A_1781 = arith.index_cast %get3A_1780 : i32 to index
    %get3A_1782 = arith.constant 80 : index
    %get3A_1783 = tpu.vector_load %arg7[%get3A_1781, %get3A_1782] {strides = array<i32>} : memref<32x128xf32, #tpu.memory_space<vmem>>, vector<1x16xf32>,
    %get3A_1784 = vector.shape_cast %get3A_1783 : vector<1x16xf32> to vector<16xf32>
    %get3A_1785 = arith.constant 21 : i32
    %get3A_1786 = arith.index_cast %get3A_1785 : i32 to index
    %get3A_1787 = arith.constant 80 : index
    %get3A_1788 = tpu.vector_load %arg7[%get3A_1786, %get3A_1787] {strides = array<i32>} : memref<32x128xf32, #tpu.memory_space<vmem>>, vector<1x16xf32>,
    %get3A_1789 = vector.shape_cast %get3A_1788 : vector<1x16xf32> to vector<16xf32>
    %add3A_1790 = arith.addf %get3A_1784, %get3A_1789 : vector<16xf32>
    %get3A_1791 = arith.constant 22 : i32
    %get3A_1792 = arith.index_cast %get3A_1791 : i32 to index
    %get3A_1793 = arith.constant 80 : index
    %get3A_1794 = tpu.vector_load %arg7[%get3A_1792, %get3A_1793] {strides = array<i32>} : memref<32x128xf32, #tpu.memory_space<vmem>>, vector<1x16xf32>,
    %get3A_1795 = vector.shape_cast %get3A_1794 : vector<1x16xf32> to vector<16xf32>
    %add3A_1796 = arith.addf %add3A_1790, %get3A_1795 : vector<16xf32>
    %get3A_1797 = arith.constant 23 : i32
    %get3A_1798 = arith.index_cast %get3A_1797 : i32 to index
    %get3A_1799 = arith.constant 80 : index
    %get3A_1800 = tpu.vector_load %arg7[%get3A_1798, %get3A_1799] {strides = array<i32>} : memref<32x128xf32, #tpu.memory_space<vmem>>, vector<1x16xf32>,
    %get3A_1801 = vector.shape_cast %get3A_1800 : vector<1x16xf32> to vector<16xf32>
    %add3A_1802 = arith.addf %add3A_1796, %get3A_1801 : vector<16xf32>
    %swap3A_1803 = arith.constant 5 : i32
    %swap3A_1804 = arith.index_cast %swap3A_1803 : i32 to index
    %swap3A_1805 = arith.constant 80 : index
    %swap3A_1806 = tpu.vector_load %arg8[%swap3A_1804, %swap3A_1805] {strides = array<i32>} : memref<8x128xf32, #tpu.memory_space<vmem>>, vector<1x16xf32>,
    %swap3A_1807 = vector.shape_cast %swap3A_1806 : vector<1x16xf32> to vector<16xf32>
    %swap3A_1808 = vector.shape_cast %add3A_1802 : vector<16xf32> to vector<1x16xf32>
    tpu.vector_store %arg8[%swap3A_1804, %swap3A_1805], %swap3A_1808 {strides = array<i32>} : memref<8x128xf32, #tpu.memory_space<vmem>>, vector<1x16xf32>,
    %get3A_1809 = arith.constant 20 : i32
    %get3A_1810 = arith.index_cast %get3A_1809 : i32 to index
    %get3A_1811 = arith.constant 96 : index
    %get3A_1812 = tpu.vector_load %arg7[%get3A_1810, %get3A_1811] {strides = array<i32>} : memref<32x128xf32, #tpu.memory_space<vmem>>, vector<1x16xf32>,
    %get3A_1813 = vector.shape_cast %get3A_1812 : vector<1x16xf32> to vector<16xf32>
    %get3A_1814 = arith.constant 21 : i32
    %get3A_1815 = arith.index_cast %get3A_1814 : i32 to index
    %get3A_1816 = arith.constant 96 : index
    %get3A_1817 = tpu.vector_load %arg7[%get3A_1815, %get3A_1816] {strides = array<i32>} : memref<32x128xf32, #tpu.memory_space<vmem>>, vector<1x16xf32>,
    %get3A_1818 = vector.shape_cast %get3A_1817 : vector<1x16xf32> to vector<16xf32>
    %add3A_1819 = arith.addf %get3A_1813, %get3A_1818 : vector<16xf32>
    %get3A_1820 = arith.constant 22 : i32
    %get3A_1821 = arith.index_cast %get3A_1820 : i32 to index
    %get3A_1822 = arith.constant 96 : index
    %get3A_1823 = tpu.vector_load %arg7[%get3A_1821, %get3A_1822] {strides = array<i32>} : memref<32x128xf32, #tpu.memory_space<vmem>>, vector<1x16xf32>,
    %get3A_1824 = vector.shape_cast %get3A_1823 : vector<1x16xf32> to vector<16xf32>
    %add3A_1825 = arith.addf %add3A_1819, %get3A_1824 : vector<16xf32>
    %get3A_1826 = arith.constant 23 : i32
    %get3A_1827 = arith.index_cast %get3A_1826 : i32 to index
    %get3A_1828 = arith.constant 96 : index
    %get3A_1829 = tpu.vector_load %arg7[%get3A_1827, %get3A_1828] {strides = array<i32>} : memref<32x128xf32, #tpu.memory_space<vmem>>, vector<1x16xf32>,
    %get3A_1830 = vector.shape_cast %get3A_1829 : vector<1x16xf32> to vector<16xf32>
    %add3A_1831 = arith.addf %add3A_1825, %get3A_1830 : vector<16xf32>
    %swap3A_1832 = arith.constant 5 : i32
    %swap3A_1833 = arith.index_cast %swap3A_1832 : i32 to index
    %swap3A_1834 = arith.constant 96 : index
    %swap3A_1835 = tpu.vector_load %arg8[%swap3A_1833, %swap3A_1834] {strides = array<i32>} : memref<8x128xf32, #tpu.memory_space<vmem>>, vector<1x16xf32>,
    %swap3A_1836 = vector.shape_cast %swap3A_1835 : vector<1x16xf32> to vector<16xf32>
    %swap3A_1837 = vector.shape_cast %add3A_1831 : vector<16xf32> to vector<1x16xf32>
    tpu.vector_store %arg8[%swap3A_1833, %swap3A_1834], %swap3A_1837 {strides = array<i32>} : memref<8x128xf32, #tpu.memory_space<vmem>>, vector<1x16xf32>,
    %get3A_1838 = arith.constant 20 : i32
    %get3A_1839 = arith.index_cast %get3A_1838 : i32 to index
    %get3A_1840 = arith.constant 112 : index
    %get3A_1841 = tpu.vector_load %arg7[%get3A_1839, %get3A_1840] {strides = array<i32>} : memref<32x128xf32, #tpu.memory_space<vmem>>, vector<1x16xf32>,
    %get3A_1842 = vector.shape_cast %get3A_1841 : vector<1x16xf32> to vector<16xf32>
    %get3A_1843 = arith.constant 21 : i32
    %get3A_1844 = arith.index_cast %get3A_1843 : i32 to index
    %get3A_1845 = arith.constant 112 : index
    %get3A_1846 = tpu.vector_load %arg7[%get3A_1844, %get3A_1845] {strides = array<i32>} : memref<32x128xf32, #tpu.memory_space<vmem>>, vector<1x16xf32>,
    %get3A_1847 = vector.shape_cast %get3A_1846 : vector<1x16xf32> to vector<16xf32>
    %add3A_1848 = arith.addf %get3A_1842, %get3A_1847 : vector<16xf32>
    %get3A_1849 = arith.constant 22 : i32
    %get3A_1850 = arith.index_cast %get3A_1849 : i32 to index
    %get3A_1851 = arith.constant 112 : index
    %get3A_1852 = tpu.vector_load %arg7[%get3A_1850, %get3A_1851] {strides = array<i32>} : memref<32x128xf32, #tpu.memory_space<vmem>>, vector<1x16xf32>,
    %get3A_1853 = vector.shape_cast %get3A_1852 : vector<1x16xf32> to vector<16xf32>
    %add3A_1854 = arith.addf %add3A_1848, %get3A_1853 : vector<16xf32>
    %get3A_1855 = arith.constant 23 : i32
    %get3A_1856 = arith.index_cast %get3A_1855 : i32 to index
    %get3A_1857 = arith.constant 112 : index
    %get3A_1858 = tpu.vector_load %arg7[%get3A_1856, %get3A_1857] {strides = array<i32>} : memref<32x128xf32, #tpu.memory_space<vmem>>, vector<1x16xf32>,
    %get3A_1859 = vector.shape_cast %get3A_1858 : vector<1x16xf32> to vector<16xf32>
    %add3A_1860 = arith.addf %add3A_1854, %get3A_1859 : vector<16xf32>
    %swap3A_1861 = arith.constant 5 : i32
    %swap3A_1862 = arith.index_cast %swap3A_1861 : i32 to index
    %swap3A_1863 = arith.constant 112 : index
    %swap3A_1864 = tpu.vector_load %arg8[%swap3A_1862, %swap3A_1863] {strides = array<i32>} : memref<8x128xf32, #tpu.memory_space<vmem>>, vector<1x16xf32>,
    %swap3A_1865 = vector.shape_cast %swap3A_1864 : vector<1x16xf32> to vector<16xf32>
    %swap3A_1866 = vector.shape_cast %add3A_1860 : vector<16xf32> to vector<1x16xf32>
    tpu.vector_store %arg8[%swap3A_1862, %swap3A_1863], %swap3A_1866 {strides = array<i32>} : memref<8x128xf32, #tpu.memory_space<vmem>>, vector<1x16xf32>,
    %get3A_1867 = arith.constant 24 : i32
    %get3A_1868 = arith.index_cast %get3A_1867 : i32 to index
    %get3A_1869 = arith.constant 0 : index
    %get3A_1870 = tpu.vector_load %arg7[%get3A_1868, %get3A_1869] {strides = array<i32>} : memref<32x128xf32, #tpu.memory_space<vmem>>, vector<1x16xf32>,
    %get3A_1871 = vector.shape_cast %get3A_1870 : vector<1x16xf32> to vector<16xf32>
    %get3A_1872 = arith.constant 25 : i32
    %get3A_1873 = arith.index_cast %get3A_1872 : i32 to index
    %get3A_1874 = arith.constant 0 : index
    %get3A_1875 = tpu.vector_load %arg7[%get3A_1873, %get3A_1874] {strides = array<i32>} : memref<32x128xf32, #tpu.memory_space<vmem>>, vector<1x16xf32>,
    %get3A_1876 = vector.shape_cast %get3A_1875 : vector<1x16xf32> to vector<16xf32>
    %add3A_1877 = arith.addf %get3A_1871, %get3A_1876 : vector<16xf32>
    %get3A_1878 = arith.constant 26 : i32
    %get3A_1879 = arith.index_cast %get3A_1878 : i32 to index
    %get3A_1880 = arith.constant 0 : index
    %get3A_1881 = tpu.vector_load %arg7[%get3A_1879, %get3A_1880] {strides = array<i32>} : memref<32x128xf32, #tpu.memory_space<vmem>>, vector<1x16xf32>,
    %get3A_1882 = vector.shape_cast %get3A_1881 : vector<1x16xf32> to vector<16xf32>
    %add3A_1883 = arith.addf %add3A_1877, %get3A_1882 : vector<16xf32>
    %get3A_1884 = arith.constant 27 : i32
    %get3A_1885 = arith.index_cast %get3A_1884 : i32 to index
    %get3A_1886 = arith.constant 0 : index
    %get3A_1887 = tpu.vector_load %arg7[%get3A_1885, %get3A_1886] {strides = array<i32>} : memref<32x128xf32, #tpu.memory_space<vmem>>, vector<1x16xf32>,
    %get3A_1888 = vector.shape_cast %get3A_1887 : vector<1x16xf32> to vector<16xf32>
    %add3A_1889 = arith.addf %add3A_1883, %get3A_1888 : vector<16xf32>
    %swap3A_1890 = arith.constant 6 : i32
    %swap3A_1891 = arith.index_cast %swap3A_1890 : i32 to index
    %swap3A_1892 = arith.constant 0 : index
    %swap3A_1893 = tpu.vector_load %arg8[%swap3A_1891, %swap3A_1892] {strides = array<i32>} : memref<8x128xf32, #tpu.memory_space<vmem>>, vector<1x16xf32>,
    %swap3A_1894 = vector.shape_cast %swap3A_1893 : vector<1x16xf32> to vector<16xf32>
    %swap3A_1895 = vector.shape_cast %add3A_1889 : vector<16xf32> to vector<1x16xf32>
    tpu.vector_store %arg8[%swap3A_1891, %swap3A_1892], %swap3A_1895 {strides = array<i32>} : memref<8x128xf32, #tpu.memory_space<vmem>>, vector<1x16xf32>,
    %get3A_1896 = arith.constant 24 : i32
    %get3A_1897 = arith.index_cast %get3A_1896 : i32 to index
    %get3A_1898 = arith.constant 16 : index
    %get3A_1899 = tpu.vector_load %arg7[%get3A_1897, %get3A_1898] {strides = array<i32>} : memref<32x128xf32, #tpu.memory_space<vmem>>, vector<1x16xf32>,
    %get3A_1900 = vector.shape_cast %get3A_1899 : vector<1x16xf32> to vector<16xf32>
    %get3A_1901 = arith.constant 25 : i32
    %get3A_1902 = arith.index_cast %get3A_1901 : i32 to index
    %get3A_1903 = arith.constant 16 : index
    %get3A_1904 = tpu.vector_load %arg7[%get3A_1902, %get3A_1903] {strides = array<i32>} : memref<32x128xf32, #tpu.memory_space<vmem>>, vector<1x16xf32>,
    %get3A_1905 = vector.shape_cast %get3A_1904 : vector<1x16xf32> to vector<16xf32>
    %add3A_1906 = arith.addf %get3A_1900, %get3A_1905 : vector<16xf32>
    %get3A_1907 = arith.constant 26 : i32
    %get3A_1908 = arith.index_cast %get3A_1907 : i32 to index
    %get3A_1909 = arith.constant 16 : index
    %get3A_1910 = tpu.vector_load %arg7[%get3A_1908, %get3A_1909] {strides = array<i32>} : memref<32x128xf32, #tpu.memory_space<vmem>>, vector<1x16xf32>,
    %get3A_1911 = vector.shape_cast %get3A_1910 : vector<1x16xf32> to vector<16xf32>
    %add3A_1912 = arith.addf %add3A_1906, %get3A_1911 : vector<16xf32>
    %get3A_1913 = arith.constant 27 : i32
    %get3A_1914 = arith.index_cast %get3A_1913 : i32 to index
    %get3A_1915 = arith.constant 16 : index
    %get3A_1916 = tpu.vector_load %arg7[%get3A_1914, %get3A_1915] {strides = array<i32>} : memref<32x128xf32, #tpu.memory_space<vmem>>, vector<1x16xf32>,
    %get3A_1917 = vector.shape_cast %get3A_1916 : vector<1x16xf32> to vector<16xf32>
    %add3A_1918 = arith.addf %add3A_1912, %get3A_1917 : vector<16xf32>
    %swap3A_1919 = arith.constant 6 : i32
    %swap3A_1920 = arith.index_cast %swap3A_1919 : i32 to index
    %swap3A_1921 = arith.constant 16 : index
    %swap3A_1922 = tpu.vector_load %arg8[%swap3A_1920, %swap3A_1921] {strides = array<i32>} : memref<8x128xf32, #tpu.memory_space<vmem>>, vector<1x16xf32>,
    %swap3A_1923 = vector.shape_cast %swap3A_1922 : vector<1x16xf32> to vector<16xf32>
    %swap3A_1924 = vector.shape_cast %add3A_1918 : vector<16xf32> to vector<1x16xf32>
    tpu.vector_store %arg8[%swap3A_1920, %swap3A_1921], %swap3A_1924 {strides = array<i32>} : memref<8x128xf32, #tpu.memory_space<vmem>>, vector<1x16xf32>,
    %get3A_1925 = arith.constant 24 : i32
    %get3A_1926 = arith.index_cast %get3A_1925 : i32 to index
    %get3A_1927 = arith.constant 32 : index
    %get3A_1928 = tpu.vector_load %arg7[%get3A_1926, %get3A_1927] {strides = array<i32>} : memref<32x128xf32, #tpu.memory_space<vmem>>, vector<1x16xf32>,
    %get3A_1929 = vector.shape_cast %get3A_1928 : vector<1x16xf32> to vector<16xf32>
    %get3A_1930 = arith.constant 25 : i32
    %get3A_1931 = arith.index_cast %get3A_1930 : i32 to index
    %get3A_1932 = arith.constant 32 : index
    %get3A_1933 = tpu.vector_load %arg7[%get3A_1931, %get3A_1932] {strides = array<i32>} : memref<32x128xf32, #tpu.memory_space<vmem>>, vector<1x16xf32>,
    %get3A_1934 = vector.shape_cast %get3A_1933 : vector<1x16xf32> to vector<16xf32>
    %add3A_1935 = arith.addf %get3A_1929, %get3A_1934 : vector<16xf32>
    %get3A_1936 = arith.constant 26 : i32
    %get3A_1937 = arith.index_cast %get3A_1936 : i32 to index
    %get3A_1938 = arith.constant 32 : index
    %get3A_1939 = tpu.vector_load %arg7[%get3A_1937, %get3A_1938] {strides = array<i32>} : memref<32x128xf32, #tpu.memory_space<vmem>>, vector<1x16xf32>,
    %get3A_1940 = vector.shape_cast %get3A_1939 : vector<1x16xf32> to vector<16xf32>
    %add3A_1941 = arith.addf %add3A_1935, %get3A_1940 : vector<16xf32>
    %get3A_1942 = arith.constant 27 : i32
    %get3A_1943 = arith.index_cast %get3A_1942 : i32 to index
    %get3A_1944 = arith.constant 32 : index
    %get3A_1945 = tpu.vector_load %arg7[%get3A_1943, %get3A_1944] {strides = array<i32>} : memref<32x128xf32, #tpu.memory_space<vmem>>, vector<1x16xf32>,
    %get3A_1946 = vector.shape_cast %get3A_1945 : vector<1x16xf32> to vector<16xf32>
    %add3A_1947 = arith.addf %add3A_1941, %get3A_1946 : vector<16xf32>
    %swap3A_1948 = arith.constant 6 : i32
    %swap3A_1949 = arith.index_cast %swap3A_1948 : i32 to index
    %swap3A_1950 = arith.constant 32 : index
    %swap3A_1951 = tpu.vector_load %arg8[%swap3A_1949, %swap3A_1950] {strides = array<i32>} : memref<8x128xf32, #tpu.memory_space<vmem>>, vector<1x16xf32>,
    %swap3A_1952 = vector.shape_cast %swap3A_1951 : vector<1x16xf32> to vector<16xf32>
    %swap3A_1953 = vector.shape_cast %add3A_1947 : vector<16xf32> to vector<1x16xf32>
    tpu.vector_store %arg8[%swap3A_1949, %swap3A_1950], %swap3A_1953 {strides = array<i32>} : memref<8x128xf32, #tpu.memory_space<vmem>>, vector<1x16xf32>,
    %get3A_1954 = arith.constant 24 : i32
    %get3A_1955 = arith.index_cast %get3A_1954 : i32 to index
    %get3A_1956 = arith.constant 48 : index
    %get3A_1957 = tpu.vector_load %arg7[%get3A_1955, %get3A_1956] {strides = array<i32>} : memref<32x128xf32, #tpu.memory_space<vmem>>, vector<1x16xf32>,
    %get3A_1958 = vector.shape_cast %get3A_1957 : vector<1x16xf32> to vector<16xf32>
    %get3A_1959 = arith.constant 25 : i32
    %get3A_1960 = arith.index_cast %get3A_1959 : i32 to index
    %get3A_1961 = arith.constant 48 : index
    %get3A_1962 = tpu.vector_load %arg7[%get3A_1960, %get3A_1961] {strides = array<i32>} : memref<32x128xf32, #tpu.memory_space<vmem>>, vector<1x16xf32>,
    %get3A_1963 = vector.shape_cast %get3A_1962 : vector<1x16xf32> to vector<16xf32>
    %add3A_1964 = arith.addf %get3A_1958, %get3A_1963 : vector<16xf32>
    %get3A_1965 = arith.constant 26 : i32
    %get3A_1966 = arith.index_cast %get3A_1965 : i32 to index
    %get3A_1967 = arith.constant 48 : index
    %get3A_1968 = tpu.vector_load %arg7[%get3A_1966, %get3A_1967] {strides = array<i32>} : memref<32x128xf32, #tpu.memory_space<vmem>>, vector<1x16xf32>,
    %get3A_1969 = vector.shape_cast %get3A_1968 : vector<1x16xf32> to vector<16xf32>
    %add3A_1970 = arith.addf %add3A_1964, %get3A_1969 : vector<16xf32>
    %get3A_1971 = arith.constant 27 : i32
    %get3A_1972 = arith.index_cast %get3A_1971 : i32 to index
    %get3A_1973 = arith.constant 48 : index
    %get3A_1974 = tpu.vector_load %arg7[%get3A_1972, %get3A_1973] {strides = array<i32>} : memref<32x128xf32, #tpu.memory_space<vmem>>, vector<1x16xf32>,
    %get3A_1975 = vector.shape_cast %get3A_1974 : vector<1x16xf32> to vector<16xf32>
    %add3A_1976 = arith.addf %add3A_1970, %get3A_1975 : vector<16xf32>
    %swap3A_1977 = arith.constant 6 : i32
    %swap3A_1978 = arith.index_cast %swap3A_1977 : i32 to index
    %swap3A_1979 = arith.constant 48 : index
    %swap3A_1980 = tpu.vector_load %arg8[%swap3A_1978, %swap3A_1979] {strides = array<i32>} : memref<8x128xf32, #tpu.memory_space<vmem>>, vector<1x16xf32>,
    %swap3A_1981 = vector.shape_cast %swap3A_1980 : vector<1x16xf32> to vector<16xf32>
    %swap3A_1982 = vector.shape_cast %add3A_1976 : vector<16xf32> to vector<1x16xf32>
    tpu.vector_store %arg8[%swap3A_1978, %swap3A_1979], %swap3A_1982 {strides = array<i32>} : memref<8x128xf32, #tpu.memory_space<vmem>>, vector<1x16xf32>,
    %get3A_1983 = arith.constant 24 : i32
    %get3A_1984 = arith.index_cast %get3A_1983 : i32 to index
    %get3A_1985 = arith.constant 64 : index
    %get3A_1986 = tpu.vector_load %arg7[%get3A_1984, %get3A_1985] {strides = array<i32>} : memref<32x128xf32, #tpu.memory_space<vmem>>, vector<1x16xf32>,
    %get3A_1987 = vector.shape_cast %get3A_1986 : vector<1x16xf32> to vector<16xf32>
    %get3A_1988 = arith.constant 25 : i32
    %get3A_1989 = arith.index_cast %get3A_1988 : i32 to index
    %get3A_1990 = arith.constant 64 : index
    %get3A_1991 = tpu.vector_load %arg7[%get3A_1989, %get3A_1990] {strides = array<i32>} : memref<32x128xf32, #tpu.memory_space<vmem>>, vector<1x16xf32>,
    %get3A_1992 = vector.shape_cast %get3A_1991 : vector<1x16xf32> to vector<16xf32>
    %add3A_1993 = arith.addf %get3A_1987, %get3A_1992 : vector<16xf32>
    %get3A_1994 = arith.constant 26 : i32
    %get3A_1995 = arith.index_cast %get3A_1994 : i32 to index
    %get3A_1996 = arith.constant 64 : index
    %get3A_1997 = tpu.vector_load %arg7[%get3A_1995, %get3A_1996] {strides = array<i32>} : memref<32x128xf32, #tpu.memory_space<vmem>>, vector<1x16xf32>,
    %get3A_1998 = vector.shape_cast %get3A_1997 : vector<1x16xf32> to vector<16xf32>
    %add3A_1999 = arith.addf %add3A_1993, %get3A_1998 : vector<16xf32>
    %get3A_2000 = arith.constant 27 : i32
    %get3A_2001 = arith.index_cast %get3A_2000 : i32 to index
    %get3A_2002 = arith.constant 64 : index
    %get3A_2003 = tpu.vector_load %arg7[%get3A_2001, %get3A_2002] {strides = array<i32>} : memref<32x128xf32, #tpu.memory_space<vmem>>, vector<1x16xf32>,
    %get3A_2004 = vector.shape_cast %get3A_2003 : vector<1x16xf32> to vector<16xf32>
    %add3A_2005 = arith.addf %add3A_1999, %get3A_2004 : vector<16xf32>
    %swap3A_2006 = arith.constant 6 : i32
    %swap3A_2007 = arith.index_cast %swap3A_2006 : i32 to index
    %swap3A_2008 = arith.constant 64 : index
    %swap3A_2009 = tpu.vector_load %arg8[%swap3A_2007, %swap3A_2008] {strides = array<i32>} : memref<8x128xf32, #tpu.memory_space<vmem>>, vector<1x16xf32>,
    %swap3A_2010 = vector.shape_cast %swap3A_2009 : vector<1x16xf32> to vector<16xf32>
    %swap3A_2011 = vector.shape_cast %add3A_2005 : vector<16xf32> to vector<1x16xf32>
    tpu.vector_store %arg8[%swap3A_2007, %swap3A_2008], %swap3A_2011 {strides = array<i32>} : memref<8x128xf32, #tpu.memory_space<vmem>>, vector<1x16xf32>,
    %get3A_2012 = arith.constant 24 : i32
    %get3A_2013 = arith.index_cast %get3A_2012 : i32 to index
    %get3A_2014 = arith.constant 80 : index
    %get3A_2015 = tpu.vector_load %arg7[%get3A_2013, %get3A_2014] {strides = array<i32>} : memref<32x128xf32, #tpu.memory_space<vmem>>, vector<1x16xf32>,
    %get3A_2016 = vector.shape_cast %get3A_2015 : vector<1x16xf32> to vector<16xf32>
    %get3A_2017 = arith.constant 25 : i32
    %get3A_2018 = arith.index_cast %get3A_2017 : i32 to index
    %get3A_2019 = arith.constant 80 : index
    %get3A_2020 = tpu.vector_load %arg7[%get3A_2018, %get3A_2019] {strides = array<i32>} : memref<32x128xf32, #tpu.memory_space<vmem>>, vector<1x16xf32>,
    %get3A_2021 = vector.shape_cast %get3A_2020 : vector<1x16xf32> to vector<16xf32>
    %add3A_2022 = arith.addf %get3A_2016, %get3A_2021 : vector<16xf32>
    %get3A_2023 = arith.constant 26 : i32
    %get3A_2024 = arith.index_cast %get3A_2023 : i32 to index
    %get3A_2025 = arith.constant 80 : index
    %get3A_2026 = tpu.vector_load %arg7[%get3A_2024, %get3A_2025] {strides = array<i32>} : memref<32x128xf32, #tpu.memory_space<vmem>>, vector<1x16xf32>,
    %get3A_2027 = vector.shape_cast %get3A_2026 : vector<1x16xf32> to vector<16xf32>
    %add3A_2028 = arith.addf %add3A_2022, %get3A_2027 : vector<16xf32>
    %get3A_2029 = arith.constant 27 : i32
    %get3A_2030 = arith.index_cast %get3A_2029 : i32 to index
    %get3A_2031 = arith.constant 80 : index
    %get3A_2032 = tpu.vector_load %arg7[%get3A_2030, %get3A_2031] {strides = array<i32>} : memref<32x128xf32, #tpu.memory_space<vmem>>, vector<1x16xf32>,
    %get3A_2033 = vector.shape_cast %get3A_2032 : vector<1x16xf32> to vector<16xf32>
    %add3A_2034 = arith.addf %add3A_2028, %get3A_2033 : vector<16xf32>
    %swap3A_2035 = arith.constant 6 : i32
    %swap3A_2036 = arith.index_cast %swap3A_2035 : i32 to index
    %swap3A_2037 = arith.constant 80 : index
    %swap3A_2038 = tpu.vector_load %arg8[%swap3A_2036, %swap3A_2037] {strides = array<i32>} : memref<8x128xf32, #tpu.memory_space<vmem>>, vector<1x16xf32>,
    %swap3A_2039 = vector.shape_cast %swap3A_2038 : vector<1x16xf32> to vector<16xf32>
    %swap3A_2040 = vector.shape_cast %add3A_2034 : vector<16xf32> to vector<1x16xf32>
    tpu.vector_store %arg8[%swap3A_2036, %swap3A_2037], %swap3A_2040 {strides = array<i32>} : memref<8x128xf32, #tpu.memory_space<vmem>>, vector<1x16xf32>,
    %get3A_2041 = arith.constant 24 : i32
    %get3A_2042 = arith.index_cast %get3A_2041 : i32 to index
    %get3A_2043 = arith.constant 96 : index
    %get3A_2044 = tpu.vector_load %arg7[%get3A_2042, %get3A_2043] {strides = array<i32>} : memref<32x128xf32, #tpu.memory_space<vmem>>, vector<1x16xf32>,
    %get3A_2045 = vector.shape_cast %get3A_2044 : vector<1x16xf32> to vector<16xf32>
    %get3A_2046 = arith.constant 25 : i32
    %get3A_2047 = arith.index_cast %get3A_2046 : i32 to index
    %get3A_2048 = arith.constant 96 : index
    %get3A_2049 = tpu.vector_load %arg7[%get3A_2047, %get3A_2048] {strides = array<i32>} : memref<32x128xf32, #tpu.memory_space<vmem>>, vector<1x16xf32>,
    %get3A_2050 = vector.shape_cast %get3A_2049 : vector<1x16xf32> to vector<16xf32>
    %add3A_2051 = arith.addf %get3A_2045, %get3A_2050 : vector<16xf32>
    %get3A_2052 = arith.constant 26 : i32
    %get3A_2053 = arith.index_cast %get3A_2052 : i32 to index
    %get3A_2054 = arith.constant 96 : index
    %get3A_2055 = tpu.vector_load %arg7[%get3A_2053, %get3A_2054] {strides = array<i32>} : memref<32x128xf32, #tpu.memory_space<vmem>>, vector<1x16xf32>,
    %get3A_2056 = vector.shape_cast %get3A_2055 : vector<1x16xf32> to vector<16xf32>
    %add3A_2057 = arith.addf %add3A_2051, %get3A_2056 : vector<16xf32>
    %get3A_2058 = arith.constant 27 : i32
    %get3A_2059 = arith.index_cast %get3A_2058 : i32 to index
    %get3A_2060 = arith.constant 96 : index
    %get3A_2061 = tpu.vector_load %arg7[%get3A_2059, %get3A_2060] {strides = array<i32>} : memref<32x128xf32, #tpu.memory_space<vmem>>, vector<1x16xf32>,
    %get3A_2062 = vector.shape_cast %get3A_2061 : vector<1x16xf32> to vector<16xf32>
    %add3A_2063 = arith.addf %add3A_2057, %get3A_2062 : vector<16xf32>
    %swap3A_2064 = arith.constant 6 : i32
    %swap3A_2065 = arith.index_cast %swap3A_2064 : i32 to index
    %swap3A_2066 = arith.constant 96 : index
    %swap3A_2067 = tpu.vector_load %arg8[%swap3A_2065, %swap3A_2066] {strides = array<i32>} : memref<8x128xf32, #tpu.memory_space<vmem>>, vector<1x16xf32>,
    %swap3A_2068 = vector.shape_cast %swap3A_2067 : vector<1x16xf32> to vector<16xf32>
    %swap3A_2069 = vector.shape_cast %add3A_2063 : vector<16xf32> to vector<1x16xf32>
    tpu.vector_store %arg8[%swap3A_2065, %swap3A_2066], %swap3A_2069 {strides = array<i32>} : memref<8x128xf32, #tpu.memory_space<vmem>>, vector<1x16xf32>,
    %get3A_2070 = arith.constant 24 : i32
    %get3A_2071 = arith.index_cast %get3A_2070 : i32 to index
    %get3A_2072 = arith.constant 112 : index
    %get3A_2073 = tpu.vector_load %arg7[%get3A_2071, %get3A_2072] {strides = array<i32>} : memref<32x128xf32, #tpu.memory_space<vmem>>, vector<1x16xf32>,
    %get3A_2074 = vector.shape_cast %get3A_2073 : vector<1x16xf32> to vector<16xf32>
    %get3A_2075 = arith.constant 25 : i32
    %get3A_2076 = arith.index_cast %get3A_2075 : i32 to index
    %get3A_2077 = arith.constant 112 : index
    %get3A_2078 = tpu.vector_load %arg7[%get3A_2076, %get3A_2077] {strides = array<i32>} : memref<32x128xf32, #tpu.memory_space<vmem>>, vector<1x16xf32>,
    %get3A_2079 = vector.shape_cast %get3A_2078 : vector<1x16xf32> to vector<16xf32>
    %add3A_2080 = arith.addf %get3A_2074, %get3A_2079 : vector<16xf32>
    %get3A_2081 = arith.constant 26 : i32
    %get3A_2082 = arith.index_cast %get3A_2081 : i32 to index
    %get3A_2083 = arith.constant 112 : index
    %get3A_2084 = tpu.vector_load %arg7[%get3A_2082, %get3A_2083] {strides = array<i32>} : memref<32x128xf32, #tpu.memory_space<vmem>>, vector<1x16xf32>,
    %get3A_2085 = vector.shape_cast %get3A_2084 : vector<1x16xf32> to vector<16xf32>
    %add3A_2086 = arith.addf %add3A_2080, %get3A_2085 : vector<16xf32>
    %get3A_2087 = arith.constant 27 : i32
    %get3A_2088 = arith.index_cast %get3A_2087 : i32 to index
    %get3A_2089 = arith.constant 112 : index
    %get3A_2090 = tpu.vector_load %arg7[%get3A_2088, %get3A_2089] {strides = array<i32>} : memref<32x128xf32, #tpu.memory_space<vmem>>, vector<1x16xf32>,
    %get3A_2091 = vector.shape_cast %get3A_2090 : vector<1x16xf32> to vector<16xf32>
    %add3A_2092 = arith.addf %add3A_2086, %get3A_2091 : vector<16xf32>
    %swap3A_2093 = arith.constant 6 : i32
    %swap3A_2094 = arith.index_cast %swap3A_2093 : i32 to index
    %swap3A_2095 = arith.constant 112 : index
    %swap3A_2096 = tpu.vector_load %arg8[%swap3A_2094, %swap3A_2095] {strides = array<i32>} : memref<8x128xf32, #tpu.memory_space<vmem>>, vector<1x16xf32>,
    %swap3A_2097 = vector.shape_cast %swap3A_2096 : vector<1x16xf32> to vector<16xf32>
    %swap3A_2098 = vector.shape_cast %add3A_2092 : vector<16xf32> to vector<1x16xf32>
    tpu.vector_store %arg8[%swap3A_2094, %swap3A_2095], %swap3A_2098 {strides = array<i32>} : memref<8x128xf32, #tpu.memory_space<vmem>>, vector<1x16xf32>,
    %get3A_2099 = arith.constant 28 : i32
    %get3A_2100 = arith.index_cast %get3A_2099 : i32 to index
    %get3A_2101 = arith.constant 0 : index
    %get3A_2102 = tpu.vector_load %arg7[%get3A_2100, %get3A_2101] {strides = array<i32>} : memref<32x128xf32, #tpu.memory_space<vmem>>, vector<1x16xf32>,
    %get3A_2103 = vector.shape_cast %get3A_2102 : vector<1x16xf32> to vector<16xf32>
    %get3A_2104 = arith.constant 29 : i32
    %get3A_2105 = arith.index_cast %get3A_2104 : i32 to index
    %get3A_2106 = arith.constant 0 : index
    %get3A_2107 = tpu.vector_load %arg7[%get3A_2105, %get3A_2106] {strides = array<i32>} : memref<32x128xf32, #tpu.memory_space<vmem>>, vector<1x16xf32>,
    %get3A_2108 = vector.shape_cast %get3A_2107 : vector<1x16xf32> to vector<16xf32>
    %add3A_2109 = arith.addf %get3A_2103, %get3A_2108 : vector<16xf32>
    %get3A_2110 = arith.constant 30 : i32
    %get3A_2111 = arith.index_cast %get3A_2110 : i32 to index
    %get3A_2112 = arith.constant 0 : index
    %get3A_2113 = tpu.vector_load %arg7[%get3A_2111, %get3A_2112] {strides = array<i32>} : memref<32x128xf32, #tpu.memory_space<vmem>>, vector<1x16xf32>,
    %get3A_2114 = vector.shape_cast %get3A_2113 : vector<1x16xf32> to vector<16xf32>
    %add3A_2115 = arith.addf %add3A_2109, %get3A_2114 : vector<16xf32>
    %get3A_2116 = arith.constant 31 : i32
    %get3A_2117 = arith.index_cast %get3A_2116 : i32 to index
    %get3A_2118 = arith.constant 0 : index
    %get3A_2119 = tpu.vector_load %arg7[%get3A_2117, %get3A_2118] {strides = array<i32>} : memref<32x128xf32, #tpu.memory_space<vmem>>, vector<1x16xf32>,
    %get3A_2120 = vector.shape_cast %get3A_2119 : vector<1x16xf32> to vector<16xf32>
    %add3A_2121 = arith.addf %add3A_2115, %get3A_2120 : vector<16xf32>
    %swap3A_2122 = arith.constant 7 : i32
    %swap3A_2123 = arith.index_cast %swap3A_2122 : i32 to index
    %swap3A_2124 = arith.constant 0 : index
    %swap3A_2125 = tpu.vector_load %arg8[%swap3A_2123, %swap3A_2124] {strides = array<i32>} : memref<8x128xf32, #tpu.memory_space<vmem>>, vector<1x16xf32>,
    %swap3A_2126 = vector.shape_cast %swap3A_2125 : vector<1x16xf32> to vector<16xf32>
    %swap3A_2127 = vector.shape_cast %add3A_2121 : vector<16xf32> to vector<1x16xf32>
    tpu.vector_store %arg8[%swap3A_2123, %swap3A_2124], %swap3A_2127 {strides = array<i32>} : memref<8x128xf32, #tpu.memory_space<vmem>>, vector<1x16xf32>,
    %get3A_2128 = arith.constant 28 : i32
    %get3A_2129 = arith.index_cast %get3A_2128 : i32 to index
    %get3A_2130 = arith.constant 16 : index
    %get3A_2131 = tpu.vector_load %arg7[%get3A_2129, %get3A_2130] {strides = array<i32>} : memref<32x128xf32, #tpu.memory_space<vmem>>, vector<1x16xf32>,
    %get3A_2132 = vector.shape_cast %get3A_2131 : vector<1x16xf32> to vector<16xf32>
    %get3A_2133 = arith.constant 29 : i32
    %get3A_2134 = arith.index_cast %get3A_2133 : i32 to index
    %get3A_2135 = arith.constant 16 : index
    %get3A_2136 = tpu.vector_load %arg7[%get3A_2134, %get3A_2135] {strides = array<i32>} : memref<32x128xf32, #tpu.memory_space<vmem>>, vector<1x16xf32>,
    %get3A_2137 = vector.shape_cast %get3A_2136 : vector<1x16xf32> to vector<16xf32>
    %add3A_2138 = arith.addf %get3A_2132, %get3A_2137 : vector<16xf32>
    %get3A_2139 = arith.constant 30 : i32
    %get3A_2140 = arith.index_cast %get3A_2139 : i32 to index
    %get3A_2141 = arith.constant 16 : index
    %get3A_2142 = tpu.vector_load %arg7[%get3A_2140, %get3A_2141] {strides = array<i32>} : memref<32x128xf32, #tpu.memory_space<vmem>>, vector<1x16xf32>,
    %get3A_2143 = vector.shape_cast %get3A_2142 : vector<1x16xf32> to vector<16xf32>
    %add3A_2144 = arith.addf %add3A_2138, %get3A_2143 : vector<16xf32>
    %get3A_2145 = arith.constant 31 : i32
    %get3A_2146 = arith.index_cast %get3A_2145 : i32 to index
    %get3A_2147 = arith.constant 16 : index
    %get3A_2148 = tpu.vector_load %arg7[%get3A_2146, %get3A_2147] {strides = array<i32>} : memref<32x128xf32, #tpu.memory_space<vmem>>, vector<1x16xf32>,
    %get3A_2149 = vector.shape_cast %get3A_2148 : vector<1x16xf32> to vector<16xf32>
    %add3A_2150 = arith.addf %add3A_2144, %get3A_2149 : vector<16xf32>
    %swap3A_2151 = arith.constant 7 : i32
    %swap3A_2152 = arith.index_cast %swap3A_2151 : i32 to index
    %swap3A_2153 = arith.constant 16 : index
    %swap3A_2154 = tpu.vector_load %arg8[%swap3A_2152, %swap3A_2153] {strides = array<i32>} : memref<8x128xf32, #tpu.memory_space<vmem>>, vector<1x16xf32>,
    %swap3A_2155 = vector.shape_cast %swap3A_2154 : vector<1x16xf32> to vector<16xf32>
    %swap3A_2156 = vector.shape_cast %add3A_2150 : vector<16xf32> to vector<1x16xf32>
    tpu.vector_store %arg8[%swap3A_2152, %swap3A_2153], %swap3A_2156 {strides = array<i32>} : memref<8x128xf32, #tpu.memory_space<vmem>>, vector<1x16xf32>,
    %get3A_2157 = arith.constant 28 : i32
    %get3A_2158 = arith.index_cast %get3A_2157 : i32 to index
    %get3A_2159 = arith.constant 32 : index
    %get3A_2160 = tpu.vector_load %arg7[%get3A_2158, %get3A_2159] {strides = array<i32>} : memref<32x128xf32, #tpu.memory_space<vmem>>, vector<1x16xf32>,
    %get3A_2161 = vector.shape_cast %get3A_2160 : vector<1x16xf32> to vector<16xf32>
    %get3A_2162 = arith.constant 29 : i32
    %get3A_2163 = arith.index_cast %get3A_2162 : i32 to index
    %get3A_2164 = arith.constant 32 : index
    %get3A_2165 = tpu.vector_load %arg7[%get3A_2163, %get3A_2164] {strides = array<i32>} : memref<32x128xf32, #tpu.memory_space<vmem>>, vector<1x16xf32>,
    %get3A_2166 = vector.shape_cast %get3A_2165 : vector<1x16xf32> to vector<16xf32>
    %add3A_2167 = arith.addf %get3A_2161, %get3A_2166 : vector<16xf32>
    %get3A_2168 = arith.constant 30 : i32
    %get3A_2169 = arith.index_cast %get3A_2168 : i32 to index
    %get3A_2170 = arith.constant 32 : index
    %get3A_2171 = tpu.vector_load %arg7[%get3A_2169, %get3A_2170] {strides = array<i32>} : memref<32x128xf32, #tpu.memory_space<vmem>>, vector<1x16xf32>,
    %get3A_2172 = vector.shape_cast %get3A_2171 : vector<1x16xf32> to vector<16xf32>
    %add3A_2173 = arith.addf %add3A_2167, %get3A_2172 : vector<16xf32>
    %get3A_2174 = arith.constant 31 : i32
    %get3A_2175 = arith.index_cast %get3A_2174 : i32 to index
    %get3A_2176 = arith.constant 32 : index
    %get3A_2177 = tpu.vector_load %arg7[%get3A_2175, %get3A_2176] {strides = array<i32>} : memref<32x128xf32, #tpu.memory_space<vmem>>, vector<1x16xf32>,
    %get3A_2178 = vector.shape_cast %get3A_2177 : vector<1x16xf32> to vector<16xf32>
    %add3A_2179 = arith.addf %add3A_2173, %get3A_2178 : vector<16xf32>
    %swap3A_2180 = arith.constant 7 : i32
    %swap3A_2181 = arith.index_cast %swap3A_2180 : i32 to index
    %swap3A_2182 = arith.constant 32 : index
    %swap3A_2183 = tpu.vector_load %arg8[%swap3A_2181, %swap3A_2182] {strides = array<i32>} : memref<8x128xf32, #tpu.memory_space<vmem>>, vector<1x16xf32>,
    %swap3A_2184 = vector.shape_cast %swap3A_2183 : vector<1x16xf32> to vector<16xf32>
    %swap3A_2185 = vector.shape_cast %add3A_2179 : vector<16xf32> to vector<1x16xf32>
    tpu.vector_store %arg8[%swap3A_2181, %swap3A_2182], %swap3A_2185 {strides = array<i32>} : memref<8x128xf32, #tpu.memory_space<vmem>>, vector<1x16xf32>,
    %get3A_2186 = arith.constant 28 : i32
    %get3A_2187 = arith.index_cast %get3A_2186 : i32 to index
    %get3A_2188 = arith.constant 48 : index
    %get3A_2189 = tpu.vector_load %arg7[%get3A_2187, %get3A_2188] {strides = array<i32>} : memref<32x128xf32, #tpu.memory_space<vmem>>, vector<1x16xf32>,
    %get3A_2190 = vector.shape_cast %get3A_2189 : vector<1x16xf32> to vector<16xf32>
    %get3A_2191 = arith.constant 29 : i32
    %get3A_2192 = arith.index_cast %get3A_2191 : i32 to index
    %get3A_2193 = arith.constant 48 : index
    %get3A_2194 = tpu.vector_load %arg7[%get3A_2192, %get3A_2193] {strides = array<i32>} : memref<32x128xf32, #tpu.memory_space<vmem>>, vector<1x16xf32>,
    %get3A_2195 = vector.shape_cast %get3A_2194 : vector<1x16xf32> to vector<16xf32>
    %add3A_2196 = arith.addf %get3A_2190, %get3A_2195 : vector<16xf32>
    %get3A_2197 = arith.constant 30 : i32
    %get3A_2198 = arith.index_cast %get3A_2197 : i32 to index
    %get3A_2199 = arith.constant 48 : index
    %get3A_2200 = tpu.vector_load %arg7[%get3A_2198, %get3A_2199] {strides = array<i32>} : memref<32x128xf32, #tpu.memory_space<vmem>>, vector<1x16xf32>,
    %get3A_2201 = vector.shape_cast %get3A_2200 : vector<1x16xf32> to vector<16xf32>
    %add3A_2202 = arith.addf %add3A_2196, %get3A_2201 : vector<16xf32>
    %get3A_2203 = arith.constant 31 : i32
    %get3A_2204 = arith.index_cast %get3A_2203 : i32 to index
    %get3A_2205 = arith.constant 48 : index
    %get3A_2206 = tpu.vector_load %arg7[%get3A_2204, %get3A_2205] {strides = array<i32>} : memref<32x128xf32, #tpu.memory_space<vmem>>, vector<1x16xf32>,
    %get3A_2207 = vector.shape_cast %get3A_2206 : vector<1x16xf32> to vector<16xf32>
    %add3A_2208 = arith.addf %add3A_2202, %get3A_2207 : vector<16xf32>
    %swap3A_2209 = arith.constant 7 : i32
    %swap3A_2210 = arith.index_cast %swap3A_2209 : i32 to index
    %swap3A_2211 = arith.constant 48 : index
    %swap3A_2212 = tpu.vector_load %arg8[%swap3A_2210, %swap3A_2211] {strides = array<i32>} : memref<8x128xf32, #tpu.memory_space<vmem>>, vector<1x16xf32>,
    %swap3A_2213 = vector.shape_cast %swap3A_2212 : vector<1x16xf32> to vector<16xf32>
    %swap3A_2214 = vector.shape_cast %add3A_2208 : vector<16xf32> to vector<1x16xf32>
    tpu.vector_store %arg8[%swap3A_2210, %swap3A_2211], %swap3A_2214 {strides = array<i32>} : memref<8x128xf32, #tpu.memory_space<vmem>>, vector<1x16xf32>,
    %get3A_2215 = arith.constant 28 : i32
    %get3A_2216 = arith.index_cast %get3A_2215 : i32 to index
    %get3A_2217 = arith.constant 64 : index
    %get3A_2218 = tpu.vector_load %arg7[%get3A_2216, %get3A_2217] {strides = array<i32>} : memref<32x128xf32, #tpu.memory_space<vmem>>, vector<1x16xf32>,
    %get3A_2219 = vector.shape_cast %get3A_2218 : vector<1x16xf32> to vector<16xf32>
    %get3A_2220 = arith.constant 29 : i32
    %get3A_2221 = arith.index_cast %get3A_2220 : i32 to index
    %get3A_2222 = arith.constant 64 : index
    %get3A_2223 = tpu.vector_load %arg7[%get3A_2221, %get3A_2222] {strides = array<i32>} : memref<32x128xf32, #tpu.memory_space<vmem>>, vector<1x16xf32>,
    %get3A_2224 = vector.shape_cast %get3A_2223 : vector<1x16xf32> to vector<16xf32>
    %add3A_2225 = arith.addf %get3A_2219, %get3A_2224 : vector<16xf32>
    %get3A_2226 = arith.constant 30 : i32
    %get3A_2227 = arith.index_cast %get3A_2226 : i32 to index
    %get3A_2228 = arith.constant 64 : index
    %get3A_2229 = tpu.vector_load %arg7[%get3A_2227, %get3A_2228] {strides = array<i32>} : memref<32x128xf32, #tpu.memory_space<vmem>>, vector<1x16xf32>,
    %get3A_2230 = vector.shape_cast %get3A_2229 : vector<1x16xf32> to vector<16xf32>
    %add3A_2231 = arith.addf %add3A_2225, %get3A_2230 : vector<16xf32>
    %get3A_2232 = arith.constant 31 : i32
    %get3A_2233 = arith.index_cast %get3A_2232 : i32 to index
    %get3A_2234 = arith.constant 64 : index
    %get3A_2235 = tpu.vector_load %arg7[%get3A_2233, %get3A_2234] {strides = array<i32>} : memref<32x128xf32, #tpu.memory_space<vmem>>, vector<1x16xf32>,
    %get3A_2236 = vector.shape_cast %get3A_2235 : vector<1x16xf32> to vector<16xf32>
    %add3A_2237 = arith.addf %add3A_2231, %get3A_2236 : vector<16xf32>
    %swap3A_2238 = arith.constant 7 : i32
    %swap3A_2239 = arith.index_cast %swap3A_2238 : i32 to index
    %swap3A_2240 = arith.constant 64 : index
    %swap3A_2241 = tpu.vector_load %arg8[%swap3A_2239, %swap3A_2240] {strides = array<i32>} : memref<8x128xf32, #tpu.memory_space<vmem>>, vector<1x16xf32>,
    %swap3A_2242 = vector.shape_cast %swap3A_2241 : vector<1x16xf32> to vector<16xf32>
    %swap3A_2243 = vector.shape_cast %add3A_2237 : vector<16xf32> to vector<1x16xf32>
    tpu.vector_store %arg8[%swap3A_2239, %swap3A_2240], %swap3A_2243 {strides = array<i32>} : memref<8x128xf32, #tpu.memory_space<vmem>>, vector<1x16xf32>,
    %get3A_2244 = arith.constant 28 : i32
    %get3A_2245 = arith.index_cast %get3A_2244 : i32 to index
    %get3A_2246 = arith.constant 80 : index
    %get3A_2247 = tpu.vector_load %arg7[%get3A_2245, %get3A_2246] {strides = array<i32>} : memref<32x128xf32, #tpu.memory_space<vmem>>, vector<1x16xf32>,
    %get3A_2248 = vector.shape_cast %get3A_2247 : vector<1x16xf32> to vector<16xf32>
    %get3A_2249 = arith.constant 29 : i32
    %get3A_2250 = arith.index_cast %get3A_2249 : i32 to index
    %get3A_2251 = arith.constant 80 : index
    %get3A_2252 = tpu.vector_load %arg7[%get3A_2250, %get3A_2251] {strides = array<i32>} : memref<32x128xf32, #tpu.memory_space<vmem>>, vector<1x16xf32>,
    %get3A_2253 = vector.shape_cast %get3A_2252 : vector<1x16xf32> to vector<16xf32>
    %add3A_2254 = arith.addf %get3A_2248, %get3A_2253 : vector<16xf32>
    %get3A_2255 = arith.constant 30 : i32
    %get3A_2256 = arith.index_cast %get3A_2255 : i32 to index
    %get3A_2257 = arith.constant 80 : index
    %get3A_2258 = tpu.vector_load %arg7[%get3A_2256, %get3A_2257] {strides = array<i32>} : memref<32x128xf32, #tpu.memory_space<vmem>>, vector<1x16xf32>,
    %get3A_2259 = vector.shape_cast %get3A_2258 : vector<1x16xf32> to vector<16xf32>
    %add3A_2260 = arith.addf %add3A_2254, %get3A_2259 : vector<16xf32>
    %get3A_2261 = arith.constant 31 : i32
    %get3A_2262 = arith.index_cast %get3A_2261 : i32 to index
    %get3A_2263 = arith.constant 80 : index
    %get3A_2264 = tpu.vector_load %arg7[%get3A_2262, %get3A_2263] {strides = array<i32>} : memref<32x128xf32, #tpu.memory_space<vmem>>, vector<1x16xf32>,
    %get3A_2265 = vector.shape_cast %get3A_2264 : vector<1x16xf32> to vector<16xf32>
    %add3A_2266 = arith.addf %add3A_2260, %get3A_2265 : vector<16xf32>
    %swap3A_2267 = arith.constant 7 : i32
    %swap3A_2268 = arith.index_cast %swap3A_2267 : i32 to index
    %swap3A_2269 = arith.constant 80 : index
    %swap3A_2270 = tpu.vector_load %arg8[%swap3A_2268, %swap3A_2269] {strides = array<i32>} : memref<8x128xf32, #tpu.memory_space<vmem>>, vector<1x16xf32>,
    %swap3A_2271 = vector.shape_cast %swap3A_2270 : vector<1x16xf32> to vector<16xf32>
    %swap3A_2272 = vector.shape_cast %add3A_2266 : vector<16xf32> to vector<1x16xf32>
    tpu.vector_store %arg8[%swap3A_2268, %swap3A_2269], %swap3A_2272 {strides = array<i32>} : memref<8x128xf32, #tpu.memory_space<vmem>>, vector<1x16xf32>,
    %get3A_2273 = arith.constant 28 : i32
    %get3A_2274 = arith.index_cast %get3A_2273 : i32 to index
    %get3A_2275 = arith.constant 96 : index
    %get3A_2276 = tpu.vector_load %arg7[%get3A_2274, %get3A_2275] {strides = array<i32>} : memref<32x128xf32, #tpu.memory_space<vmem>>, vector<1x16xf32>,
    %get3A_2277 = vector.shape_cast %get3A_2276 : vector<1x16xf32> to vector<16xf32>
    %get3A_2278 = arith.constant 29 : i32
    %get3A_2279 = arith.index_cast %get3A_2278 : i32 to index
    %get3A_2280 = arith.constant 96 : index
    %get3A_2281 = tpu.vector_load %arg7[%get3A_2279, %get3A_2280] {strides = array<i32>} : memref<32x128xf32, #tpu.memory_space<vmem>>, vector<1x16xf32>,
    %get3A_2282 = vector.shape_cast %get3A_2281 : vector<1x16xf32> to vector<16xf32>
    %add3A_2283 = arith.addf %get3A_2277, %get3A_2282 : vector<16xf32>
    %get3A_2284 = arith.constant 30 : i32
    %get3A_2285 = arith.index_cast %get3A_2284 : i32 to index
    %get3A_2286 = arith.constant 96 : index
    %get3A_2287 = tpu.vector_load %arg7[%get3A_2285, %get3A_2286] {strides = array<i32>} : memref<32x128xf32, #tpu.memory_space<vmem>>, vector<1x16xf32>,
    %get3A_2288 = vector.shape_cast %get3A_2287 : vector<1x16xf32> to vector<16xf32>
    %add3A_2289 = arith.addf %add3A_2283, %get3A_2288 : vector<16xf32>
    %get3A_2290 = arith.constant 31 : i32
    %get3A_2291 = arith.index_cast %get3A_2290 : i32 to index
    %get3A_2292 = arith.constant 96 : index
    %get3A_2293 = tpu.vector_load %arg7[%get3A_2291, %get3A_2292] {strides = array<i32>} : memref<32x128xf32, #tpu.memory_space<vmem>>, vector<1x16xf32>,
    %get3A_2294 = vector.shape_cast %get3A_2293 : vector<1x16xf32> to vector<16xf32>
    %add3A_2295 = arith.addf %add3A_2289, %get3A_2294 : vector<16xf32>
    %swap3A_2296 = arith.constant 7 : i32
    %swap3A_2297 = arith.index_cast %swap3A_2296 : i32 to index
    %swap3A_2298 = arith.constant 96 : index
    %swap3A_2299 = tpu.vector_load %arg8[%swap3A_2297, %swap3A_2298] {strides = array<i32>} : memref<8x128xf32, #tpu.memory_space<vmem>>, vector<1x16xf32>,
    %swap3A_2300 = vector.shape_cast %swap3A_2299 : vector<1x16xf32> to vector<16xf32>
    %swap3A_2301 = vector.shape_cast %add3A_2295 : vector<16xf32> to vector<1x16xf32>
    tpu.vector_store %arg8[%swap3A_2297, %swap3A_2298], %swap3A_2301 {strides = array<i32>} : memref<8x128xf32, #tpu.memory_space<vmem>>, vector<1x16xf32>,
    %get3A_2302 = arith.constant 28 : i32
    %get3A_2303 = arith.index_cast %get3A_2302 : i32 to index
    %get3A_2304 = arith.constant 112 : index
    %get3A_2305 = tpu.vector_load %arg7[%get3A_2303, %get3A_2304] {strides = array<i32>} : memref<32x128xf32, #tpu.memory_space<vmem>>, vector<1x16xf32>,
    %get3A_2306 = vector.shape_cast %get3A_2305 : vector<1x16xf32> to vector<16xf32>
    %get3A_2307 = arith.constant 29 : i32
    %get3A_2308 = arith.index_cast %get3A_2307 : i32 to index
    %get3A_2309 = arith.constant 112 : index
    %get3A_2310 = tpu.vector_load %arg7[%get3A_2308, %get3A_2309] {strides = array<i32>} : memref<32x128xf32, #tpu.memory_space<vmem>>, vector<1x16xf32>,
    %get3A_2311 = vector.shape_cast %get3A_2310 : vector<1x16xf32> to vector<16xf32>
    %add3A_2312 = arith.addf %get3A_2306, %get3A_2311 : vector<16xf32>
    %get3A_2313 = arith.constant 30 : i32
    %get3A_2314 = arith.index_cast %get3A_2313 : i32 to index
    %get3A_2315 = arith.constant 112 : index
    %get3A_2316 = tpu.vector_load %arg7[%get3A_2314, %get3A_2315] {strides = array<i32>} : memref<32x128xf32, #tpu.memory_space<vmem>>, vector<1x16xf32>,
    %get3A_2317 = vector.shape_cast %get3A_2316 : vector<1x16xf32> to vector<16xf32>
    %add3A_2318 = arith.addf %add3A_2312, %get3A_2317 : vector<16xf32>
    %get3A_2319 = arith.constant 31 : i32
    %get3A_2320 = arith.index_cast %get3A_2319 : i32 to index
    %get3A_2321 = arith.constant 112 : index
    %get3A_2322 = tpu.vector_load %arg7[%get3A_2320, %get3A_2321] {strides = array<i32>} : memref<32x128xf32, #tpu.memory_space<vmem>>, vector<1x16xf32>,
    %get3A_2323 = vector.shape_cast %get3A_2322 : vector<1x16xf32> to vector<16xf32>
    %add3A_2324 = arith.addf %add3A_2318, %get3A_2323 : vector<16xf32>
    %swap3A_2325 = arith.constant 7 : i32
    %swap3A_2326 = arith.index_cast %swap3A_2325 : i32 to index
    %swap3A_2327 = arith.constant 112 : index
    %swap3A_2328 = tpu.vector_load %arg8[%swap3A_2326, %swap3A_2327] {strides = array<i32>} : memref<8x128xf32, #tpu.memory_space<vmem>>, vector<1x16xf32>,
    %swap3A_2329 = vector.shape_cast %swap3A_2328 : vector<1x16xf32> to vector<16xf32>
    %swap3A_2330 = vector.shape_cast %add3A_2324 : vector<16xf32> to vector<1x16xf32>
    tpu.vector_store %arg8[%swap3A_2326, %swap3A_2327], %swap3A_2330 {strides = array<i32>} : memref<8x128xf32, #tpu.memory_space<vmem>>, vector<1x16xf32>,
    %mul3A_2331 = arith.constant 8 : i32
    %mul3A_2332 = arith.muli %arg1, %mul3A_2331 : i32
    "tpu.region"() ({
      %run_scoped3A_2333 = tpu.sem_alloc : memref<!tpu.dma_semaphore, #tpu.memory_space<semaphore_mem>>
      %dma_start3A_2334 = tpu.memref_slice %arg4[%mul3A_2332, %mul3A_0] : memref<128x256xf32, #tpu.memory_space<hbm>> -> memref<8x128xf32, #tpu.memory_space<hbm>>
      %dma_start3A_2335 = tpu.memref_slice %arg4[%mul3A_2332, %mul3A_0] : memref<128x256xf32, #tpu.memory_space<hbm>> -> memref<8x128xf32, #tpu.memory_space<hbm>>
      tpu.enqueue_dma source(%arg8 : memref<8x128xf32, #tpu.memory_space<vmem>>) target(%dma_start3A_2335 : memref<8x128xf32, #tpu.memory_space<hbm>>) target_semaphore(%run_scoped3A_2333 : memref<!tpu.dma_semaphore, #tpu.memory_space<semaphore_mem>>)
      %dma_wait3A_2336 = tpu.memref_slice %arg4[%mul3A_2332, %mul3A_0] : memref<128x256xf32, #tpu.memory_space<hbm>> -> memref<8x128xf32, #tpu.memory_space<hbm>>
      %dma_wait3A_2337 = tpu.memref_slice %arg4[%mul3A_2332, %mul3A_0] : memref<128x256xf32, #tpu.memory_space<hbm>> -> memref<8x128xf32, #tpu.memory_space<hbm>>
      tpu.wait_dma2 semaphore(%run_scoped3A_2333 : memref<!tpu.dma_semaphore, #tpu.memory_space<semaphore_mem>>) src(%arg8 : memref<8x128xf32, #tpu.memory_space<vmem>>) dst(%dma_wait3A_2337 : memref<8x128xf32, #tpu.memory_space<hbm>>)
      tpu.yield
    }) : () -> ()
    return
  }
}

module attributes {stable_mosaic.version = 14 : i64} {
  func.func @_tc_body(%arg0: i32, %arg1: memref<1x1x2048xi32, #tpu.memory_space<vmem>>, %arg2: memref<2048x256xf32, #tpu.memory_space<vmem>>, %arg3: memref<128x256xf32, #tpu.memory_space<vmem>>) attributes {dimension_semantics = [#tpu.dimension_semantics<arbitrary>], iteration_bounds = array<i64: 14>, scalar_prefetch = 0 : i64, scratch_operands = 0 : i64, tpu.core_type = #tpu.core_type<tc>, window_params = [{transform_indices = @transform_0, window_bounds = array<i64: 1, 1, 2048>}, {transform_indices = @transform_1, window_bounds = array<i64: 2048, 256>}, {pipeline_mode = #tpu.pipeline_mode<synchronous>, transform_indices = @transform_2, window_bounds = array<i64: 128, 256>}]} {
    %get3A = arith.constant 0 : index
    %get3A_0 = arith.constant 0 : index
    %get3A_1 = arith.constant 0 : index
    %get3A_2 = vector.load %arg1[%get3A, %get3A_0, %get3A_1] : memref<1x1x2048xi32, #tpu.memory_space<vmem>>, vector<1x1x2048xi32>
    %get3A_3 = vector.shape_cast %get3A_2 : vector<1x1x2048xi32> to vector<2048xi32>
    %iota3A = tpu.iota {dimensions = array<i32: 1>} : vector<2048x128xi32>
    %broadcast_in_dim3A = vector.shape_cast %get3A_3 : vector<2048xi32> to vector<2048x1xi32>
    %eq3A = vector.broadcast %broadcast_in_dim3A : vector<2048x1xi32> to vector<2048x128xi32>
    %eq3A_4 = arith.cmpi eq, %iota3A, %eq3A : vector<2048x128xi32>
    %convert_element_type3A = arith.extui %eq3A_4 : vector<2048x128xi1> to vector<2048x128xi32>
    %convert_element_type3A_5 = arith.sitofp %convert_element_type3A : vector<2048x128xi32> to vector<2048x128xf32>
    %get3A_6 = arith.constant 0 : index
    %get3A_7 = arith.constant 0 : index
    %get3A_8 = vector.load %arg2[%get3A_6, %get3A_7] : memref<2048x256xf32, #tpu.memory_space<vmem>>, vector<2048x256xf32>
    %dot_general3A = arith.constant dense<0.000000e+00> : vector<128x256xf32>
    %dot_general3A_9 = tpu.matmul %convert_element_type3A_5, %get3A_8, %dot_general3A {dimension_numbers = #tpu.dot_dimension_numbers<[0], [0], [1], [1], [0, 1, 1, 1], [], []>, transpose_lhs_hint = false} : vector<2048x128xf32>, vector<2048x256xf32>, vector<128x256xf32> -> vector<128x256xf32>
    %eq3A_10 = arith.constant 0 : i32
    %eq3A_11 = arith.cmpi eq, %arg0, %eq3A_10 : i32
    %convert_element_type3A_12 = arith.extui %eq3A_11 : i1 to i32
    %cond3A = arith.constant 0 : i32
    %cond3A_13 = arith.cmpi ne, %convert_element_type3A_12, %cond3A : i32
    scf.if %cond3A_13 {
      %swap3A = arith.constant 0 : index
      %swap3A_18 = arith.constant 0 : index
      %swap3A_19 = vector.load %arg3[%swap3A, %swap3A_18] : memref<128x256xf32, #tpu.memory_space<vmem>>, vector<128x256xf32>
      tpu.vector_store %arg3[%swap3A, %swap3A_18], %dot_general3A_9 {strides = array<i32>} : memref<128x256xf32, #tpu.memory_space<vmem>>, vector<128x256xf32>,
    } else {
    }
    %gt3A = arith.constant 0 : i32
    %gt3A_14 = arith.cmpi sgt, %arg0, %gt3A : i32
    %convert_element_type3A_15 = arith.extui %gt3A_14 : i1 to i32
    %cond3A_16 = arith.constant 0 : i32
    %cond3A_17 = arith.cmpi ne, %convert_element_type3A_15, %cond3A_16 : i32
    scf.if %cond3A_17 {
      %get3A_18 = arith.constant 0 : index
      %get3A_19 = arith.constant 0 : index
      %get3A_20 = vector.load %arg3[%get3A_18, %get3A_19] : memref<128x256xf32, #tpu.memory_space<vmem>>, vector<128x256xf32>
      %add3A = arith.addf %get3A_20, %dot_general3A_9 : vector<128x256xf32>
      %swap3A = arith.constant 0 : index
      %swap3A_21 = arith.constant 0 : index
      %swap3A_22 = vector.load %arg3[%swap3A, %swap3A_21] : memref<128x256xf32, #tpu.memory_space<vmem>>, vector<128x256xf32>
      tpu.vector_store %arg3[%swap3A, %swap3A_21], %add3A {strides = array<i32>} : memref<128x256xf32, #tpu.memory_space<vmem>>, vector<128x256xf32>,
    } else {
    }
    return
  }
  func.func @transform_0(%arg0: i32) -> (i32, i32, i32) {
    %c0_i32 = arith.constant 0 : i32
    %c0_i32_0 = arith.constant 0 : i32
    %c0_i32_1 = arith.constant 0 : i32
    return %arg0, %c0_i32, %c0_i32_0 : i32, i32, i32
  }
  func.func @transform_1(%arg0: i32) -> (i32, i32) {
    %c0_i32 = arith.constant 0 : i32
    %c0_i32_0 = arith.constant 0 : i32
    return %arg0, %c0_i32 : i32, i32
  }
  func.func @transform_2(%arg0: i32) -> (i32, i32) {
    %c0_i32 = arith.constant 0 : i32
    %c0_i32_0 = arith.constant 0 : i32
    %c0_i32_1 = arith.constant 0 : i32
    return %c0_i32, %c0_i32_0 : i32, i32
  }
}

</mosaic_0001>

<sc_bundles>
// kernel: kernel.4.cloned.1.call-start
scs
__scs_entry_jumppad:
0x0: {  	(pc) =	sbr.rel $0x88, $3  }
0x1: {  	(tag) =	ssettag $0x0;
	lr =	simm.s32 $0x1  }
0x2: {  	[smem:$0x3F9E] =	sst lr;
	_ =	strace $0xD0000000  }
0x3: {  	_ = 	snop  }
0x4: {  	_ = 	snop  }
0x5: {  	_ = 	snop  }
0x6: {  	_ = 	snop  }
0x7: {  	_ = 	snop  }
__scs_overlays_trampoline_lowered:
0x8: {  	[smem:$0x3FAD] =	sst s0  }
0x9: {  	[smem:$0x3FAE] =	sst s1  }
0xa: {  	[smem:$0x3FAF] =	sst s2  }
0xb: {  	[smem:$0x3FB0] =	sst s3  }
0xc: {  	[smem:$0x3FB1] =	sst s4  }
0xd: {  	[smem:$0x3FB2] =	sst s5  }
0xe: {  	[smem:$0x3FB3] =	sst s6  }
0xf: {  	[smem:$0x3FB4] =	sst s7  }
0x10: {  	[smem:$0x3FB5] =	sst s8  }
0x11: {  	[smem:$0x3FB6] =	sst s9;
	s0 =	simm.s32 @!p0 $0x0  }
0x12: {  	s1 =	sld [smem:$0x3F9C];
	s0 =	simm.s32 @p0 $0x1  }
0x13: {  	[smem:$0x3FB7] =	sst s0;
	s0 =	simm.s32 @!p1 $0x0  }
0x14: {  	s2 =	sld [smem:$0x3F9B];
	s0 =	simm.s32 @p1 $0x1  }
0x15: {  	[smem:$0x3FB8] =	sst s0;
	s0 =	simm.s32 @!p2 $0x0  }
0x16: {  	s3 =	sld [smem:$0x3FDB];
	s0 =	simm.s32 @p2 $0x1  }
0x17: {  	s4 =	simm.s32 $0x1BF5;
	[smem:$0x3FBA] =	sst s0  }
0x18: {  	s0 =	sld [smem:$0x3F9D];
	_ =	swait.ge [sflag:s4], $0x0  }
0x19: {  	s7 =	sld [smem:$0x3F9E]  }
0x1a: {  	s8 =	sadd.s32 $0xFFFFE003, lr  }
0x1b: {  	s9 =	sadd.s32 $0xFFFFFEF7, lr;
	s5 =	simm.s32 $0xFFFFFFFF;
	p2 =	slt.u32 s8, $0xFFFFF086  }
0x1c: {  	p1 =	slt.u32 s9, $0xF7A;
	s5 =	simm.s32 @!p2 $0x0  }
0x1d: {  	s5 =	simm.s32 @p1 $0x1;
	p0 =	seq.s32 s7, s2  }
0x1e: {  	s7 =	smul.u32 @!p0 $0xF7A, s2;
	p2 =	seq.s32 @!p0 s5, $0x0  }
0x1f: {  	s9 =	smul.u32 $0xF7A, s1;
	s8 =	simm.s32 @!p0 $0x1BF5;
	p2 =	por !p2, p0  }
0x20: {  	[sflag:s8] =	ssyncset.s32 @!p0 $0xFFFFF086;
	s6 =	sadd.s32 @!p0 s3, s7;
	s7 =	simm.s32 @!p0 $0x108  }
0x21: {  	s3 =	sadd.s32 s3, s9;
	s6 =	sadd.s32 @!p0 $0x88, s6;
	s7 =	simm.s32 @p2 $0x1082  }
0x22: {  	[simem:s7], [sflag:s8] =	dma.local @!p0 [hbm:s6], $0xF7A  }
0x23: {  	s9 =	sor.u32 $0xD0000000, s2;
	s6 =	simm.s32 $0x108;
	_ =	swait.ge @!p0 [sflag:s8], $0x0  }
0x24: {  	s3 =	sadd.s32 $0x88, s3;
	s6 =	simm.s32 @!p1 $0x1082;
	[sflag:s4] =	ssyncset.s32 $0xFFFFF086  }
0x25: {  	[simem:s6], [sflag:s4] =	dma.local [hbm:s3], $0xF7A  }
0x26: {  	[smem:$0x3F9E] =	sst s1;
	(tag) =	ssettag s2;
	_ =	strace s9  }
0x27: {  	s1 =	sld [smem:$0x3FAE]  }
0x28: {  	s2 =	sld [smem:$0x3FAF]  }
0x29: {  	s4 =	sld [smem:$0x3FB1]  }
0x2a: {  	p0 =	seq.s32 s5, $0x0;
	s5 =	sld [smem:$0x3FB2]  }
0x2b: {  	s6 =	sld [smem:$0x3FB3]  }
0x2c: {  	s7 =	sld [smem:$0x3FB4]  }
0x2d: {  	s3 =	simm.s32 $0x108;
	s8 =	sld [smem:$0x3FB5]  }
0x2e: {  	s3 =	simm.s32 @!p0 $0x1082;
	s9 =	sld [smem:$0x3FB6]  }
0x2f: {  	lr =	sadd.s32 s0, s3;
	s0 =	sld [smem:$0x3FAD]  }
0x30: {  	s3 =	sld [smem:$0x3FB0]  }
0x31: {  	[smem:$0x3FB9] =	sst s10  }
0x32: {  	s10 =	sld [smem:$0x3FB7];
	_ =	sdelay $0x3  }
0x33: {  	p0 =	seq.s32 s10, $0x1;
	s10 =	sld [smem:$0x3FB9];
	_ =	sdelay $0x3  }
0x34: {  	[smem:$0x3FB9] =	sst s10  }
0x35: {  	s10 =	sld [smem:$0x3FB8];
	_ =	sdelay $0x3  }
0x36: {  	p1 =	seq.s32 s10, $0x1;
	s10 =	sld [smem:$0x3FB9];
	_ =	sdelay $0x3  }
0x37: {  	[smem:$0x3FB9] =	sst s10  }
0x38: {  	s10 =	sld [smem:$0x3FBA]  }
0x39: {  	_ = 	snop;
	(pc) =	sbr.ind lr, $3  }
0x3a: {  	_ = 	snop  }
0x3b: {  	_ = 	snop  }
0x3c: {  	p2 =	seq.s32 s10, $0x1;
	s10 =	sld [smem:$0x3FB9]  }
0x3d: {  	_ =	shalt  }
0x3e: {  	_ =	shalt  }
0x3f: {  	_ =	shalt  }
0x40: {  	_ =	shalt  }
0x41: {  	_ =	shalt  }
0x42: {  	_ =	shalt  }
0x43: {  	_ =	shalt  }
0x44: {  	_ =	shalt  }
0x45: {  	_ =	shalt  }
0x46: {  	_ =	shalt  }
0x47: {  	_ =	shalt  }
0x48: {  	_ =	shalt  }
0x49: {  	_ =	shalt  }
0x4a: {  	_ =	shalt  }
0x4b: {  	_ =	shalt  }
0x4c: {  	_ =	shalt  }
0x4d: {  	_ =	shalt  }
0x4e: {  	_ =	shalt  }
0x4f: {  	_ =	shalt  }
0x50: {  	_ =	shalt  }
0x51: {  	_ =	shalt  }
0x52: {  	_ =	shalt  }
0x53: {  	_ =	shalt  }
0x54: {  	_ =	shalt  }
0x55: {  	_ =	shalt  }
0x56: {  	_ =	shalt  }
0x57: {  	_ =	shalt  }
0x58: {  	_ =	shalt  }
0x59: {  	_ =	shalt  }
0x5a: {  	_ =	shalt  }
0x5b: {  	_ =	shalt  }
0x5c: {  	_ =	shalt  }
0x5d: {  	_ =	shalt  }
0x5e: {  	_ =	shalt  }
0x5f: {  	_ =	shalt  }
0x60: {  	_ =	shalt  }
0x61: {  	_ =	shalt  }
0x62: {  	_ =	shalt  }
0x63: {  	_ =	shalt  }
0x64: {  	_ =	shalt  }
0x65: {  	_ =	shalt  }
0x66: {  	_ =	shalt  }
0x67: {  	_ =	shalt  }
0x68: {  	_ =	shalt  }
0x69: {  	_ =	shalt  }
0x6a: {  	_ =	shalt  }
0x6b: {  	_ =	shalt  }
0x6c: {  	_ =	shalt  }
0x6d: {  	_ =	shalt  }
0x6e: {  	_ =	shalt  }
0x6f: {  	_ =	shalt  }
0x70: {  	_ =	shalt  }
0x71: {  	_ =	shalt  }
0x72: {  	_ =	shalt  }
0x73: {  	_ =	shalt  }
0x74: {  	_ =	shalt  }
0x75: {  	_ =	shalt  }
0x76: {  	_ =	shalt  }
0x77: {  	_ =	shalt  }
0x78: {  	_ =	shalt  }
0x79: {  	_ =	shalt  }
0x7a: {  	_ =	shalt  }
0x7b: {  	_ =	shalt  }
0x7c: {  	_ =	shalt  }
0x7d: {  	_ =	shalt  }
0x7e: {  	_ =	shalt  }
0x7f: {  	_ =	shalt  }
0x80: {  	_ =	shalt  }
0x81: {  	_ =	shalt  }
0x82: {  	_ =	shalt  }
0x83: {  	_ =	shalt  }
0x84: {  	_ =	shalt  }
0x85: {  	_ =	shalt  }
0x86: {  	_ =	shalt  }
0x87: {  	_ =	shalt  }
.Lfunc_end0:
.L_simem_size_0:
called_computation_lowered:
.L_overlay_start_0:
0x88: {  	s2 =	sld [smem:$0x3FD9]  }
0x89: {  	s3 =	sld [smem:$0x3FFE];
	_ =	sdelay $0x1  }
0x8a: {  	s1 =	srdreg.scid  }
0x8b: {  	s0 =	sand.u32 $0x1, s1  }
0x8c: {  	s17 =	sshll.u32 s0, $0xA;
	s2 =	sadd.s32 s3, s2  }
0x8d: {  	s2 =	sadd.s32 s2, s17  }
0x8e: {  	[smem:$0x3FC5] =	sst s2  }
0x8f: {  	_ = 	snop  }
0x90: {  	s2 =	sld [smem:$0x3FC9]  }
0x91: {  	s18 =	sld [smem:$0x3FD0];
	(tm) =	ssettm $0x1  }
0x92: {  	s4 =	sld [smem:$0x3FFB];
	_ =	sdelay $0x3  }
0x93: {  	_ =	strace s4  }
0x94: {  	s4 =	sld [smem:$0x3FFC];
	_ =	sdelay $0x3  }
0x95: {  	_ =	strace s4  }
0x96: {  	s4 =	sld [smem:$0x3FFD];
	_ =	sdelay $0x3  }
0x97: {  	_ =	strace s4  }
0x98: {  	_ =	strace $0x8FFFFFFF  }
0x99: {  	s19 =	sld [smem:$0x3FDB];
	_ =	sdelay $0x1  }
0x9a: {  	s5 =	simm.s32 $_scs_section_size  }
0x9b: {  	s6 =	simm.s32 $_size__tile_overlayer_lowered;
	s7 =	simm.s32 $_tile_overlayer_lowered  }
0x9c: {  	s22 =	simm.s32 $0x1BFF;
	s21 =	sshll.u32 s7, $0x1;
	s4 =	sadd.s32 s5, s19  }
0x9d: {  	s8 =	simm.s32 $0x0;
	s20 =	sshll.u32 s6, $0x1;
	s6 =	sadd.s32 s21, s4  }
0x9e: {  	[timem:s8], [sflag:s22] =	dma.local [hbm:s6], s20  }
0x9f: {  	_ =	swait.ge [sflag:s22], s20  }
0xa0: {  	s5 =	ssub.s32 $0x0, s20;
	[sflag:s22] =	ssyncset.done $0x0  }
0xa1: {  	[sflag:s22] =	ssyncadd.s32 s5;
	_ =	sdelay $0x1  }
0xa2: {  	s23 =	simm.s32 $0x1B8B  }
0xa3: {  	_ =	swait.ge [sflag:s23], $0x1  }
0xa4: {  	[sflag:s23] =	ssyncset.done $0x0  }
0xa5: {  	s25 =	simm.s32 $0x1B8E;
	s24 =	sld [smem:$0x3FFE];
	[sflag:s23] =	ssyncadd.s32 $0xFFFFFFFF  }
0xa6: {  	s26 =	simm.s32 $execute0_lowered;
	[smem:$0x3FD2] =	sst s25  }
0xa7: {  	s6 =	sshll.u32 s26, $0x1;
	_ =	strace $0x80000046;
	[dreg:$0x1] =	wrdreg $0xFFFFFFFF  }
0xa8: {  	s28 =	simm.s32 $_size_execute0_lowered;
	s4 =	sadd.s32 s4, s6;
	[dreg:$0x0] =	wrdreg $0x0  }
0xa9: {  	s6 =	sshll.u32 s28, $0x1;
	[dreg:$0x2] =	wrdreg s4  }
0xaa: {  	[dreg:$0x3] =	wrdreg s6  }
0xab: {  	[dreg:$0x4] =	wrdreg $0xC0  }
0xac: {  	_ =	task [dreg:s8], $0x5FFFF  }
0xad: {  	[dreg:$0x1] =	wrdreg $0xFFFFFFFF  }
0xae: {  	[dreg:$0x0] =	wrdreg $0x60  }
0xaf: {  	[dreg:$0x2] =	wrdreg s2  }
0xb0: {  	[dreg:$0x3] =	wrdreg s18  }
0xb1: {  	[dreg:$0x4] =	wrdreg s24  }
0xb2: {  	[dreg:$0x5] =	wrdreg $0x9C000  }
0xb3: {  	[dreg:$0x6] =	wrdreg $0x9  }
0xb4: {  	_ =	task.clear_ibuf [dreg:s8], $0x7FFFF;
	_ =	strace $0x90000046  }
0xb5: {  	s29 =	simm.s32 $0x9;
	_ =	strace $0x80000048  }
0xb6: {  	_ =	swait.ge [sflag:s29], $0x1  }
0xb7: {  	[sflag:s29] =	ssyncadd.s32 $0xFFFFFFFF  }
0xb8: {  	_ =	strace $0x90000048  }
0xb9: {  	_ =	sfence  }
0xba: {  	s30 =	sld [smem:$0x0];
	_ =	sdelay $0x2  }
0xbb: {  	s31 =	sshll.u32 s1, $0xD;
	s1 =	sshrl.u32 s1, $0x2  }
0xbc: {  	s3 =	sand.u32 $0x4000, s31;
	s1 =	sadd.s32 s1, s30  }
0xbd: {  	s0 =	sor.u32 s3, s0;
	s1 =	sshll.u32 s1, $0x11  }
0xbe: {  	s0 =	sor.u32 s1, s0  }
0xbf: {  	s0 =	sadd.s32 $0x8F2B, s0  }
0xc0: {  	[sflag:s0] =	ssyncadd.remote.s32 $0x1  }
0xc1: {  	_ =	sfence.sel $0xFFFF  }
0xc2: {  	[dreg:$0x0] =	wrdreg $0xFFFFFFFF;
	(pc) =	sbr.abs _section_cstart, $3  }
0xc3: {  	[dreg:$0x1] =	wrdreg $0xFFFFFFFF  }
0xc4: {  	_ =	task.clear_ibuf [dreg:s8], $0x2FFFF;
	_ =	strace $0x9FFFFFFF  }
0xc5: {  	(tm) =	ssettm $0x7FFFFFFF  }
tec
execute0_lowered:
.L_overlay_start_1:
0x0: {  	(tag) =	ssettag $0x1  }
0x1: {  	s7 =	rddreg [dreg:$0x0]  }
0x2: {  	s5 =	rddreg [dreg:$0x1]  }
0x3: {  	s4 =	rddreg [dreg:$0x2]  }
0x4: {  	s2 =	rddreg [dreg:$0x3];
	s0 =	stileid.u32  }
0x5: {  	s3 =	srdreg.scid;
	s28 =	simm.s32 $0x480;
	s29 =	simm.s32 $0x500  }
0x6: {  	s30 =	simm.s32 $0x9800;
	s6 =	smul.u32 $0x538, s0;
	s8 =	sand.u32 $0x1, s3  }
0x7: {  	s10 =	sshll.u32 s0, $0xB;
	s3 =	simm.s32 $0x0;
	s11 =	sshll.u32 s0, $0xC  }
0x8: {  	s12 =	sshll.u32 s0, $0xA;
	s20 =	sshll.u32 s0, $0x8;
	p0 =	sgt.u32 s0, $0x1  }
0x9: {  	s9 =	sshll.u32 s8, $0xA;
	[smem:$0x7FF] =	sst s3;
	s8 =	ssub.s32 $0x2, s8  }
0xa: {  	s12 =	sadd.s32 s12, s2;
	s5 =	sadd.s32 s5, s20;
	s20 =	simm.s32 $0x2  }
0xb: {  	s6 =	smin.u32 s6, $0x4E18;
	s10 =	sor.u32 s9, s10;
	_ =	strace $0x80000047  }
0xc: {  	s15 =	sshrl.u32 s8, $0x1;
	s19 =	sadd.s32 $0x10000, s12;
	[dreg:$0xb] =	wrdreg s5  }
0xd: {  	s6 =	sshll.u32 s6, $0x8;
	s10 =	sshrl.u32 s10, $0x3;
	[dreg:$0xa] =	wrdreg s19  }
0xe: {  	s8 =	ssub.s32 s8, s15;
	s15 =	simm.s32 $0x4800;
	s6 =	sor.u32 s9, s6  }
0xf: {  	s19 =	simm.s32 $0x80;
	s1 =	sadd.s32 s10, s4;
	s13 =	sadd.s32 $0x700000, s6  }
0x10: {  	s14 =	sadd.s32 $0x708000, s6;
	s21 =	sadd.s32 $0x750000, s6;
	s23 =	sadd.s32 $0x710000, s6  }
0x11: {  	s6 =	sadd.s32 $0x718000, s6;
	s24 =	sadd.s32 $0x400, s1;
	s4 =	sshrl.u32 s13, $0x3  }
0x12: {  	s10 =	sshrl.u32 s14, $0x3;
	s22 =	sshrl.u32 s21, $0x3;
	s25 =	sshrl.u32 s23, $0x3  }
0x13: {  	[dreg:$0xd] =	wrdreg s24;
	s26 =	sshrl.u32 s6, $0x3;
	s6 =	smax.u32 s8, $0x1  }
0x14: {  	s13 =	simm.s32 $0x400;
	s14 =	simm.s32 $0x800;
	s21 =	simm.s32 $0x100  }
0x15: {  	s23 =	simm.s32 $0x200;
	s24 =	simm.s32 $0x280;
	s4 =	sadd.s32 s7, s4  }
0x16: {  	s10 =	sadd.s32 s7, s10;
	s5 =	sadd.s32 s7, s22;
	[dreg:$0x5] =	wrdreg s4  }
0x17: {  	s22 =	simm.s32 $0x180;
	s4 =	sadd.s32 s11, s2;
	[dreg:$0x6] =	wrdreg s10  }
0x18: {  	[dreg:$0xc] =	wrdreg s5;
	s5 =	sadd.s32 s7, s25;
	s7 =	sadd.s32 s7, s26  }
0x19: {  	s25 =	simm.s32 $0x300;
	s26 =	simm.s32 $0x380;
	s16 =	sadd.s32 $0x400, s4  }
0x1a: {  	s17 =	sadd.s32 $0x800, s4;
	s18 =	sadd.s32 $0xC00, s4;
	[dreg:$0x7] =	wrdreg s16  }
0x1b: {  	s31 =	sadd.s32 $0x2000, s5;
	s8 =	sadd.s32 $0x2000, s7;
	[dreg:$0x8] =	wrdreg s17  }
0x1c: {  	s9 =	sadd.s32 $0x4000, s5;
	s10 =	sadd.s32 $0x4000, s7;
	[dreg:$0x9] =	wrdreg s18  }
0x1d: {  	s11 =	sadd.s32 $0x6000, s5;
	s12 =	sadd.s32 $0x6000, s7;
	[dreg:$0xe] =	wrdreg s31  }
0x1e: {  	v0 =	vimm.f32 $0.0e+00;
	s16 =	simm.s32 $0x8800;
	s17 =	simm.s32 $0x3;
	s18 =	simm.s32 $0x1  }
.LBB2_1:
0x1f: {  	s31 =	rddreg [dreg:$0x5]  }
0x20: {  	[tilespmem:s14], [sflag:$0x1] =	stream.strided.gather [hbm4b:s31+s13], $0x4000, s14, s13, $0x38;
	[tilespmem:$0xAC80] =	vst v63  }
0x21: {  	s1 =	rddreg [dreg:$0x6]  }
0x22: {  	[tilespmem:s15], [sflag:$0x2] =	stream.strided.gather [hbm4b:s1+s13], $0x4000, s14, s13, $0x38;
	[tilespmem:$0xAC80] =	vst v63  }
0x23: {  	[tilespmem:$0x8800] =	vst v0  }
0x24: {  	[tilespmem:$0x8810] =	vst v0  }
0x25: {  	[tilespmem:$0x8820] =	vst v0  }
0x26: {  	[tilespmem:$0x8830] =	vst v0  }
0x27: {  	[tilespmem:$0x8840] =	vst v0  }
0x28: {  	[tilespmem:$0x8850] =	vst v0  }
0x29: {  	[tilespmem:$0x8860] =	vst v0  }
0x2a: {  	[tilespmem:$0x8870] =	vst v0  }
0x2b: {  	[tilespmem:$0x8880] =	vst v0  }
0x2c: {  	[tilespmem:$0x8890] =	vst v0  }
0x2d: {  	[tilespmem:$0x88A0] =	vst v0  }
0x2e: {  	[tilespmem:$0x88B0] =	vst v0  }
0x2f: {  	[tilespmem:$0x88C0] =	vst v0  }
0x30: {  	[tilespmem:$0x88D0] =	vst v0  }
0x31: {  	[tilespmem:$0x88E0] =	vst v0  }
0x32: {  	[tilespmem:$0x88F0] =	vst v0  }
0x33: {  	[tilespmem:$0x8900] =	vst v0  }
0x34: {  	[tilespmem:$0x8910] =	vst v0  }
0x35: {  	[tilespmem:$0x8920] =	vst v0  }
0x36: {  	[tilespmem:$0x8930] =	vst v0  }
0x37: {  	[tilespmem:$0x8940] =	vst v0  }
0x38: {  	[tilespmem:$0x8950] =	vst v0  }
0x39: {  	[tilespmem:$0x8960] =	vst v0  }
0x3a: {  	[tilespmem:$0x8970] =	vst v0  }
0x3b: {  	[tilespmem:$0x8980] =	vst v0  }
0x3c: {  	[tilespmem:$0x8990] =	vst v0  }
0x3d: {  	[tilespmem:$0x89A0] =	vst v0  }
0x3e: {  	[tilespmem:$0x89B0] =	vst v0  }
0x3f: {  	[tilespmem:$0x89C0] =	vst v0  }
0x40: {  	[tilespmem:$0x89D0] =	vst v0  }
0x41: {  	[tilespmem:$0x89E0] =	vst v0  }
0x42: {  	[tilespmem:$0x89F0] =	vst v0  }
0x43: {  	[tilespmem:$0x8A00] =	vst v0  }
0x44: {  	[tilespmem:$0x8A10] =	vst v0  }
0x45: {  	[tilespmem:$0x8A20] =	vst v0  }
0x46: {  	[tilespmem:$0x8A30] =	vst v0  }
0x47: {  	[tilespmem:$0x8A40] =	vst v0  }
0x48: {  	[tilespmem:$0x8A50] =	vst v0  }
0x49: {  	[tilespmem:$0x8A60] =	vst v0  }
0x4a: {  	[tilespmem:$0x8A70] =	vst v0  }
0x4b: {  	[tilespmem:$0x8A80] =	vst v0  }
0x4c: {  	[tilespmem:$0x8A90] =	vst v0  }
0x4d: {  	[tilespmem:$0x8AA0] =	vst v0  }
0x4e: {  	[tilespmem:$0x8AB0] =	vst v0  }
0x4f: {  	[tilespmem:$0x8AC0] =	vst v0  }
0x50: {  	[tilespmem:$0x8AD0] =	vst v0  }
0x51: {  	[tilespmem:$0x8AE0] =	vst v0  }
0x52: {  	[tilespmem:$0x8AF0] =	vst v0  }
0x53: {  	[tilespmem:$0x8B00] =	vst v0  }
0x54: {  	[tilespmem:$0x8B10] =	vst v0  }
0x55: {  	[tilespmem:$0x8B20] =	vst v0  }
0x56: {  	[tilespmem:$0x8B30] =	vst v0  }
0x57: {  	[tilespmem:$0x8B40] =	vst v0  }
0x58: {  	[tilespmem:$0x8B50] =	vst v0  }
0x59: {  	[tilespmem:$0x8B60] =	vst v0  }
0x5a: {  	[tilespmem:$0x8B70] =	vst v0  }
0x5b: {  	[tilespmem:$0x8B80] =	vst v0  }
0x5c: {  	[tilespmem:$0x8B90] =	vst v0  }
0x5d: {  	[tilespmem:$0x8BA0] =	vst v0  }
0x5e: {  	[tilespmem:$0x8BB0] =	vst v0  }
0x5f: {  	[tilespmem:$0x8BC0] =	vst v0  }
0x60: {  	[tilespmem:$0x8BD0] =	vst v0  }
0x61: {  	[tilespmem:$0x8BE0] =	vst v0  }
0x62: {  	[tilespmem:$0x8BF0] =	vst v0  }
0x63: {  	[spmem:s4] =	stream.linear.scatter [tilespmem:s16], [sflag:$0x3], $0x400, $0x38;
	[tilespmem:$0xAC80] =	vst v63  }
0x64: {  	_ =	swait.ge [sflag:s17], $0x400  }
0x65: {  	[sflag:s17] =	ssyncset.done $0x0  }
0x66: {  	s31 =	rddreg [dreg:$0x7];
	[sflag:s17] =	ssyncadd.s32 $0xFFFFFC00  }
0x67: {  	[spmem:s31] =	stream.linear.scatter [tilespmem:s16], [sflag:$0x3], $0x400, $0x38;
	[tilespmem:$0xAC80] =	vst v63  }
0x68: {  	_ =	swait.ge [sflag:s17], $0x400  }
0x69: {  	[sflag:s17] =	ssyncset.done $0x0  }
0x6a: {  	s31 =	rddreg [dreg:$0x8];
	[sflag:s17] =	ssyncadd.s32 $0xFFFFFC00  }
0x6b: {  	[spmem:s31] =	stream.linear.scatter [tilespmem:s16], [sflag:$0x3], $0x400, $0x38;
	[tilespmem:$0xAC80] =	vst v63  }
0x6c: {  	_ =	swait.ge [sflag:s17], $0x400  }
0x6d: {  	[sflag:s17] =	ssyncset.done $0x0  }
0x6e: {  	s31 =	rddreg [dreg:$0x9];
	[sflag:s17] =	ssyncadd.s32 $0xFFFFFC00  }
0x6f: {  	[spmem:s31] =	stream.linear.scatter [tilespmem:s16], [sflag:$0x3], $0x400, $0x38;
	[tilespmem:$0xAC80] =	vst v63  }
0x70: {  	_ =	swait.ge [sflag:s17], $0x400  }
0x71: {  	[sflag:s17] =	ssyncset.done $0x0  }
0x72: {  	s31 =	simm.s32 @!p0 $0x8800;
	s1 =	rddreg [dreg:$0xa];
	[sflag:s17] =	ssyncadd.s32 $0xFFFFFC00  }
0x73: {  	[spmem:s1] =	stream.linear.scatter @!p0 [tilespmem:s31], [sflag:$0x3], $0x400, $0x38;
	[tilespmem:$0xAC80] =	vst v63  }
0x74: {  	s1 =	simm.s32 @!p0 $0x3  }
0x75: {  	_ =	swait.ge @!p0 [sflag:s1], $0x400  }
0x76: {  	[sflag:s1] =	ssyncset.done @!p0 $0x0  }
0x77: {  	s31 =	rddreg [dreg:$0xb];
	[sflag:s1] =	ssyncadd.s32 @!p0 $0xFFFFFC00  }
0x78: {  	[tilespmem:s3], [sflag:$0x3] =	stream.linear.gather [hbm4b:s31+s3], $0x580, $0x38;
	[tilespmem:$0xAC80] =	vst v63  }
0x79: {  	_ =	swait.ge [sflag:s17], $0x580  }
0x7a: {  	[sflag:s17] =	ssyncset.done $0x0  }
0x7b: {  	[sflag:s17] =	ssyncadd.s32 $0xFFFFFA80  }
0x7c: {  	[bflag:$0x0] =	sbarrier.arrive $0xFFFF  }
0x7d: {  	_ =	swait.ge [sflag:s18], $0x4000  }
0x7e: {  	[sflag:s18] =	ssyncset.done $0x0  }
0x7f: {  	[sflag:s18] =	ssyncadd.s32 $0xFFFFC000  }
0x80: {  	[spmem:s2] =	stream.indirect.scatter.add.f32 [tilespmem:s14], [sflag:$0x3], $0x80, s3, s19, $0xb8;
	[tilespmem:$0xAC80] =	vst v63  }
0x81: {  	_ =	swait.ge [sflag:s17], $0x4000  }
0x82: {  	[sflag:s17] =	ssyncset.done $0x0  }
0x83: {  	[sflag:s17] =	ssyncadd.s32 $0xFFFFC000  }
0x84: {  	[tilespmem:s14], [sflag:$0x1] =	stream.strided.gather [hbm4b:s5+s13], $0x4000, s14, s13, $0x38;
	[tilespmem:$0xAC80] =	vst v63  }
0x85: {  	_ =	swait.ge [sflag:s20], $0x4000  }
0x86: {  	[sflag:s20] =	ssyncset.done $0x0  }
0x87: {  	[sflag:s20] =	ssyncadd.s32 $0xFFFFC000  }
0x88: {  	[spmem:s2] =	stream.indirect.scatter.add.f32 [tilespmem:s15], [sflag:$0x3], $0x80, s19, s19, $0xb8;
	[tilespmem:$0xAC80] =	vst v63  }
0x89: {  	_ =	swait.ge [sflag:s17], $0x4000  }
0x8a: {  	[sflag:s17] =	ssyncset.done $0x0  }
0x8b: {  	[sflag:s17] =	ssyncadd.s32 $0xFFFFC000  }
0x8c: {  	[tilespmem:s15], [sflag:$0x2] =	stream.strided.gather [hbm4b:s7+s13], $0x4000, s14, s13, $0x38;
	[tilespmem:$0xAC80] =	vst v63  }
0x8d: {  	_ =	swait.ge [sflag:s18], $0x4000  }
0x8e: {  	[sflag:s18] =	ssyncset.done $0x0  }
0x8f: {  	[sflag:s18] =	ssyncadd.s32 $0xFFFFC000  }
0x90: {  	[spmem:s2] =	stream.indirect.scatter.add.f32 [tilespmem:s14], [sflag:$0x3], $0x80, s21, s19, $0xb8;
	[tilespmem:$0xAC80] =	vst v63  }
0x91: {  	_ =	swait.ge [sflag:s17], $0x4000  }
0x92: {  	[sflag:s17] =	ssyncset.done $0x0  }
0x93: {  	s31 =	rddreg [dreg:$0xe];
	[sflag:s17] =	ssyncadd.s32 $0xFFFFC000  }
0x94: {  	[tilespmem:s14], [sflag:$0x1] =	stream.strided.gather [hbm4b:s31+s13], $0x4000, s14, s13, $0x38;
	[tilespmem:$0xAC80] =	vst v63  }
0x95: {  	_ =	swait.ge [sflag:s20], $0x4000  }
0x96: {  	[sflag:s20] =	ssyncset.done $0x0  }
0x97: {  	[sflag:s20] =	ssyncadd.s32 $0xFFFFC000  }
0x98: {  	[spmem:s2] =	stream.indirect.scatter.add.f32 [tilespmem:s15], [sflag:$0x3], $0x80, s22, s19, $0xb8;
	[tilespmem:$0xAC80] =	vst v63  }
0x99: {  	_ =	swait.ge [sflag:s17], $0x4000  }
0x9a: {  	[sflag:s17] =	ssyncset.done $0x0  }
0x9b: {  	[sflag:s17] =	ssyncadd.s32 $0xFFFFC000  }
0x9c: {  	[tilespmem:s15], [sflag:$0x2] =	stream.strided.gather [hbm4b:s8+s13], $0x4000, s14, s13, $0x38;
	[tilespmem:$0xAC80] =	vst v63  }
0x9d: {  	_ =	swait.ge [sflag:s18], $0x4000  }
0x9e: {  	[sflag:s18] =	ssyncset.done $0x0  }
0x9f: {  	[sflag:s18] =	ssyncadd.s32 $0xFFFFC000  }
0xa0: {  	[spmem:s2] =	stream.indirect.scatter.add.f32 [tilespmem:s14], [sflag:$0x3], $0x80, s23, s19, $0xb8;
	[tilespmem:$0xAC80] =	vst v63  }
0xa1: {  	_ =	swait.ge [sflag:s17], $0x4000  }
0xa2: {  	[sflag:s17] =	ssyncset.done $0x0  }
0xa3: {  	[sflag:s17] =	ssyncadd.s32 $0xFFFFC000  }
0xa4: {  	[tilespmem:s14], [sflag:$0x1] =	stream.strided.gather [hbm4b:s9+s13], $0x4000, s14, s13, $0x38;
	[tilespmem:$0xAC80] =	vst v63  }
0xa5: {  	_ =	swait.ge [sflag:s20], $0x4000  }
0xa6: {  	[sflag:s20] =	ssyncset.done $0x0  }
0xa7: {  	[sflag:s20] =	ssyncadd.s32 $0xFFFFC000  }
0xa8: {  	[spmem:s2] =	stream.indirect.scatter.add.f32 [tilespmem:s15], [sflag:$0x3], $0x80, s24, s19, $0xb8;
	[tilespmem:$0xAC80] =	vst v63  }
0xa9: {  	_ =	swait.ge [sflag:s17], $0x4000  }
0xaa: {  	[sflag:s17] =	ssyncset.done $0x0  }
0xab: {  	[sflag:s17] =	ssyncadd.s32 $0xFFFFC000  }
0xac: {  	[tilespmem:s15], [sflag:$0x2] =	stream.strided.gather [hbm4b:s10+s13], $0x4000, s14, s13, $0x38;
	[tilespmem:$0xAC80] =	vst v63  }
0xad: {  	_ =	swait.ge [sflag:s18], $0x4000  }
0xae: {  	[sflag:s18] =	ssyncset.done $0x0  }
0xaf: {  	[sflag:s18] =	ssyncadd.s32 $0xFFFFC000  }
0xb0: {  	[spmem:s2] =	stream.indirect.scatter.add.f32 [tilespmem:s14], [sflag:$0x3], $0x80, s25, s19, $0xb8;
	[tilespmem:$0xAC80] =	vst v63  }
0xb1: {  	_ =	swait.ge [sflag:s17], $0x4000  }
0xb2: {  	[sflag:s17] =	ssyncset.done $0x0  }
0xb3: {  	[sflag:s17] =	ssyncadd.s32 $0xFFFFC000  }
0xb4: {  	[tilespmem:s14], [sflag:$0x1] =	stream.strided.gather [hbm4b:s11+s13], $0x4000, s14, s13, $0x38;
	[tilespmem:$0xAC80] =	vst v63  }
0xb5: {  	_ =	swait.ge [sflag:s20], $0x4000  }
0xb6: {  	[sflag:s20] =	ssyncset.done $0x0  }
0xb7: {  	[sflag:s20] =	ssyncadd.s32 $0xFFFFC000  }
0xb8: {  	[spmem:s2] =	stream.indirect.scatter.add.f32 [tilespmem:s15], [sflag:$0x3], $0x80, s26, s19, $0xb8;
	[tilespmem:$0xAC80] =	vst v63  }
0xb9: {  	_ =	swait.ge [sflag:s17], $0x4000  }
0xba: {  	[sflag:s17] =	ssyncset.done $0x0  }
0xbb: {  	[sflag:s17] =	ssyncadd.s32 $0xFFFFC000  }
0xbc: {  	[tilespmem:s15], [sflag:$0x2] =	stream.strided.gather [hbm4b:s12+s13], $0x4000, s14, s13, $0x38;
	[tilespmem:$0xAC80] =	vst v63  }
0xbd: {  	_ =	swait.ge [sflag:s18], $0x4000  }
0xbe: {  	[sflag:s18] =	ssyncset.done $0x0  }
0xbf: {  	[sflag:s18] =	ssyncadd.s32 $0xFFFFC000  }
0xc0: {  	[spmem:s2] =	stream.indirect.scatter.add.f32 [tilespmem:s14], [sflag:$0x3], $0x80, s13, s19, $0xb8;
	[tilespmem:$0xAC80] =	vst v63  }
0xc1: {  	_ =	swait.ge [sflag:s17], $0x4000  }
0xc2: {  	[sflag:s17] =	ssyncset.done $0x0  }
0xc3: {  	[sflag:s17] =	ssyncadd.s32 $0xFFFFC000  }
0xc4: {  	_ =	swait.ge [sflag:s20], $0x4000  }
0xc5: {  	[sflag:s20] =	ssyncset.done $0x0  }
0xc6: {  	[sflag:s20] =	ssyncadd.s32 $0xFFFFC000  }
0xc7: {  	[spmem:s2] =	stream.indirect.scatter.add.f32 [tilespmem:s15], [sflag:$0x3], $0x80, s28, s19, $0xb8;
	[tilespmem:$0xAC80] =	vst v63  }
0xc8: {  	_ =	swait.ge [sflag:s17], $0x4000  }
0xc9: {  	[sflag:s17] =	ssyncset.done $0x0  }
0xca: {  	s31 =	rddreg [dreg:$0xc];
	[sflag:s17] =	ssyncadd.s32 $0xFFFFC000  }
0xcb: {  	[tilespmem:s14], [sflag:$0x1] =	stream.strided.gather [hbm4b:s31+s13], $0x1C00, s14, s13, $0x38;
	[tilespmem:$0xAC80] =	vst v63  }
0xcc: {  	_ =	swait.ge [sflag:s18], $0x1C00  }
0xcd: {  	[sflag:s18] =	ssyncset.done $0x0  }
0xce: {  	[sflag:s18] =	ssyncadd.s32 $0xFFFFE400  }
0xcf: {  	[spmem:s2] =	stream.indirect.scatter.add.f32 [tilespmem:s14], [sflag:$0x3], $0x80, s29, s19, $0xb8;
	[tilespmem:$0xAC80] =	vst v63  }
0xd0: {  	_ =	swait.ge [sflag:s17], $0x4000  }
0xd1: {  	[sflag:s17] =	ssyncset.done $0x0  }
0xd2: {  	[sflag:s17] =	ssyncadd.s32 $0xFFFFC000  }
0xd3: {  	[bflag:$0x0] =	sbarrier.arrive $0xFFFF  }
0xd4: {  	[tilespmem:s16], [sflag:$0x3] =	stream.linear.gather [spmem:s4], $0x1000, $0x38;
	[tilespmem:$0xAC80] =	vst v63  }
0xd5: {  	_ =	swait.ge [sflag:s17], $0x1000  }
0xd6: {  	[sflag:s17] =	ssyncset.done $0x0  }
0xd7: {  	[sflag:s17] =	ssyncadd.s32 $0xFFFFF000  }
0xd8: {  	v19 =	vld [tilespmem:$0x8800]  }
0xd9: {  	v13 =	vld [tilespmem:$0x8880]  }
0xda: {  	v31 =	vld [tilespmem:$0x8900]  }
0xdb: {  	v1 =	vld [tilespmem:$0x8980]  }
0xdc: {  	v7 =	vld [tilespmem:$0x8810]  }
0xdd: {  	v4 =	vld [tilespmem:$0x8890]  }
0xde: {  	v25 =	vld [tilespmem:$0x8910]  }
0xdf: {  	v57 =	vld [tilespmem:$0x8990]  }
0xe0: {  	v5 =	vld [tilespmem:$0x8820]  }
0xe1: {  	v3 =	vld [tilespmem:$0x88A0]  }
0xe2: {  	v20 =	vld [tilespmem:$0x8920]  }
0xe3: {  	v50 =	vld [tilespmem:$0x89A0]  }
0xe4: {  	v2 =	vld [tilespmem:$0x8830]  }
0xe5: {  	v14 =	vld [tilespmem:$0x8930]  }
0xe6: {  	v43 =	vld [tilespmem:$0x89B0]  }
0xe7: {  	v21 =	vld [tilespmem:$0x8840]  }
0xe8: {  	v15 =	vld [tilespmem:$0x88C0]  }
0xe9: {  	v44 =	vld [tilespmem:$0x8940]  }
0xea: {  	v6 =	vld [tilespmem:$0x89C0]  }
0xeb: {  	v16 =	vld [tilespmem:$0x8850]  }
0xec: {  	v10 =	vld [tilespmem:$0x88D0]  }
0xed: {  	v37 =	vld [tilespmem:$0x8950]  }
0xee: {  	v48 =	vld [tilespmem:$0x89D0]  }
0xef: {  	v11 =	vld [tilespmem:$0x8860]  }
0xf0: {  	v8 =	vld [tilespmem:$0x88E0]  }
0xf1: {  	v32 =	vld [tilespmem:$0x8960]  }
0xf2: {  	v63 =	vld [tilespmem:$0x89E0]  }
0xf3: {  	v9 =	vld [tilespmem:$0x8870]  }
0xf4: {  	v26 =	vld [tilespmem:$0x8970]  }
0xf5: {  	v58 =	vld [tilespmem:$0x89F0]  }
0xf6: {  	v33 =	vld [tilespmem:$0x8A00]  }
0xf7: {  	v27 =	vld [tilespmem:$0x8A80]  }
0xf8: {  	v59 =	vld [tilespmem:$0x8B00]  }
0xf9: {  	v12 =	vld [tilespmem:$0x8B80]  }
0xfa: {  	v28 =	vld [tilespmem:$0x8A10]  }
0xfb: {  	v22 =	vld [tilespmem:$0x8A90]  }
0xfc: {  	v51 =	vld [tilespmem:$0x8B10]  }
0xfd: {  	v49 =	vld [tilespmem:$0x8B90]  }
0xfe: {  	v23 =	vld [tilespmem:$0x8A20]  }
0xff: {  	v17 =	vld [tilespmem:$0x8AA0]  }
0x100: {  	v45 =	vld [tilespmem:$0x8B20]  }
0x101: {  	v52 =	vld [tilespmem:$0x8BA0]  }
0x102: {  	v18 =	vld [tilespmem:$0x8A30]  }
0x103: {  	v38 =	vld [tilespmem:$0x8B30];
	[tilespmem:$0x1F8A0] =	vst v1  }
0x104: {  	v24 =	vld [tilespmem:$0x8BB0];
	[tilespmem:$0x1F8B0] =	vst v6  }
0x105: {  	v53 =	vld [tilespmem:$0x8B40];
	[tilespmem:$0x1F8C0] =	vst v48  }
0x106: {  	v54 =	vld [tilespmem:$0x8BC0];
	[tilespmem:$0x1F8D0] =	vst v12  }
0x107: {  	v46 =	vld [tilespmem:$0x8A40];
	[tilespmem:$0x1F8E0] =	vst v49  }
0x108: {  	v39 =	vld [tilespmem:$0x8AC0];
	[tilespmem:$0x1F8F0] =	vst v52  }
0x109: {  	v1 =	vld [tilespmem:$0x88B0];
	[tilespmem:$0x1F900] =	vst v24  }
0x10a: {  	v6 =	vld [tilespmem:$0x88F0];
	[tilespmem:$0x1F910] =	vst v53  }
0x10b: {  	v12 =	vld [tilespmem:$0x8AB0];
	[tilespmem:$0x1F920] =	vst v54  }
0x10c: {  	v60 =	vld [tilespmem:$0x8D00];
	_ =	sdelay $0x4  }
0x10d: {  	[tilespmem:$0x1F970] =	vst v60;
	v60 =	vld [tilespmem:$0x8C40];
	_ =	sdelay $0x4  }
0x10e: {  	[tilespmem:$0x1F9E0] =	vst v60;
	v60 =	vld [tilespmem:$0x8DC0];
	_ =	sdelay $0x4  }
0x10f: {  	[tilespmem:$0x1FA60] =	vst v60;
	v60 =	vld [tilespmem:$0x8D50];
	_ =	sdelay $0x4  }
0x110: {  	[tilespmem:$0x1FA50] =	vst v60;
	v60 =	vld [tilespmem:$0x8D60];
	_ =	sdelay $0x4  }
0x111: {  	[tilespmem:$0x1FA70] =	vst v60;
	v60 =	vld [tilespmem:$0x8D70];
	_ =	sdelay $0x4  }
0x112: {  	[tilespmem:$0x1FA90] =	vst v60;
	v60 =	vld [tilespmem:$0x8DF0];
	_ =	sdelay $0x4  }
0x113: {  	[tilespmem:$0x1FAD0] =	vst v60;
	v60 =	vld [tilespmem:$0x8E00];
	_ =	sdelay $0x4  }
0x114: {  	[tilespmem:$0x1FAB0] =	vst v60;
	v60 =	vld [tilespmem:$0x8E80];
	_ =	sdelay $0x4  }
0x115: {  	[tilespmem:$0x1FAC0] =	vst v60;
	v60 =	vld [tilespmem:$0x8F00];
	_ =	sdelay $0x4  }
0x116: {  	[tilespmem:$0x1FB00] =	vst v60;
	v60 =	vld [tilespmem:$0x8F80];
	_ =	sdelay $0x4  }
0x117: {  	[tilespmem:$0x1FB60] =	vst v60;
	v60 =	vld [tilespmem:$0x8E10];
	_ =	sdelay $0x4  }
0x118: {  	[tilespmem:$0x1FAE0] =	vst v60;
	v60 =	vld [tilespmem:$0x8E90];
	_ =	sdelay $0x4  }
0x119: {  	[tilespmem:$0x1FAF0] =	vst v60;
	v60 =	vld [tilespmem:$0x8F10];
	_ =	sdelay $0x4  }
0x11a: {  	[tilespmem:$0x1FB30] =	vst v60;
	v60 =	vld [tilespmem:$0x8F90];
	_ =	sdelay $0x4  }
0x11b: {  	[tilespmem:$0x1FB80] =	vst v60;
	v60 =	vld [tilespmem:$0x8E20];
	_ =	sdelay $0x4  }
0x11c: {  	[tilespmem:$0x1FB10] =	vst v60;
	v60 =	vld [tilespmem:$0x8EA0];
	_ =	sdelay $0x4  }
0x11d: {  	[tilespmem:$0x1FB20] =	vst v60;
	v60 =	vld [tilespmem:$0x8F20];
	_ =	sdelay $0x4  }
0x11e: {  	[tilespmem:$0x1FB70] =	vst v60;
	v60 =	vld [tilespmem:$0x8FA0];
	_ =	sdelay $0x4  }
0x11f: {  	[tilespmem:$0x1FBA0] =	vst v60;
	v60 =	vld [tilespmem:$0x8E30];
	_ =	sdelay $0x4  }
0x120: {  	[tilespmem:$0x1FB40] =	vst v60;
	v60 =	vld [tilespmem:$0x8EB0];
	_ =	sdelay $0x4  }
0x121: {  	[tilespmem:$0x1FB50] =	vst v60;
	v60 =	vld [tilespmem:$0x8F30];
	_ =	sdelay $0x4  }
0x122: {  	[tilespmem:$0x1FB90] =	vst v60;
	v60 =	vld [tilespmem:$0x8FB0];
	_ =	sdelay $0x4  }
0x123: {  	[tilespmem:$0x1FBD0] =	vst v60;
	v60 =	vld [tilespmem:$0x8E40];
	_ =	sdelay $0x4  }
0x124: {  	[tilespmem:$0x1FBB0] =	vst v60;
	v60 =	vld [tilespmem:$0x8EC0];
	_ =	sdelay $0x4  }
0x125: {  	[tilespmem:$0x1FBC0] =	vst v60;
	v60 =	vld [tilespmem:$0x8F40];
	_ =	sdelay $0x4  }
0x126: {  	[tilespmem:$0x1FC00] =	vst v60;
	v60 =	vld [tilespmem:$0x8FC0];
	_ =	sdelay $0x4  }
0x127: {  	[tilespmem:$0x1FC60] =	vst v60;
	v60 =	vld [tilespmem:$0x8E50];
	_ =	sdelay $0x4  }
0x128: {  	[tilespmem:$0x1FBE0] =	vst v60;
	v60 =	vld [tilespmem:$0x8ED0];
	_ =	sdelay $0x4  }
0x129: {  	[tilespmem:$0x1FBF0] =	vst v60;
	v60 =	vld [tilespmem:$0x8F50];
	_ =	sdelay $0x4  }
0x12a: {  	[tilespmem:$0x1FC30] =	vst v60;
	v60 =	vld [tilespmem:$0x8FD0];
	_ =	sdelay $0x4  }
0x12b: {  	[tilespmem:$0x1FC80] =	vst v60;
	v60 =	vld [tilespmem:$0x8E60];
	_ =	sdelay $0x4  }
0x12c: {  	[tilespmem:$0x1FC10] =	vst v60;
	v60 =	vld [tilespmem:$0x8EE0];
	_ =	sdelay $0x4  }
0x12d: {  	[tilespmem:$0x1FC20] =	vst v60;
	v60 =	vld [tilespmem:$0x8F60];
	_ =	sdelay $0x4  }
0x12e: {  	[tilespmem:$0x1FC70] =	vst v60;
	v60 =	vld [tilespmem:$0x8FE0];
	_ =	sdelay $0x4  }
0x12f: {  	[tilespmem:$0x1FCA0] =	vst v60;
	v60 =	vld [tilespmem:$0x8E70];
	_ =	sdelay $0x4  }
0x130: {  	[tilespmem:$0x1FC40] =	vst v60;
	v60 =	vld [tilespmem:$0x8EF0];
	_ =	sdelay $0x4  }
0x131: {  	[tilespmem:$0x1FC50] =	vst v60;
	v60 =	vld [tilespmem:$0x8F70];
	_ =	sdelay $0x4  }
0x132: {  	[tilespmem:$0x1FC90] =	vst v60;
	v60 =	vld [tilespmem:$0x8FF0];
	_ =	sdelay $0x4  }
0x133: {  	[tilespmem:$0x1FCD0] =	vst v60;
	v60 =	vld [tilespmem:$0x9000];
	_ =	sdelay $0x4  }
0x134: {  	[tilespmem:$0x1FCB0] =	vst v60;
	v60 =	vld [tilespmem:$0x9080];
	_ =	sdelay $0x4  }
0x135: {  	[tilespmem:$0x1FCC0] =	vst v60;
	v60 =	vld [tilespmem:$0x9100];
	_ =	sdelay $0x4  }
0x136: {  	[tilespmem:$0x1FD00] =	vst v60;
	v60 =	vld [tilespmem:$0x9180];
	_ =	sdelay $0x4  }
0x137: {  	[tilespmem:$0x1FD60] =	vst v60;
	v60 =	vld [tilespmem:$0x9010];
	_ =	sdelay $0x4  }
0x138: {  	[tilespmem:$0x1FCE0] =	vst v60;
	v60 =	vld [tilespmem:$0x9090];
	_ =	sdelay $0x4  }
0x139: {  	[tilespmem:$0x1FCF0] =	vst v60;
	v60 =	vld [tilespmem:$0x9110];
	_ =	sdelay $0x4  }
0x13a: {  	[tilespmem:$0x1FD30] =	vst v60;
	v60 =	vld [tilespmem:$0x9190];
	_ =	sdelay $0x4  }
0x13b: {  	[tilespmem:$0x1FD80] =	vst v60;
	v60 =	vld [tilespmem:$0x9020];
	_ =	sdelay $0x4  }
0x13c: {  	[tilespmem:$0x1FD10] =	vst v60;
	v60 =	vld [tilespmem:$0x90A0];
	_ =	sdelay $0x4  }
0x13d: {  	[tilespmem:$0x1FD20] =	vst v60;
	v60 =	vld [tilespmem:$0x9120];
	_ =	sdelay $0x4  }
0x13e: {  	[tilespmem:$0x1FD70] =	vst v60;
	v60 =	vld [tilespmem:$0x91A0];
	_ =	sdelay $0x4  }
0x13f: {  	[tilespmem:$0x1FDA0] =	vst v60;
	v60 =	vld [tilespmem:$0x9030];
	_ =	sdelay $0x4  }
0x140: {  	[tilespmem:$0x1FD40] =	vst v60;
	v60 =	vld [tilespmem:$0x90B0];
	_ =	sdelay $0x4  }
0x141: {  	[tilespmem:$0x1FD50] =	vst v60;
	v60 =	vld [tilespmem:$0x9130];
	_ =	sdelay $0x4  }
0x142: {  	[tilespmem:$0x1FD90] =	vst v60;
	v60 =	vld [tilespmem:$0x91B0];
	_ =	sdelay $0x4  }
0x143: {  	[tilespmem:$0x1FDD0] =	vst v60;
	v60 =	vld [tilespmem:$0x9040];
	_ =	sdelay $0x4  }
0x144: {  	[tilespmem:$0x1FDB0] =	vst v60;
	v60 =	vld [tilespmem:$0x90C0];
	_ =	sdelay $0x4  }
0x145: {  	[tilespmem:$0x1FDC0] =	vst v60;
	v60 =	vld [tilespmem:$0x9140];
	_ =	sdelay $0x4  }
0x146: {  	[tilespmem:$0x1FE00] =	vst v60;
	v60 =	vld [tilespmem:$0x91C0];
	_ =	sdelay $0x4  }
0x147: {  	[tilespmem:$0x1FE60] =	vst v60;
	v60 =	vld [tilespmem:$0x9050];
	_ =	sdelay $0x4  }
0x148: {  	[tilespmem:$0x1FDE0] =	vst v60;
	v60 =	vld [tilespmem:$0x90D0];
	_ =	sdelay $0x4  }
0x149: {  	[tilespmem:$0x1FDF0] =	vst v60;
	v60 =	vld [tilespmem:$0x9150];
	_ =	sdelay $0x4  }
0x14a: {  	[tilespmem:$0x1FE30] =	vst v60;
	v60 =	vld [tilespmem:$0x91D0];
	_ =	sdelay $0x4  }
0x14b: {  	[tilespmem:$0x1FE80] =	vst v60;
	v60 =	vld [tilespmem:$0x9060];
	_ =	sdelay $0x4  }
0x14c: {  	[tilespmem:$0x1FE10] =	vst v60;
	v60 =	vld [tilespmem:$0x90E0];
	_ =	sdelay $0x4  }
0x14d: {  	[tilespmem:$0x1FE20] =	vst v60;
	v60 =	vld [tilespmem:$0x9160];
	_ =	sdelay $0x4  }
0x14e: {  	[tilespmem:$0x1FE70] =	vst v60;
	v60 =	vld [tilespmem:$0x91E0];
	_ =	sdelay $0x4  }
0x14f: {  	[tilespmem:$0x1FEA0] =	vst v60;
	v60 =	vld [tilespmem:$0x9070];
	_ =	sdelay $0x4  }
0x150: {  	[tilespmem:$0x1FE40] =	vst v60;
	v60 =	vld [tilespmem:$0x90F0];
	_ =	sdelay $0x4  }
0x151: {  	[tilespmem:$0x1FE50] =	vst v60;
	v60 =	vld [tilespmem:$0x9170];
	_ =	sdelay $0x4  }
0x152: {  	[tilespmem:$0x1FE90] =	vst v60;
	v60 =	vld [tilespmem:$0x91F0];
	_ =	sdelay $0x4  }
0x153: {  	[tilespmem:$0x1FED0] =	vst v60;
	v60 =	vld [tilespmem:$0x9200];
	_ =	sdelay $0x4  }
0x154: {  	[tilespmem:$0x1FEB0] =	vst v60;
	v60 =	vld [tilespmem:$0x9280];
	_ =	sdelay $0x4  }
0x155: {  	[tilespmem:$0x1FEC0] =	vst v60;
	v60 =	vld [tilespmem:$0x9300];
	_ =	sdelay $0x1  }
0x156: {  	v1 =	vadd.f32 v1, v2;
	v2 =	vld [tilespmem:$0x9310];
	_ =	sdelay $0x2  }
0x157: {  	[tilespmem:$0x1FF00] =	vst v60;
	v60 =	vld [tilespmem:$0x9380];
	_ =	sdelay $0x1  }
0x158: {  	[tilespmem:$0x1FF30] =	vst v2;
	v2 =	vld [tilespmem:$0x1F8A0]  }
0x159: {  	v13 =	vadd.f32 v13, v19;
	_ =	sdelay $0x1  }
0x15a: {  	v3 =	vadd.f32 v3, v5;
	[tilespmem:$0x1FF60] =	vst v60;
	v60 =	vadd.f32 v31, v13;
	_ =	sdelay $0x1  }
0x15b: {  	v31 =	vadd.f32 v2, v60;
	v2 =	vadd.f32 v20, v3;
	v3 =	vld [tilespmem:$0x9390];
	_ =	sdelay $0x4  }
0x15c: {  	[tilespmem:$0x1FF80] =	vst v3;
	v3 =	vld [tilespmem:$0x9220];
	_ =	sdelay $0x4  }
0x15d: {  	[tilespmem:$0x1FF10] =	vst v3;
	v3 =	vld [tilespmem:$0x92A0];
	_ =	sdelay $0x4  }
0x15e: {  	[tilespmem:$0x1FF20] =	vst v3;
	v3 =	vld [tilespmem:$0x9320]  }
0x15f: {  	v1 =	vadd.f32 v14, v1  }
0x160: {  	v50 =	vadd.f32 v50, v2;
	v2 =	vadd.f32 v15, v21;
	v21 =	vld [tilespmem:$0x1F8B0];
	_ =	sdelay $0x1  }
0x161: {  	v43 =	vadd.f32 v43, v1;
	v1 =	vadd.f32 v10, v16  }
0x162: {  	v2 =	vadd.f32 v44, v2;
	[tilespmem:$0x1FF70] =	vst v3;
	v3 =	vadd.f32 v8, v11  }
0x163: {  	v1 =	vadd.f32 v37, v1  }
0x164: {  	v37 =	vadd.f32 v21, v2;
	v2 =	vadd.f32 v32, v3;
	v3 =	vld [tilespmem:$0x92B0];
	_ =	sdelay $0x4  }
0x165: {  	[tilespmem:$0x1FF50] =	vst v3;
	v3 =	vld [tilespmem:$0x1F8C0];
	_ =	sdelay $0x4  }
0x166: {  	v32 =	vadd.f32 v3, v1;
	v3 =	vld [tilespmem:$0x9330];
	_ =	sdelay $0x3  }
0x167: {  	v19 =	vld [tilespmem:$0x9210]  }
0x168: {  	[tilespmem:$0x1FF90] =	vst v3;
	v3 =	vld [tilespmem:$0x93B0];
	_ =	sdelay $0x3  }
0x169: {  	[tilespmem:$0x1FEE0] =	vst v19  }
0x16a: {  	v19 =	vadd.f32 v6, v9;
	[tilespmem:$0x1FFC0] =	vst v3;
	v3 =	vld [tilespmem:$0x9240];
	_ =	sdelay $0x1  }
0x16b: {  	v1 =	vadd.f32 v26, v19;
	v26 =	vld [tilespmem:$0x1F8D0]  }
0x16c: {  	v44 =	vadd.f32 v63, v2;
	v2 =	vadd.f32 v27, v33;
	_ =	sdelay $0x1  }
0x16d: {  	v2 =	vadd.f32 v59, v2;
	[tilespmem:$0x1FFB0] =	vst v3;
	v3 =	vadd.f32 v17, v23  }
0x16e: {  	v33 =	vadd.f32 v58, v1;
	v1 =	vadd.f32 v22, v28  }
0x16f: {  	v28 =	vadd.f32 v26, v2;
	v2 =	vadd.f32 v45, v3;
	v3 =	vld [tilespmem:$0x93C0];
	_ =	sdelay $0x4  }
0x170: {  	[tilespmem:$0x1FFE0] =	vst v3;
	v3 =	vld [tilespmem:$0x1F8E0];
	_ =	sdelay $0x2  }
0x171: {  	v1 =	vadd.f32 v51, v1;
	_ =	sdelay $0x1  }
0x172: {  	v45 =	vadd.f32 v3, v1;
	v3 =	vld [tilespmem:$0x1F8F0];
	_ =	sdelay $0x2  }
0x173: {  	v23 =	vadd.f32 v12, v18;
	_ =	sdelay $0x1  }
0x174: {  	v1 =	vadd.f32 v38, v23;
	v38 =	vadd.f32 v3, v2;
	v3 =	vld [tilespmem:$0x1F900]  }
0x175: {  	v40 =	vld [tilespmem:$0x8A50]  }
0x176: {  	v34 =	vld [tilespmem:$0x8AD0]  }
0x177: {  	v62 =	vld [tilespmem:$0x8B50]  }
0x178: {  	v35 =	vld [tilespmem:$0x8A60]  }
0x179: {  	v2 =	vadd.f32 v39, v46;
	v39 =	vadd.f32 v3, v1;
	v3 =	vld [tilespmem:$0x1F910]  }
0x17a: {  	v29 =	vld [tilespmem:$0x8AE0];
	_ =	sdelay $0x2  }
0x17b: {  	v1 =	vadd.f32 v34, v40  }
0x17c: {  	v55 =	vld [tilespmem:$0x8B60];
	v2 =	vadd.f32 v3, v2  }
0x17d: {  	v3 =	vadd.f32 v29, v35;
	v29 =	vadd.f32 v62, v1;
	v1 =	vld [tilespmem:$0x1F920];
	_ =	sdelay $0x3  }
0x17e: {  	v24 =	vld [tilespmem:$0x8BD0];
	[tilespmem:$0x1F930] =	vst v55  }
0x17f: {  	v35 =	vadd.f32 v1, v2;
	v1 =	vld [tilespmem:$0x1F930];
	_ =	sdelay $0x3  }
0x180: {  	v56 =	vld [tilespmem:$0x8BE0];
	[tilespmem:$0x1F940] =	vst v24  }
0x181: {  	v2 =	vadd.f32 v1, v3;
	v1 =	vld [tilespmem:$0x1F940];
	_ =	sdelay $0x2  }
0x182: {  	v30 =	vld [tilespmem:$0x8A70]  }
0x183: {  	v36 =	vld [tilespmem:$0x8BF0];
	[tilespmem:$0x1F950] =	vst v56  }
0x184: {  	v40 =	vadd.f32 v1, v29;
	v1 =	vld [tilespmem:$0x1F950]  }
0x185: {  	v24 =	vld [tilespmem:$0x8AF0];
	_ =	sdelay $0x1  }
0x186: {  	v52 =	vld [tilespmem:$0x8B70]  }
0x187: {  	[tilespmem:$0x1F960] =	vst v36  }
0x188: {  	v46 =	vadd.f32 v1, v2;
	v1 =	vld [tilespmem:$0x1F960]  }
0x189: {  	v61 =	vld [tilespmem:$0x8C00];
	v30 =	vadd.f32 v24, v30  }
0x18a: {  	v53 =	vld [tilespmem:$0x8C80]  }
0x18b: {  	v41 =	vld [tilespmem:$0x8D80];
	v3 =	vadd.f32 v52, v30  }
0x18c: {  	v42 =	vld [tilespmem:$0x8D10]  }
0x18d: {  	v51 =	vadd.f32 v1, v3;
	v1 =	vld [tilespmem:$0x1F970]  }
0x18e: {  	v48 =	vld [tilespmem:$0x8D90]  }
0x18f: {  	v54 =	vld [tilespmem:$0x8C10]  }
0x190: {  	v47 =	vld [tilespmem:$0x8C90];
	v2 =	vadd.f32 v53, v61  }
0x191: {  	v49 =	vld [tilespmem:$0x8D20];
	[tilespmem:$0x1F980] =	vst v42  }
0x192: {  	v2 =	vadd.f32 v1, v2;
	v1 =	vld [tilespmem:$0x1F980]  }
0x193: {  	[tilespmem:$0x1F9B0] =	vst v48;
	v48 =	vld [tilespmem:$0x8C20]  }
0x194: {  	[tilespmem:$0x1F990] =	vst v41;
	v41 =	vld [tilespmem:$0x8CA0]  }
0x195: {  	v42 =	vld [tilespmem:$0x8C30];
	v3 =	vadd.f32 v47, v54  }
0x196: {  	v36 =	vld [tilespmem:$0x8CB0]  }
0x197: {  	v47 =	vadd.f32 v1, v3;
	v1 =	vld [tilespmem:$0x1F990];
	_ =	sdelay $0x3  }
0x198: {  	[tilespmem:$0x1F9A0] =	vst v49;
	v41 =	vadd.f32 v41, v48  }
0x199: {  	v48 =	vadd.f32 v36, v42;
	v36 =	vadd.f32 v1, v2;
	v1 =	vld [tilespmem:$0x1F9A0];
	_ =	sdelay $0x3  }
0x19a: {  	v49 =	vld [tilespmem:$0x8D30]  }
0x19b: {  	v2 =	vadd.f32 v1, v41;
	v1 =	vld [tilespmem:$0x1F9B0];
	_ =	sdelay $0x3  }
0x19c: {  	v55 =	vld [tilespmem:$0x8DA0];
	[tilespmem:$0x1F9C0] =	vst v49  }
0x19d: {  	v41 =	vadd.f32 v1, v47;
	v1 =	vld [tilespmem:$0x1F9C0];
	_ =	sdelay $0x2  }
0x19e: {  	v56 =	vld [tilespmem:$0x8DB0]  }
0x19f: {  	[tilespmem:$0x1F9D0] =	vst v55;
	v55 =	vld [tilespmem:$0x8CC0]  }
0x1a0: {  	v52 =	vadd.f32 v1, v48;
	v1 =	vld [tilespmem:$0x1F9D0];
	_ =	sdelay $0x3  }
0x1a1: {  	[tilespmem:$0x1FA00] =	vst v56;
	v56 =	vld [tilespmem:$0x8D40]  }
0x1a2: {  	[tilespmem:$0x1F9F0] =	vst v55;
	v42 =	vadd.f32 v1, v2;
	v1 =	vld [tilespmem:$0x1F9E0]  }
0x1a3: {  	v2 =	vld [tilespmem:$0x1F9F0];
	_ =	sdelay $0x2  }
0x1a4: {  	[tilespmem:$0x1FA30] =	vst v56;
	v56 =	vld [tilespmem:$0x8CD0]  }
0x1a5: {  	v55 =	vld [tilespmem:$0x8C50]  }
0x1a6: {  	v2 =	vadd.f32 v2, v1;
	v1 =	vld [tilespmem:$0x1FA00];
	_ =	sdelay $0x2  }
0x1a7: {  	[tilespmem:$0x1FA20] =	vst v56  }
0x1a8: {  	[tilespmem:$0x1FA10] =	vst v55;
	v3 =	vld [tilespmem:$0x1FA20]  }
0x1a9: {  	v47 =	vadd.f32 v1, v52;
	v1 =	vld [tilespmem:$0x1FA10];
	_ =	sdelay $0x2  }
0x1aa: {  	v55 =	vld [tilespmem:$0x8DD0]  }
0x1ab: {  	v56 =	vld [tilespmem:$0x8C60]  }
0x1ac: {  	v53 =	vadd.f32 v3, v1;
	v1 =	vld [tilespmem:$0x1FA30];
	_ =	sdelay $0x2  }
0x1ad: {  	[tilespmem:$0x1FA80] =	vst v55  }
0x1ae: {  	[tilespmem:$0x1FA40] =	vst v56;
	v55 =	vld [tilespmem:$0x8CE0]  }
0x1af: {  	v54 =	vadd.f32 v1, v2;
	v1 =	vld [tilespmem:$0x1FA40];
	_ =	sdelay $0x4  }
0x1b0: {  	v55 =	vadd.f32 v55, v1;
	v1 =	vld [tilespmem:$0x1FA50];
	_ =	sdelay $0x4  }
0x1b1: {  	v17 =	vadd.f32 v1, v53;
	v1 =	vld [tilespmem:$0x1FA60];
	_ =	sdelay $0x3  }
0x1b2: {  	v56 =	vld [tilespmem:$0x8DE0]  }
0x1b3: {  	v48 =	vadd.f32 v1, v54;
	v1 =	vld [tilespmem:$0x1FA70];
	_ =	sdelay $0x2  }
0x1b4: {  	v49 =	vld [tilespmem:$0x8CF0]  }
0x1b5: {  	[tilespmem:$0x1FAA0] =	vst v56;
	v56 =	vld [tilespmem:$0x8C70]  }
0x1b6: {  	v59 =	vadd.f32 v1, v55;
	v1 =	vld [tilespmem:$0x1FA80];
	_ =	sdelay $0x4  }
0x1b7: {  	v58 =	vadd.f32 v49, v56;
	v49 =	vadd.f32 v1, v17;
	v1 =	vld [tilespmem:$0x1FA90];
	_ =	sdelay $0x4  }
0x1b8: {  	v23 =	vadd.f32 v1, v58;
	v1 =	vld [tilespmem:$0x1FAA0];
	_ =	sdelay $0x3  }
0x1b9: {  	v2 =	vld [tilespmem:$0x1FAC0]  }
0x1ba: {  	v52 =	vadd.f32 v1, v59;
	v1 =	vld [tilespmem:$0x1FAB0];
	_ =	sdelay $0x4  }
0x1bb: {  	v60 =	vadd.f32 v2, v1;
	v1 =	vld [tilespmem:$0x1FAD0];
	_ =	sdelay $0x3  }
0x1bc: {  	v2 =	vld [tilespmem:$0x1FAF0]  }
0x1bd: {  	v53 =	vadd.f32 v1, v23;
	v1 =	vld [tilespmem:$0x1FAE0];
	_ =	sdelay $0x4  }
0x1be: {  	v61 =	vadd.f32 v2, v1;
	v1 =	vld [tilespmem:$0x1FB00];
	_ =	sdelay $0x3  }
0x1bf: {  	v2 =	vld [tilespmem:$0x1FB20]  }
0x1c0: {  	v62 =	vadd.f32 v1, v60;
	v1 =	vld [tilespmem:$0x1FB10]  }
0x1c1: {  	v4 =	vadd.f32 v4, v7;
	_ =	sdelay $0x1  }
0x1c2: {  	v4 =	vadd.f32 v25, v4;
	_ =	sdelay $0x1  }
0x1c3: {  	v57 =	vadd.f32 v57, v4;
	v4 =	vadd.f32 v2, v1;
	v1 =	vld [tilespmem:$0x1FB30];
	_ =	sdelay $0x3  }
0x1c4: {  	v2 =	vld [tilespmem:$0x1FB50]  }
0x1c5: {  	[tilespmem:$0x9820] =	vst v50;
	v50 =	vadd.f32 v1, v61;
	v1 =	vld [tilespmem:$0x1FB40];
	_ =	sdelay $0x4  }
0x1c6: {  	v54 =	vadd.f32 v2, v1;
	v1 =	vld [tilespmem:$0x1FB60];
	_ =	sdelay $0x4  }
0x1c7: {  	[tilespmem:$0x9840] =	vst v37;
	v37 =	vadd.f32 v1, v62;
	v1 =	vld [tilespmem:$0x1FB70];
	_ =	sdelay $0x4  }
0x1c8: {  	v30 =	vadd.f32 v1, v4;
	v1 =	vld [tilespmem:$0x1FB80];
	_ =	sdelay $0x4  }
0x1c9: {  	[tilespmem:$0x9830] =	vst v43;
	v43 =	vadd.f32 v1, v50;
	v1 =	vld [tilespmem:$0x1FB90];
	_ =	sdelay $0x4  }
0x1ca: {  	v55 =	vadd.f32 v1, v54;
	v1 =	vld [tilespmem:$0x1FBA0];
	_ =	sdelay $0x3  }
0x1cb: {  	v2 =	vld [tilespmem:$0x1FBC0]  }
0x1cc: {  	[tilespmem:$0x9860] =	vst v44;
	v44 =	vadd.f32 v1, v30;
	v1 =	vld [tilespmem:$0x1FBB0];
	_ =	sdelay $0x4  }
0x1cd: {  	v56 =	vadd.f32 v2, v1;
	v1 =	vld [tilespmem:$0x1FBD0];
	_ =	sdelay $0x3  }
0x1ce: {  	v2 =	vld [tilespmem:$0x1FBF0]  }
0x1cf: {  	v50 =	vadd.f32 v1, v55;
	v1 =	vld [tilespmem:$0x1FBE0];
	_ =	sdelay $0x4  }
0x1d0: {  	[tilespmem:$0x9810] =	vst v57;
	v57 =	vadd.f32 v2, v1;
	v1 =	vld [tilespmem:$0x1FC00];
	_ =	sdelay $0x3  }
0x1d1: {  	v2 =	vld [tilespmem:$0x1FC20]  }
0x1d2: {  	v34 =	vadd.f32 v1, v56;
	v1 =	vld [tilespmem:$0x1FC10];
	_ =	sdelay $0x4  }
0x1d3: {  	v58 =	vadd.f32 v2, v1;
	v1 =	vld [tilespmem:$0x1FC30];
	_ =	sdelay $0x3  }
0x1d4: {  	v2 =	vld [tilespmem:$0x1FC50]  }
0x1d5: {  	[tilespmem:$0x9800] =	vst v31;
	v31 =	vadd.f32 v1, v57;
	v1 =	vld [tilespmem:$0x1FC40];
	_ =	sdelay $0x4  }
0x1d6: {  	v59 =	vadd.f32 v2, v1;
	v1 =	vld [tilespmem:$0x1FC60];
	_ =	sdelay $0x4  }
0x1d7: {  	[tilespmem:$0x98A0] =	vst v38;
	v38 =	vadd.f32 v1, v34;
	v1 =	vld [tilespmem:$0x1FC70];
	_ =	sdelay $0x4  }
0x1d8: {  	v54 =	vadd.f32 v1, v58;
	v1 =	vld [tilespmem:$0x1FC80];
	_ =	sdelay $0x4  }
0x1d9: {  	[tilespmem:$0x98B0] =	vst v39;
	v39 =	vadd.f32 v1, v31;
	v1 =	vld [tilespmem:$0x1FC90];
	_ =	sdelay $0x4  }
0x1da: {  	[tilespmem:$0x9890] =	vst v45;
	v45 =	vadd.f32 v1, v59;
	v1 =	vld [tilespmem:$0x1FCA0];
	_ =	sdelay $0x3  }
0x1db: {  	v2 =	vld [tilespmem:$0x1FCC0]  }
0x1dc: {  	[tilespmem:$0x98C0] =	vst v35;
	v35 =	vadd.f32 v1, v54;
	v1 =	vld [tilespmem:$0x1FCB0];
	_ =	sdelay $0x4  }
0x1dd: {  	v60 =	vadd.f32 v2, v1;
	v1 =	vld [tilespmem:$0x1FCD0];
	_ =	sdelay $0x3  }
0x1de: {  	v2 =	vld [tilespmem:$0x1FCF0]  }
0x1df: {  	[tilespmem:$0x98D0] =	vst v40;
	v40 =	vadd.f32 v1, v45;
	v1 =	vld [tilespmem:$0x1FCE0];
	_ =	sdelay $0x4  }
0x1e0: {  	v61 =	vadd.f32 v2, v1;
	v1 =	vld [tilespmem:$0x1FD00];
	_ =	sdelay $0x3  }
0x1e1: {  	v2 =	vld [tilespmem:$0x1FD20]  }
0x1e2: {  	v62 =	vadd.f32 v1, v60;
	v1 =	vld [tilespmem:$0x1FD10];
	_ =	sdelay $0x4  }
0x1e3: {  	v4 =	vadd.f32 v2, v1;
	v1 =	vld [tilespmem:$0x1FD30];
	_ =	sdelay $0x3  }
0x1e4: {  	v2 =	vld [tilespmem:$0x1FD50]  }
0x1e5: {  	v45 =	vadd.f32 v1, v61;
	v1 =	vld [tilespmem:$0x1FD40];
	_ =	sdelay $0x4  }
0x1e6: {  	v60 =	vadd.f32 v2, v1;
	v1 =	vld [tilespmem:$0x1FD60];
	_ =	sdelay $0x4  }
0x1e7: {  	[tilespmem:$0x9900] =	vst v36;
	v36 =	vadd.f32 v1, v62;
	v1 =	vld [tilespmem:$0x1FD70];
	_ =	sdelay $0x4  }
0x1e8: {  	v61 =	vadd.f32 v1, v4;
	v1 =	vld [tilespmem:$0x1FD80];
	_ =	sdelay $0x4  }
0x1e9: {  	[tilespmem:$0x9910] =	vst v41;
	v41 =	vadd.f32 v1, v45;
	v1 =	vld [tilespmem:$0x1FD90];
	_ =	sdelay $0x4  }
0x1ea: {  	v62 =	vadd.f32 v1, v60;
	v1 =	vld [tilespmem:$0x1FDA0];
	_ =	sdelay $0x3  }
0x1eb: {  	v2 =	vld [tilespmem:$0x1FDC0]  }
0x1ec: {  	[tilespmem:$0x9920] =	vst v42;
	v42 =	vadd.f32 v1, v61;
	v1 =	vld [tilespmem:$0x1FDB0]  }
0x1ed: {  	v5 =	vld [tilespmem:$0x93F0]  }
0x1ee: {  	v25 =	vld [tilespmem:$0x9340]  }
0x1ef: {  	v7 =	vld [tilespmem:$0x9500]  }
0x1f0: {  	v9 =	vld [tilespmem:$0x92E0]  }
0x1f1: {  	[tilespmem:$0x98E0] =	vst v46;
	v46 =	vadd.f32 v2, v1;
	v1 =	vld [tilespmem:$0x1FDD0]  }
0x1f2: {  	v6 =	vld [tilespmem:$0x9370]  }
0x1f3: {  	[tilespmem:$0x1FFD0] =	vst v25;
	v25 =	vld [tilespmem:$0x9350]  }
0x1f4: {  	v14 =	vld [tilespmem:$0x9360]  }
0x1f5: {  	v2 =	vld [tilespmem:$0x1FDF0]  }
0x1f6: {  	v45 =	vadd.f32 v1, v62;
	v1 =	vld [tilespmem:$0x1FDE0]  }
0x1f7: {  	v16 =	vld [tilespmem:$0x93A0]  }
0x1f8: {  	v10 =	vld [tilespmem:$0x9270]  }
0x1f9: {  	v13 =	vld [tilespmem:$0x9290]  }
0x1fa: {  	v24 =	vld [tilespmem:$0x9420]  }
0x1fb: {  	v4 =	vadd.f32 v2, v1;
	v1 =	vld [tilespmem:$0x1FE00]  }
0x1fc: {  	v20 =	vld [tilespmem:$0x9230]  }
0x1fd: {  	v15 =	vld [tilespmem:$0x92D0]  }
0x1fe: {  	[tilespmem:$0x1FEF0] =	vst v13;
	v13 =	vld [tilespmem:$0x9260]  }
0x1ff: {  	v2 =	vld [tilespmem:$0x1FE20]  }
0x200: {  	v46 =	vadd.f32 v1, v46;
	v1 =	vld [tilespmem:$0x1FE10]  }
0x201: {  	[tilespmem:$0x1FF40] =	vst v20;
	v20 =	vld [tilespmem:$0x9250]  }
0x202: {  	[tilespmem:$0x1FFA0] =	vst v16;
	v16 =	vld [tilespmem:$0x9480]  }
0x203: {  	v21 =	vld [tilespmem:$0x9410]  }
0x204: {  	v9 =	vadd.f32 v9, v13;
	v13 =	vld [tilespmem:$0x9790]  }
0x205: {  	[tilespmem:$0x9940] =	vst v48;
	v48 =	vadd.f32 v2, v1;
	v1 =	vld [tilespmem:$0x1FE30]  }
0x206: {  	v15 =	vadd.f32 v15, v20;
	v20 =	vld [tilespmem:$0x9710]  }
0x207: {  	v9 =	vadd.f32 v14, v9;
	v14 =	vld [tilespmem:$0x96A0]  }
0x208: {  	v11 =	vld [tilespmem:$0x9400]  }
0x209: {  	v2 =	vld [tilespmem:$0x1FE50]  }
0x20a: {  	[tilespmem:$0x9930] =	vst v47;
	v47 =	vadd.f32 v1, v4;
	v1 =	vld [tilespmem:$0x1FE40]  }
0x20b: {  	v8 =	vld [tilespmem:$0x9580]  }
0x20c: {  	v27 =	vld [tilespmem:$0x93D0]  }
0x20d: {  	v63 =	vld [tilespmem:$0x92C0]  }
0x20e: {  	v11 =	vadd.f32 v16, v11;
	v16 =	vld [tilespmem:$0x97A0]  }
0x20f: {  	v4 =	vadd.f32 v2, v1;
	v1 =	vld [tilespmem:$0x1FE60]  }
0x210: {  	v7 =	vadd.f32 v7, v11;
	v11 =	vld [tilespmem:$0x97B0]  }
0x211: {  	[tilespmem:$0x1FFF0] =	vst v27;
	v27 =	vld [tilespmem:$0x94A0]  }
0x212: {  	v19 =	vld [tilespmem:$0x93E0]  }
0x213: {  	v22 =	vld [tilespmem:$0x9490]  }
0x214: {  	v46 =	vadd.f32 v1, v46;
	v1 =	vld [tilespmem:$0x1FE70]  }
0x215: {  	[tilespmem:$0x9850] =	vst v32;
	v32 =	vld [tilespmem:$0x94B0]  }
0x216: {  	[tilespmem:$0x9870] =	vst v33;
	v33 =	vld [tilespmem:$0x9440]  }
0x217: {  	v26 =	vld [tilespmem:$0x9520]  }
0x218: {  	v12 =	vld [tilespmem:$0x92F0]  }
0x219: {  	v48 =	vadd.f32 v1, v48;
	v1 =	vld [tilespmem:$0x1FE80]  }
0x21a: {  	v9 =	vadd.f32 v19, v9;
	v19 =	vld [tilespmem:$0x9630]  }
0x21b: {  	[tilespmem:$0x9880] =	vst v28;
	v28 =	vld [tilespmem:$0x95B0]  }
0x21c: {  	v18 =	vld [tilespmem:$0x9510]  }
0x21d: {  	v10 =	vadd.f32 v12, v10;
	v12 =	vld [tilespmem:$0x9620]  }
0x21e: {  	v47 =	vadd.f32 v1, v47;
	v1 =	vld [tilespmem:$0x1FE90]  }
0x21f: {  	v6 =	vadd.f32 v6, v10;
	v10 =	vld [tilespmem:$0x9720]  }
0x220: {  	v29 =	vld [tilespmem:$0x9430]  }
0x221: {  	[tilespmem:$0x98F0] =	vst v51;
	v51 =	vld [tilespmem:$0x9460]  }
0x222: {  	v3 =	vld [tilespmem:$0x9600]  }
0x223: {  	[tilespmem:$0x9950] =	vst v49;
	v49 =	vadd.f32 v1, v4;
	v1 =	vld [tilespmem:$0x1FEA0]  }
0x224: {  	v17 =	vld [tilespmem:$0x9590]  }
0x225: {  	[tilespmem:$0x9960] =	vst v52;
	v52 =	vld [tilespmem:$0x94F0]  }
0x226: {  	v23 =	vld [tilespmem:$0x95A0]  }
0x227: {  	v2 =	vld [tilespmem:$0x1FEC0]  }
0x228: {  	[tilespmem:$0x9980] =	vst v37;
	v37 =	vadd.f32 v1, v48;
	v1 =	vld [tilespmem:$0x1FEB0]  }
0x229: {  	[tilespmem:$0x9970] =	vst v53;
	v53 =	vld [tilespmem:$0x9570]  }
0x22a: {  	v30 =	vld [tilespmem:$0x9530]  }
0x22b: {  	v55 =	vld [tilespmem:$0x94C0]  }
0x22c: {  	[tilespmem:$0x99B0] =	vst v50;
	v50 =	vld [tilespmem:$0x1FF50]  }
0x22d: {  	v48 =	vadd.f32 v2, v1;
	v1 =	vld [tilespmem:$0x1FED0]  }
0x22e: {  	v56 =	vld [tilespmem:$0x9450]  }
0x22f: {  	v57 =	vld [tilespmem:$0x94D0]  }
0x230: {  	v34 =	vld [tilespmem:$0x9540]  }
0x231: {  	v2 =	vld [tilespmem:$0x1FEF0]  }
0x232: {  	[tilespmem:$0x9990] =	vst v43;
	v43 =	vadd.f32 v1, v49;
	v1 =	vld [tilespmem:$0x1FEE0]  }
0x233: {  	[tilespmem:$0x99C0] =	vst v38;
	v38 =	vld [tilespmem:$0x1FF60]  }
0x234: {  	v58 =	vld [tilespmem:$0x9550]  }
0x235: {  	v31 =	vld [tilespmem:$0x95C0]  }
0x236: {  	[tilespmem:$0x99D0] =	vst v39;
	v39 =	vld [tilespmem:$0x1FF80]  }
0x237: {  	v49 =	vadd.f32 v2, v1;
	v1 =	vld [tilespmem:$0x1FF00]  }
0x238: {  	v59 =	vld [tilespmem:$0x94E0]  }
0x239: {  	v54 =	vld [tilespmem:$0x95D0]  }
0x23a: {  	[tilespmem:$0x99E0] =	vst v35;
	v35 =	vld [tilespmem:$0x1FFA0]  }
0x23b: {  	v2 =	vld [tilespmem:$0x1FF20]  }
0x23c: {  	[tilespmem:$0x99A0] =	vst v44;
	v44 =	vadd.f32 v1, v48;
	v1 =	vld [tilespmem:$0x1FF10]  }
0x23d: {  	[tilespmem:$0x99F0] =	vst v40;
	v40 =	vld [tilespmem:$0x1FFC0]  }
0x23e: {  	[tilespmem:$0x9A10] =	vst v41;
	v41 =	vld [tilespmem:$0x1FFF0]  }
0x23f: {  	v60 =	vld [tilespmem:$0x9560]  }
0x240: {  	v61 =	vld [tilespmem:$0x95E0]  }
0x241: {  	v48 =	vadd.f32 v2, v1;
	v2 =	vld [tilespmem:$0x1FF30]  }
0x242: {  	[tilespmem:$0x9A20] =	vst v42;
	v42 =	vadd.f32 v22, v21;
	v21 =	vld [tilespmem:$0x96B0]  }
0x243: {  	v22 =	vld [tilespmem:$0x9730]  }
0x244: {  	v5 =	vadd.f32 v5, v6;
	v6 =	vadd.f32 v18, v42;
	v18 =	vld [tilespmem:$0x9640]  }
0x245: {  	v38 =	vadd.f32 v38, v44;
	v44 =	vld [tilespmem:$0x1FF70]  }
0x246: {  	v49 =	vadd.f32 v2, v49;
	v2 =	vld [tilespmem:$0x1FF40]  }
0x247: {  	v42 =	vld [tilespmem:$0x9750]  }
0x248: {  	[tilespmem:$0x9A30] =	vst v45;
	v45 =	vadd.f32 v32, v29;
	v39 =	vadd.f32 v39, v49;
	v49 =	vld [tilespmem:$0x1FF90]  }
0x249: {  	v62 =	vld [tilespmem:$0x9470]  }
0x24a: {  	v7 =	vadd.f32 v8, v7;
	[tilespmem:$0x9A50] =	vst v47;
	v47 =	vadd.f32 v30, v45;
	v45 =	vld [tilespmem:$0x9660]  }
0x24b: {  	v4 =	vld [tilespmem:$0x95F0];
	v44 =	vadd.f32 v44, v48;
	v50 =	vadd.f32 v50, v2  }
0x24c: {  	v15 =	vadd.f32 v25, v15;
	[tilespmem:$0x9B00] =	vst v7;
	v57 =	vadd.f32 v57, v56;
	v1 =	vld [tilespmem:$0x9680]  }
0x24d: {  	[tilespmem:$0x9AE0] =	vst v9;
	v35 =	vadd.f32 v35, v44;
	v44 =	vld [tilespmem:$0x1FFB0];
	v49 =	vadd.f32 v49, v50  }
0x24e: {  	[tilespmem:$0x9AF0] =	vst v5;
	v15 =	vadd.f32 v41, v15;
	v6 =	vadd.f32 v17, v6;
	v48 =	vld [tilespmem:$0x9780]  }
0x24f: {  	[tilespmem:$0x9A00] =	vst v36;
	v32 =	vadd.f32 v59, v51;
	v40 =	vadd.f32 v40, v49;
	v49 =	vld [tilespmem:$0x1FFD0]  }
0x250: {  	[tilespmem:$0x9AD0] =	vst v15;
	v17 =	vadd.f32 v28, v47;
	v47 =	vadd.f32 v21, v19;
	v2 =	vld [tilespmem:$0x9700]  }
0x251: {  	[tilespmem:$0x9A80] =	vst v38;
	v38 =	vadd.f32 v60, v32;
	v1 =	vadd.f32 v1, v3;
	v3 =	vld [tilespmem:$0x97D0]  }
0x252: {  	[tilespmem:$0x9AA0] =	vst v35;
	v35 =	vadd.f32 v52, v62;
	v44 =	vadd.f32 v63, v44;
	v63 =	vld [tilespmem:$0x9690]  }
0x253: {  	[tilespmem:$0x9A70] =	vst v43;
	v43 =	vadd.f32 v61, v38;
	v52 =	vadd.f32 v22, v47;
	v50 =	vld [tilespmem:$0x9610]  }
0x254: {  	[tilespmem:$0x9B10] =	vst v6;
	v41 =	vadd.f32 v53, v35;
	v36 =	vadd.f32 v49, v44;
	v49 =	vld [tilespmem:$0x1FFE0]  }
0x255: {  	[tilespmem:$0x9A40] =	vst v46;
	v53 =	vld [tilespmem:$0x9760];
	v1 =	vadd.f32 v2, v1;
	v2 =	vadd.f32 v14, v12  }
0x256: {  	v56 =	vadd.f32 v11, v52;
	[tilespmem:$0x9A90] =	vst v39;
	v39 =	vld [tilespmem:$0x96D0];
	v44 =	vadd.f32 v27, v24  }
0x257: {  	[tilespmem:$0x9B30] =	vst v17;
	v4 =	vadd.f32 v4, v41;
	v2 =	vadd.f32 v10, v2;
	v27 =	vld [tilespmem:$0x9740]  }
0x258: {  	[tilespmem:$0x9A60] =	vst v37;
	v46 =	vadd.f32 v26, v44;
	v44 =	vadd.f32 v63, v50;
	v50 =	vld [tilespmem:$0x96F0]  }
0x259: {  	[tilespmem:$0x9B60] =	vst v43;
	v25 =	vadd.f32 v49, v36;
	v49 =	vadd.f32 v55, v33;
	v55 =	vld [tilespmem:$0x96C0]  }
0x25a: {  	[tilespmem:$0x9BB0] =	vst v56;
	v1 =	vadd.f32 v48, v1;
	v2 =	vadd.f32 v16, v2;
	v36 =	vld [tilespmem:$0x9650]  }
0x25b: {  	[tilespmem:$0x9B70] =	vst v4;
	v8 =	vadd.f32 v23, v46;
	v46 =	vld [tilespmem:$0x96E0];
	v6 =	vadd.f32 v20, v44  }
0x25c: {  	[tilespmem:$0x9AB0] =	vst v40;
	v23 =	vadd.f32 v34, v49;
	v34 =	vadd.f32 v58, v57;
	v49 =	vld [tilespmem:$0x9670]  }
0x25d: {  	[tilespmem:$0x9B80] =	vst v1;
	v33 =	vld [tilespmem:$0x97C0];
	v51 =	vadd.f32 v13, v6  }
0x25e: {  	[tilespmem:$0x9BA0] =	vst v2;
	v40 =	vadd.f32 v54, v34;
	v54 =	vadd.f32 v55, v18;
	v55 =	vld [tilespmem:$0x9770]  }
0x25f: {  	[tilespmem:$0x9B20] =	vst v8;
	v58 =	vld [tilespmem:$0x97E0];
	v37 =	vadd.f32 v31, v23;
	v57 =	vadd.f32 v39, v36  }
0x260: {  	v60 =	vld [tilespmem:$0x97F0];
	[tilespmem:$0x9AC0] =	vst v25;
	v59 =	vadd.f32 v46, v45;
	v1 =	vadd.f32 v27, v54  }
0x261: {  	[tilespmem:$0x9B90] =	vst v51;
	v61 =	vadd.f32 v42, v57;
	v62 =	vadd.f32 v50, v49  }
0x262: {  	[tilespmem:$0x9B40] =	vst v37;
	v2 =	vadd.f32 v53, v59;
	v1 =	vadd.f32 v33, v1  }
0x263: {  	[tilespmem:$0x9B50] =	vst v40;
	v3 =	vadd.f32 v3, v61;
	v63 =	vadd.f32 v55, v62  }
0x264: {  	[tilespmem:$0x9BC0] =	vst v1;
	v1 =	vadd.f32 v58, v2  }
0x265: {  	s6 =	sadd.s32 $0xFFFFFFFF, s6;
	[tilespmem:$0x9BD0] =	vst v3;
	v2 =	vadd.f32 v60, v63  }
0x266: {  	p1 =	sne.s32 s6, $0x0;
	[tilespmem:$0x9BE0] =	vst v1  }
.Ltmp0:
0x267: {  	s31 =	rddreg [dreg:$0xd];
	[tilespmem:$0x9BF0] =	vst v2;
	(pc) =	sbr.rel @p1 .LBB2_1-.Ltmp0, $4  }
0x268: {  	[hbm4b:s31+s3] =	stream.linear.scatter [tilespmem:s30], [sflag:$0x3], $0x400, $0x38;
	[tilespmem:$0xAC80] =	vst v63  }
0x269: {  	_ =	swait.ge [sflag:s17], $0x400  }
0x26a: {  	[sflag:s17] =	ssyncset.done $0x0  }
0x26b: {  	[sflag:s17] =	ssyncadd.s32 $0xFFFFFC00  }
0x26c: {  	_ =	sfence.sel $0x180000  }
0x26d: {  	[bflag:$0x0] =	sbarrier.arrive $0xFFFF  }
0x26e: {  	_ =	strace $0x90000047  }
0x26f: {  	[bflag:$0x2] =	sbarrier.arrive $0xFFFF  }
0x270: {  	p0 =	sne.s32 s0, $0x0;
	s0 =	rddreg [dreg:$0x4]  }
0x271: {  	s0 =	sadd.s32 @!p0 $0x100000, s0  }
0x272: {  	[sflag:s0] =	ssyncadd.tile.s32 @!p0 $0x1;
	_ =	shalt  }
.Lfunc_end2:
_tile_overlayer_lowered:
.L_overlay_start_2:
0x273: {  	(tag) =	ssettag $0x2  }
0x274: {  	s0 =	rddreg [dreg:$0x0];
	s2 =	stileid.u32  }
0x275: {  	s1 =	rddreg [dreg:$0x1];
	p0 =	sne.s32 s2, $0x0  }
0x276: {  	s3 =	rddreg [dreg:$0x2];
	[bflag:$0x3] =	sbarrier.arrive $0xFFFF;
	s2 =	simm.s32 @!p0 $0x1C03  }
0x277: {  	[timem:s3], [sflag:s2] =	dma.local @!p0 [hbm:s0], s1  }
0x278: {  	s0 =	simm.s32 @!p0 $0x3  }
0x279: {  	_ =	swait.ge @!p0 [sflag:s0], s1  }
0x27a: {  	s1 =	ssub.s32 @!p0 $0x0, s1;
	[sflag:s0] =	ssyncset.done @!p0 $0x0  }
0x27b: {  	[sflag:s0] =	ssyncadd.s32 @!p0 s1  }
0x27c: {  	[bflag:$0x3] =	sbarrier.arrive $0xFFFF  }
0x27d: {  	_ =	shalt  }

</sc_bundles>
